<compile_context>
chip_gen: v7x
topology: tpu7x:2x2x1
jax: 0.10.2.dev20260603
libtpu: 0.0.44.dev20260713+nightly
codegen_flags: <defaults>
</compile_context>

<pallas_src>
import jax
import jax.numpy as jnp
from jax import lax
from jax.experimental import pallas as pl
from jax.experimental.pallas import tpu as pltpu
from jax.experimental.pallas import tpu_sc as plsc

NUM_RELS = 1315
NUM_ENTITIES = 1000000
EMB_DIM = 64
BATCH = 16384

NC = 2
NS = 16
NW = NC * NS
L = 16

PER_W = BATCH // NW
CHUNK = 128
NCHUNK = PER_W // CHUNK
NGROUP = CHUNK // L


def _rsqrt_nr(x):
    i = lax.bitcast_convert_type(x, jnp.int32)
    z = lax.bitcast_convert_type(
        jnp.int32(0x5F3759DF) - lax.shift_right_arithmetic(i, 1), jnp.float32)
    for _ in range(3):
        z = z * (1.5 - 0.5 * x * z * z)
    return z


def _body(h_hbm, e_hbm, t_hbm, n_hbm, ent_hbm, rel_hbm,
          pos_hbm, neg_hbm,
          hi, ei, ti, ni, hrows, rrows, trows, nrows,
          posv, negv, sem):
    wid = lax.axis_index("s") * NC + lax.axis_index("c")
    base = wid * PER_W

    def chunk_body(ci, carry):
        off = base + ci * CHUNK
        pltpu.sync_copy(h_hbm.at[pl.ds(off, CHUNK)], hi)
        pltpu.sync_copy(e_hbm.at[pl.ds(off, CHUNK)], ei)
        pltpu.sync_copy(t_hbm.at[pl.ds(off, CHUNK)], ti)
        pltpu.sync_copy(n_hbm.at[pl.ds(off, CHUNK)], ni)
        cp_h = pltpu.async_copy(ent_hbm.at[hi], hrows, sem)
        cp_r = pltpu.async_copy(rel_hbm.at[ei], rrows, sem)
        cp_t = pltpu.async_copy(ent_hbm.at[ti], trows, sem)
        cp_n = pltpu.async_copy(ent_hbm.at[ni], nrows, sem)
        cp_h.wait(); cp_r.wait(); cp_t.wait(); cp_n.wait()

        def group_body(g, carry2):
            rbase = g * L
            lane = lax.iota(jnp.int32, L)
            A = jnp.zeros((L,), jnp.float32)
            An = jnp.zeros((L,), jnp.float32)
            B = jnp.zeros((L,), jnp.float32)
            Bn = jnp.zeros((L,), jnp.float32)
            C = jnp.zeros((L,), jnp.float32)
            for r in range(L):
                row = rbase + r
                apos = jnp.zeros((L,), jnp.float32)
                aneg = jnp.zeros((L,), jnp.float32)
                bpos = jnp.zeros((L,), jnp.float32)
                bneg = jnp.zeros((L,), jnp.float32)
                cacc = jnp.zeros((L,), jnp.float32)
                for k in range(EMB_DIM // L):
                    hk = hrows[row, pl.ds(k * L, L)]
                    rk = rrows[row, pl.ds(k * L, L)]
                    tk = trows[row, pl.ds(k * L, L)]
                    nk = nrows[row, pl.ds(k * L, L)]
                    dp = hk - tk
                    dn = hk - nk
                    apos = apos + dp * dp
                    aneg = aneg + dn * dn
                    bpos = bpos + rk * dp
                    bneg = bneg + rk * dn
                    cacc = cacc + rk * rk
                m = lane == r
                A = jnp.where(m, jnp.sum(apos), A)
                An = jnp.where(m, jnp.sum(aneg), An)
                B = jnp.where(m, jnp.sum(bpos), B)
                Bn = jnp.where(m, jnp.sum(bneg), Bn)
                C = jnp.where(m, jnp.sum(cacc), C)

            s = jnp.minimum(_rsqrt_nr(C), 1.0)
            sc = s * C
            psq = jnp.maximum(A + s * (2.0 * B + sc), 0.0)
            nsq = jnp.maximum(An + s * (2.0 * Bn + sc), 0.0)
            obase = ci * CHUNK + rbase
            posv[pl.ds(obase, L)] = psq * _rsqrt_nr(psq)
            negv[pl.ds(obase, L)] = nsq * _rsqrt_nr(nsq)
            return carry2

        return lax.fori_loop(0, NGROUP, group_body, carry)

    lax.fori_loop(0, NCHUNK, chunk_body, 0)

    pltpu.sync_copy(posv, pos_hbm.at[pl.ds(base, PER_W)])
    pltpu.sync_copy(negv, neg_hbm.at[pl.ds(base, PER_W)])


def kernel(h_id, e_id, t_id, neg_id, entity_emb, rel_emb):
    mesh = plsc.VectorSubcoreMesh(core_axis_name="c", subcore_axis_name="s")
    f32 = jnp.float32
    run = pl.kernel(
        _body,
        out_type=(jax.ShapeDtypeStruct((BATCH,), f32),
                  jax.ShapeDtypeStruct((BATCH,), f32)),
        mesh=mesh,
        compiler_params=pltpu.CompilerParams(needs_layout_passes=False,
                                             use_tc_tiling_on_sc=False),
        scratch_types=[
            pltpu.VMEM((CHUNK,), jnp.int32),
            pltpu.VMEM((CHUNK,), jnp.int32),
            pltpu.VMEM((CHUNK,), jnp.int32),
            pltpu.VMEM((CHUNK,), jnp.int32),
            pltpu.VMEM((CHUNK, EMB_DIM), f32),
            pltpu.VMEM((CHUNK, EMB_DIM), f32),
            pltpu.VMEM((CHUNK, EMB_DIM), f32),
            pltpu.VMEM((CHUNK, EMB_DIM), f32),
            pltpu.VMEM((PER_W,), f32),
            pltpu.VMEM((PER_W,), f32),
            pltpu.SemaphoreType.DMA,
        ],
    )
    pos, neg = run(h_id.astype(jnp.int32), e_id.astype(jnp.int32),
                   t_id.astype(jnp.int32), neg_id.astype(jnp.int32),
                   entity_emb, rel_emb)
    return pos, neg

# --- scband reference (transcript-rebuilt; emitter-appended) ---
"""Pipeline reference for scband-trans-e-33260226740290 (READ-ONLY COPY).

The authoritative reference and input builder live on the scoring server;
editing this copy changes nothing except your own understanding.
"""

import jax, jax.numpy as jnp
import numpy as np

NUM_RELS = 1315
NUM_ENTITIES = 1000000
EMB_DIM = 64
BATCH = 16384

def setup_inputs(seed: int = 0) -> dict:
    key = jax.random.key(seed)
    k1, k2, k3, k4, k5, k6 = jax.random.split(key, 6)
    h_id = jax.random.randint(k1, (BATCH,), 0, NUM_ENTITIES, dtype=jnp.int64 if jax.config.jax_enable_x64 else jnp.int32)
    e_id = jax.random.randint(k2, (BATCH,), 0, NUM_RELS, dtype=jnp.int64 if jax.config.jax_enable_x64 else jnp.int32)
    t_id = jax.random.randint(k3, (BATCH,), 0, NUM_ENTITIES, dtype=jnp.int64 if jax.config.jax_enable_x64 else jnp.int32)
    neg_id = jax.random.randint(k4, (BATCH,), 0, NUM_ENTITIES, dtype=jnp.int64 if jax.config.jax_enable_x64 else jnp.int32)
    bound = 6.0 / np.sqrt(EMB_DIM)
    rel_emb = jax.random.uniform(k5, (NUM_RELS, EMB_DIM), dtype=jnp.float32, minval=-bound, maxval=bound)
    entity_emb = jax.random.normal(k6, (NUM_ENTITIES, EMB_DIM), dtype=jnp.float32)
    return {"h_id": h_id, "e_id": e_id, "t_id": t_id, "neg_id": neg_id, "entity_emb": entity_emb, "rel_emb": rel_emb}

def _max_norm_lookup(table, idx, max_norm=1.0):
    # torch Embedding(max_norm=1): rows with norm > max_norm are renormalized at lookup
    rows = jnp.take(table, idx, axis=0)
    n = jnp.linalg.norm(rows, axis=1, keepdims=True)
    scale = jnp.where(n > max_norm, max_norm / n, 1.0)
    return rows * scale

def reference(h_id, e_id, t_id, neg_id, entity_emb, rel_emb):
    h_emb = jnp.take(entity_emb, h_id, axis=0)
    r_emb = _max_norm_lookup(rel_emb, e_id, 1.0)
    t_emb = jnp.take(entity_emb, t_id, axis=0)
    neg_emb = jnp.take(entity_emb, neg_id, axis=0)
    pos_score = jnp.linalg.norm(h_emb + r_emb - t_emb, axis=1)
    # original picks corruption side at random; fix to head-side corruption (deterministic)
    neg_score = jnp.linalg.norm(h_emb + r_emb - neg_emb, axis=1)
    return (pos_score, neg_score)

if __name__ == "__main__":
    import jax
    _d = setup_inputs()
    print(jax.jit(kernel)(*tuple(_d.values())))

</pallas_src>

<mosaic_0001>
#map = affine_map<(d0, d1) -> (0)>
#map1 = affine_map<(d0, d1) -> (0, 0)>
module attributes {stable_mosaic.version = 14 : i64} {
  func.func @_body(%arg0: i32, %arg1: i32, %arg2: memref<16384xi32, #tpu.memory_space<hbm>>, %arg3: memref<16384xi32, #tpu.memory_space<hbm>>, %arg4: memref<16384xi32, #tpu.memory_space<hbm>>, %arg5: memref<16384xi32, #tpu.memory_space<hbm>>, %arg6: memref<1000000x64xf32, #tpu.memory_space<hbm>>, %arg7: memref<1315x64xf32, #tpu.memory_space<hbm>>, %arg8: memref<16384xf32, #tpu.memory_space<hbm>>, %arg9: memref<16384xf32, #tpu.memory_space<hbm>>, %arg10: memref<128xi32, #tpu.memory_space<vmem>>, %arg11: memref<128xi32, #tpu.memory_space<vmem>>, %arg12: memref<128xi32, #tpu.memory_space<vmem>>, %arg13: memref<128xi32, #tpu.memory_space<vmem>>, %arg14: memref<128x64xf32, #tpu.memory_space<vmem>>, %arg15: memref<128x64xf32, #tpu.memory_space<vmem>>, %arg16: memref<128x64xf32, #tpu.memory_space<vmem>>, %arg17: memref<128x64xf32, #tpu.memory_space<vmem>>, %arg18: memref<512xf32, #tpu.memory_space<vmem>>, %arg19: memref<512xf32, #tpu.memory_space<vmem>>, %arg20: memref<!tpu.dma_semaphore, #tpu.memory_space<semaphore_mem>>) attributes {dimension_semantics = [#tpu.dimension_semantics<core_parallel>, #tpu.dimension_semantics<subcore_parallel>], iteration_bounds = array<i64: 2, 16>, scalar_prefetch = 0 : i64, scratch_operands = 11 : i64, tpu.core_type = #tpu.core_type<sc_vector_subcore>, window_params = [{transform_indices = #map}, {transform_indices = #map}, {transform_indices = #map}, {transform_indices = #map}, {transform_indices = #map1}, {transform_indices = #map1}, {transform_indices = #map}, {transform_indices = #map}]} {
    %mul3A = arith.constant 2 : i32
    %mul3A_0 = arith.muli %arg1, %mul3A : i32
    %add3A = arith.addi %mul3A_0, %arg0 : i32
    %mul3A_1 = arith.constant 512 : i32
    %mul3A_2 = arith.muli %add3A, %mul3A_1 : i32
    %scan3A = arith.constant 0 : i32
    %scan3A_3 = arith.constant 0 : i32
    %scan3A_4 = arith.constant 4 : i32
    %scan3A_5 = arith.addi %scan3A_3, %scan3A_4 : i32
    %scan3A_6 = arith.constant 1 : i32
    scf.for %scan3A_8 = %scan3A_3 to %scan3A_5 step %scan3A_6  : i32 {
      %mul3A_9 = arith.constant 128 : i32
      %mul3A_10 = arith.muli %scan3A_8, %mul3A_9 : i32
      %add3A_11 = arith.addi %mul3A_2, %mul3A_10 : i32
      "tpu.region"() ({
        %run_scoped3A = tpu.sem_alloc : memref<!tpu.dma_semaphore, #tpu.memory_space<semaphore_mem>>
        %dma_start3A_39 = tpu.memref_slice %arg2[%add3A_11] : memref<16384xi32, #tpu.memory_space<hbm>> -> memref<128xi32, #tpu.memory_space<hbm>>
        %dma_start3A_40 = tpu.memref_slice %arg2[%add3A_11] : memref<16384xi32, #tpu.memory_space<hbm>> -> memref<128xi32, #tpu.memory_space<hbm>>
        tpu.enqueue_dma source(%dma_start3A_40 : memref<128xi32, #tpu.memory_space<hbm>>) target(%arg10 : memref<128xi32, #tpu.memory_space<vmem>>) target_semaphore(%run_scoped3A : memref<!tpu.dma_semaphore, #tpu.memory_space<semaphore_mem>>)
        %dma_wait3A_41 = tpu.memref_slice %arg2[%add3A_11] : memref<16384xi32, #tpu.memory_space<hbm>> -> memref<128xi32, #tpu.memory_space<hbm>>
        %dma_wait3A_42 = tpu.memref_slice %arg2[%add3A_11] : memref<16384xi32, #tpu.memory_space<hbm>> -> memref<128xi32, #tpu.memory_space<hbm>>
        tpu.wait_dma2 semaphore(%run_scoped3A : memref<!tpu.dma_semaphore, #tpu.memory_space<semaphore_mem>>) src(%dma_wait3A_42 : memref<128xi32, #tpu.memory_space<hbm>>) dst(%arg10 : memref<128xi32, #tpu.memory_space<vmem>>)
        tpu.yield
      }) : () -> ()
      "tpu.region"() ({
        %run_scoped3A = tpu.sem_alloc : memref<!tpu.dma_semaphore, #tpu.memory_space<semaphore_mem>>
        %dma_start3A_39 = tpu.memref_slice %arg3[%add3A_11] : memref<16384xi32, #tpu.memory_space<hbm>> -> memref<128xi32, #tpu.memory_space<hbm>>
        %dma_start3A_40 = tpu.memref_slice %arg3[%add3A_11] : memref<16384xi32, #tpu.memory_space<hbm>> -> memref<128xi32, #tpu.memory_space<hbm>>
        tpu.enqueue_dma source(%dma_start3A_40 : memref<128xi32, #tpu.memory_space<hbm>>) target(%arg11 : memref<128xi32, #tpu.memory_space<vmem>>) target_semaphore(%run_scoped3A : memref<!tpu.dma_semaphore, #tpu.memory_space<semaphore_mem>>)
        %dma_wait3A_41 = tpu.memref_slice %arg3[%add3A_11] : memref<16384xi32, #tpu.memory_space<hbm>> -> memref<128xi32, #tpu.memory_space<hbm>>
        %dma_wait3A_42 = tpu.memref_slice %arg3[%add3A_11] : memref<16384xi32, #tpu.memory_space<hbm>> -> memref<128xi32, #tpu.memory_space<hbm>>
        tpu.wait_dma2 semaphore(%run_scoped3A : memref<!tpu.dma_semaphore, #tpu.memory_space<semaphore_mem>>) src(%dma_wait3A_42 : memref<128xi32, #tpu.memory_space<hbm>>) dst(%arg11 : memref<128xi32, #tpu.memory_space<vmem>>)
        tpu.yield
      }) : () -> ()
      "tpu.region"() ({
        %run_scoped3A = tpu.sem_alloc : memref<!tpu.dma_semaphore, #tpu.memory_space<semaphore_mem>>
        %dma_start3A_39 = tpu.memref_slice %arg4[%add3A_11] : memref<16384xi32, #tpu.memory_space<hbm>> -> memref<128xi32, #tpu.memory_space<hbm>>
        %dma_start3A_40 = tpu.memref_slice %arg4[%add3A_11] : memref<16384xi32, #tpu.memory_space<hbm>> -> memref<128xi32, #tpu.memory_space<hbm>>
        tpu.enqueue_dma source(%dma_start3A_40 : memref<128xi32, #tpu.memory_space<hbm>>) target(%arg12 : memref<128xi32, #tpu.memory_space<vmem>>) target_semaphore(%run_scoped3A : memref<!tpu.dma_semaphore, #tpu.memory_space<semaphore_mem>>)
        %dma_wait3A_41 = tpu.memref_slice %arg4[%add3A_11] : memref<16384xi32, #tpu.memory_space<hbm>> -> memref<128xi32, #tpu.memory_space<hbm>>
        %dma_wait3A_42 = tpu.memref_slice %arg4[%add3A_11] : memref<16384xi32, #tpu.memory_space<hbm>> -> memref<128xi32, #tpu.memory_space<hbm>>
        tpu.wait_dma2 semaphore(%run_scoped3A : memref<!tpu.dma_semaphore, #tpu.memory_space<semaphore_mem>>) src(%dma_wait3A_42 : memref<128xi32, #tpu.memory_space<hbm>>) dst(%arg12 : memref<128xi32, #tpu.memory_space<vmem>>)
        tpu.yield
      }) : () -> ()
      "tpu.region"() ({
        %run_scoped3A = tpu.sem_alloc : memref<!tpu.dma_semaphore, #tpu.memory_space<semaphore_mem>>
        %dma_start3A_39 = tpu.memref_slice %arg5[%add3A_11] : memref<16384xi32, #tpu.memory_space<hbm>> -> memref<128xi32, #tpu.memory_space<hbm>>
        %dma_start3A_40 = tpu.memref_slice %arg5[%add3A_11] : memref<16384xi32, #tpu.memory_space<hbm>> -> memref<128xi32, #tpu.memory_space<hbm>>
        tpu.enqueue_dma source(%dma_start3A_40 : memref<128xi32, #tpu.memory_space<hbm>>) target(%arg13 : memref<128xi32, #tpu.memory_space<vmem>>) target_semaphore(%run_scoped3A : memref<!tpu.dma_semaphore, #tpu.memory_space<semaphore_mem>>)
        %dma_wait3A_41 = tpu.memref_slice %arg5[%add3A_11] : memref<16384xi32, #tpu.memory_space<hbm>> -> memref<128xi32, #tpu.memory_space<hbm>>
        %dma_wait3A_42 = tpu.memref_slice %arg5[%add3A_11] : memref<16384xi32, #tpu.memory_space<hbm>> -> memref<128xi32, #tpu.memory_space<hbm>>
        tpu.wait_dma2 semaphore(%run_scoped3A : memref<!tpu.dma_semaphore, #tpu.memory_space<semaphore_mem>>) src(%dma_wait3A_42 : memref<128xi32, #tpu.memory_space<hbm>>) dst(%arg13 : memref<128xi32, #tpu.memory_space<vmem>>)
        tpu.yield
      }) : () -> ()
      %dma_start3A = arith.constant 0 : i32
      %dma_start3A_12 = arith.constant 0 : i32
      %dma_start3A_13 = tpu.memref_slice %arg6[%dma_start3A, %dma_start3A_12] : memref<1000000x64xf32, #tpu.memory_space<hbm>> -> memref<1000000x64xf32, #tpu.memory_space<hbm>>
      tpu.enqueue_indirect_dma source(%dma_start3A_13 : memref<1000000x64xf32, #tpu.memory_space<hbm>>) target(%arg14 : memref<128x64xf32, #tpu.memory_space<vmem>>) offsets(%arg10 : memref<128xi32, #tpu.memory_space<vmem>>) semaphore(%arg20 : memref<!tpu.dma_semaphore, #tpu.memory_space<semaphore_mem>>)
      %dma_start3A_14 = arith.constant 0 : i32
      %dma_start3A_15 = arith.constant 0 : i32
      %dma_start3A_16 = tpu.memref_slice %arg7[%dma_start3A_14, %dma_start3A_15] : memref<1315x64xf32, #tpu.memory_space<hbm>> -> memref<1315x64xf32, #tpu.memory_space<hbm>>
      tpu.enqueue_indirect_dma source(%dma_start3A_16 : memref<1315x64xf32, #tpu.memory_space<hbm>>) target(%arg15 : memref<128x64xf32, #tpu.memory_space<vmem>>) offsets(%arg11 : memref<128xi32, #tpu.memory_space<vmem>>) semaphore(%arg20 : memref<!tpu.dma_semaphore, #tpu.memory_space<semaphore_mem>>)
      %dma_start3A_17 = arith.constant 0 : i32
      %dma_start3A_18 = arith.constant 0 : i32
      %dma_start3A_19 = tpu.memref_slice %arg6[%dma_start3A_17, %dma_start3A_18] : memref<1000000x64xf32, #tpu.memory_space<hbm>> -> memref<1000000x64xf32, #tpu.memory_space<hbm>>
      tpu.enqueue_indirect_dma source(%dma_start3A_19 : memref<1000000x64xf32, #tpu.memory_space<hbm>>) target(%arg16 : memref<128x64xf32, #tpu.memory_space<vmem>>) offsets(%arg12 : memref<128xi32, #tpu.memory_space<vmem>>) semaphore(%arg20 : memref<!tpu.dma_semaphore, #tpu.memory_space<semaphore_mem>>)
      %dma_start3A_20 = arith.constant 0 : i32
      %dma_start3A_21 = arith.constant 0 : i32
      %dma_start3A_22 = tpu.memref_slice %arg6[%dma_start3A_20, %dma_start3A_21] : memref<1000000x64xf32, #tpu.memory_space<hbm>> -> memref<1000000x64xf32, #tpu.memory_space<hbm>>
      tpu.enqueue_indirect_dma source(%dma_start3A_22 : memref<1000000x64xf32, #tpu.memory_space<hbm>>) target(%arg17 : memref<128x64xf32, #tpu.memory_space<vmem>>) offsets(%arg13 : memref<128xi32, #tpu.memory_space<vmem>>) semaphore(%arg20 : memref<!tpu.dma_semaphore, #tpu.memory_space<semaphore_mem>>)
      %dma_wait3A = arith.constant 0 : i32
      %dma_wait3A_23 = arith.constant 0 : i32
      %dma_wait3A_24 = tpu.memref_slice %arg6[%dma_wait3A, %dma_wait3A_23] : memref<1000000x64xf32, #tpu.memory_space<hbm>> -> memref<1000000x64xf32, #tpu.memory_space<hbm>>
      tpu.wait_indirect_dma semaphore(%arg20 : memref<!tpu.dma_semaphore, #tpu.memory_space<semaphore_mem>>) src(%dma_wait3A_24 : memref<1000000x64xf32, #tpu.memory_space<hbm>>) dst(%arg14 : memref<128x64xf32, #tpu.memory_space<vmem>>)
      %dma_wait3A_25 = arith.constant 0 : i32
      %dma_wait3A_26 = arith.constant 0 : i32
      %dma_wait3A_27 = tpu.memref_slice %arg7[%dma_wait3A_25, %dma_wait3A_26] : memref<1315x64xf32, #tpu.memory_space<hbm>> -> memref<1315x64xf32, #tpu.memory_space<hbm>>
      tpu.wait_indirect_dma semaphore(%arg20 : memref<!tpu.dma_semaphore, #tpu.memory_space<semaphore_mem>>) src(%dma_wait3A_27 : memref<1315x64xf32, #tpu.memory_space<hbm>>) dst(%arg15 : memref<128x64xf32, #tpu.memory_space<vmem>>)
      %dma_wait3A_28 = arith.constant 0 : i32
      %dma_wait3A_29 = arith.constant 0 : i32
      %dma_wait3A_30 = tpu.memref_slice %arg6[%dma_wait3A_28, %dma_wait3A_29] : memref<1000000x64xf32, #tpu.memory_space<hbm>> -> memref<1000000x64xf32, #tpu.memory_space<hbm>>
      tpu.wait_indirect_dma semaphore(%arg20 : memref<!tpu.dma_semaphore, #tpu.memory_space<semaphore_mem>>) src(%dma_wait3A_30 : memref<1000000x64xf32, #tpu.memory_space<hbm>>) dst(%arg16 : memref<128x64xf32, #tpu.memory_space<vmem>>)
      %dma_wait3A_31 = arith.constant 0 : i32
      %dma_wait3A_32 = arith.constant 0 : i32
      %dma_wait3A_33 = tpu.memref_slice %arg6[%dma_wait3A_31, %dma_wait3A_32] : memref<1000000x64xf32, #tpu.memory_space<hbm>> -> memref<1000000x64xf32, #tpu.memory_space<hbm>>
      tpu.wait_indirect_dma semaphore(%arg20 : memref<!tpu.dma_semaphore, #tpu.memory_space<semaphore_mem>>) src(%dma_wait3A_33 : memref<1000000x64xf32, #tpu.memory_space<hbm>>) dst(%arg17 : memref<128x64xf32, #tpu.memory_space<vmem>>)
      %scan3A_34 = arith.constant 0 : i32
      %scan3A_35 = arith.constant 8 : i32
      %scan3A_36 = arith.addi %scan3A_34, %scan3A_35 : i32
      %scan3A_37 = arith.constant 1 : i32
      scf.for %scan3A_39 = %scan3A_34 to %scan3A_36 step %scan3A_37  : i32 {
        %mul3A_40 = arith.constant 16 : i32
        %mul3A_41 = arith.muli %scan3A_39, %mul3A_40 : i32
        %iota3A = tpu.iota {dimensions = array<i32: 0>} : vector<16xi32>
        %broadcast_in_dim3A = arith.constant 0.000000e+00 : f32
        %broadcast_in_dim3A_42 = vector.broadcast %broadcast_in_dim3A : f32 to vector<16xf32>
        %broadcast_in_dim3A_43 = arith.constant 0.000000e+00 : f32
        %broadcast_in_dim3A_44 = vector.broadcast %broadcast_in_dim3A_43 : f32 to vector<16xf32>
        %broadcast_in_dim3A_45 = arith.constant 0.000000e+00 : f32
        %broadcast_in_dim3A_46 = vector.broadcast %broadcast_in_dim3A_45 : f32 to vector<16xf32>
        %broadcast_in_dim3A_47 = arith.constant 0.000000e+00 : f32
        %broadcast_in_dim3A_48 = vector.broadcast %broadcast_in_dim3A_47 : f32 to vector<16xf32>
        %broadcast_in_dim3A_49 = arith.constant 0.000000e+00 : f32
        %broadcast_in_dim3A_50 = vector.broadcast %broadcast_in_dim3A_49 : f32 to vector<16xf32>
        %add3A_51 = arith.constant 0 : i32
        %add3A_52 = arith.addi %mul3A_41, %add3A_51 : i32
        %broadcast_in_dim3A_53 = arith.constant 0.000000e+00 : f32
        %broadcast_in_dim3A_54 = vector.broadcast %broadcast_in_dim3A_53 : f32 to vector<16xf32>
        %broadcast_in_dim3A_55 = arith.constant 0.000000e+00 : f32
        %broadcast_in_dim3A_56 = vector.broadcast %broadcast_in_dim3A_55 : f32 to vector<16xf32>
        %broadcast_in_dim3A_57 = arith.constant 0.000000e+00 : f32
        %broadcast_in_dim3A_58 = vector.broadcast %broadcast_in_dim3A_57 : f32 to vector<16xf32>
        %broadcast_in_dim3A_59 = arith.constant 0.000000e+00 : f32
        %broadcast_in_dim3A_60 = vector.broadcast %broadcast_in_dim3A_59 : f32 to vector<16xf32>
        %broadcast_in_dim3A_61 = arith.constant 0.000000e+00 : f32
        %broadcast_in_dim3A_62 = vector.broadcast %broadcast_in_dim3A_61 : f32 to vector<16xf32>
        %get3A = arith.index_cast %add3A_52 : i32 to index
        %get3A_63 = arith.constant 0 : index
        %get3A_64 = tpu.vector_load %arg14[%get3A, %get3A_63] {strides = array<i32>} : memref<128x64xf32, #tpu.memory_space<vmem>>, vector<16xf32>,
        %get3A_65 = arith.index_cast %add3A_52 : i32 to index
        %get3A_66 = arith.constant 0 : index
        %get3A_67 = tpu.vector_load %arg15[%get3A_65, %get3A_66] {strides = array<i32>} : memref<128x64xf32, #tpu.memory_space<vmem>>, vector<16xf32>,
        %get3A_68 = arith.index_cast %add3A_52 : i32 to index
        %get3A_69 = arith.constant 0 : index
        %get3A_70 = tpu.vector_load %arg16[%get3A_68, %get3A_69] {strides = array<i32>} : memref<128x64xf32, #tpu.memory_space<vmem>>, vector<16xf32>,
        %get3A_71 = arith.index_cast %add3A_52 : i32 to index
        %get3A_72 = arith.constant 0 : index
        %get3A_73 = tpu.vector_load %arg17[%get3A_71, %get3A_72] {strides = array<i32>} : memref<128x64xf32, #tpu.memory_space<vmem>>, vector<16xf32>,
        %sub3A = arith.subf %get3A_64, %get3A_70 : vector<16xf32>
        %sub3A_74 = arith.subf %get3A_64, %get3A_73 : vector<16xf32>
        %mul3A_75 = arith.mulf %sub3A, %sub3A : vector<16xf32>
        %add3A_76 = arith.addf %broadcast_in_dim3A_54, %mul3A_75 : vector<16xf32>
        %mul3A_77 = arith.mulf %sub3A_74, %sub3A_74 : vector<16xf32>
        %add3A_78 = arith.addf %broadcast_in_dim3A_56, %mul3A_77 : vector<16xf32>
        %mul3A_79 = arith.mulf %get3A_67, %sub3A : vector<16xf32>
        %add3A_80 = arith.addf %broadcast_in_dim3A_58, %mul3A_79 : vector<16xf32>
        %mul3A_81 = arith.mulf %get3A_67, %sub3A_74 : vector<16xf32>
        %add3A_82 = arith.addf %broadcast_in_dim3A_60, %mul3A_81 : vector<16xf32>
        %mul3A_83 = arith.mulf %get3A_67, %get3A_67 : vector<16xf32>
        %add3A_84 = arith.addf %broadcast_in_dim3A_62, %mul3A_83 : vector<16xf32>
        %get3A_85 = arith.index_cast %add3A_52 : i32 to index
        %get3A_86 = arith.constant 16 : index
        %get3A_87 = tpu.vector_load %arg14[%get3A_85, %get3A_86] {strides = array<i32>} : memref<128x64xf32, #tpu.memory_space<vmem>>, vector<16xf32>,
        %get3A_88 = arith.index_cast %add3A_52 : i32 to index
        %get3A_89 = arith.constant 16 : index
        %get3A_90 = tpu.vector_load %arg15[%get3A_88, %get3A_89] {strides = array<i32>} : memref<128x64xf32, #tpu.memory_space<vmem>>, vector<16xf32>,
        %get3A_91 = arith.index_cast %add3A_52 : i32 to index
        %get3A_92 = arith.constant 16 : index
        %get3A_93 = tpu.vector_load %arg16[%get3A_91, %get3A_92] {strides = array<i32>} : memref<128x64xf32, #tpu.memory_space<vmem>>, vector<16xf32>,
        %get3A_94 = arith.index_cast %add3A_52 : i32 to index
        %get3A_95 = arith.constant 16 : index
        %get3A_96 = tpu.vector_load %arg17[%get3A_94, %get3A_95] {strides = array<i32>} : memref<128x64xf32, #tpu.memory_space<vmem>>, vector<16xf32>,
        %sub3A_97 = arith.subf %get3A_87, %get3A_93 : vector<16xf32>
        %sub3A_98 = arith.subf %get3A_87, %get3A_96 : vector<16xf32>
        %mul3A_99 = arith.mulf %sub3A_97, %sub3A_97 : vector<16xf32>
        %add3A_100 = arith.addf %add3A_76, %mul3A_99 : vector<16xf32>
        %mul3A_101 = arith.mulf %sub3A_98, %sub3A_98 : vector<16xf32>
        %add3A_102 = arith.addf %add3A_78, %mul3A_101 : vector<16xf32>
        %mul3A_103 = arith.mulf %get3A_90, %sub3A_97 : vector<16xf32>
        %add3A_104 = arith.addf %add3A_80, %mul3A_103 : vector<16xf32>
        %mul3A_105 = arith.mulf %get3A_90, %sub3A_98 : vector<16xf32>
        %add3A_106 = arith.addf %add3A_82, %mul3A_105 : vector<16xf32>
        %mul3A_107 = arith.mulf %get3A_90, %get3A_90 : vector<16xf32>
        %add3A_108 = arith.addf %add3A_84, %mul3A_107 : vector<16xf32>
        %get3A_109 = arith.index_cast %add3A_52 : i32 to index
        %get3A_110 = arith.constant 32 : index
        %get3A_111 = tpu.vector_load %arg14[%get3A_109, %get3A_110] {strides = array<i32>} : memref<128x64xf32, #tpu.memory_space<vmem>>, vector<16xf32>,
        %get3A_112 = arith.index_cast %add3A_52 : i32 to index
        %get3A_113 = arith.constant 32 : index
        %get3A_114 = tpu.vector_load %arg15[%get3A_112, %get3A_113] {strides = array<i32>} : memref<128x64xf32, #tpu.memory_space<vmem>>, vector<16xf32>,
        %get3A_115 = arith.index_cast %add3A_52 : i32 to index
        %get3A_116 = arith.constant 32 : index
        %get3A_117 = tpu.vector_load %arg16[%get3A_115, %get3A_116] {strides = array<i32>} : memref<128x64xf32, #tpu.memory_space<vmem>>, vector<16xf32>,
        %get3A_118 = arith.index_cast %add3A_52 : i32 to index
        %get3A_119 = arith.constant 32 : index
        %get3A_120 = tpu.vector_load %arg17[%get3A_118, %get3A_119] {strides = array<i32>} : memref<128x64xf32, #tpu.memory_space<vmem>>, vector<16xf32>,
        %sub3A_121 = arith.subf %get3A_111, %get3A_117 : vector<16xf32>
        %sub3A_122 = arith.subf %get3A_111, %get3A_120 : vector<16xf32>
        %mul3A_123 = arith.mulf %sub3A_121, %sub3A_121 : vector<16xf32>
        %add3A_124 = arith.addf %add3A_100, %mul3A_123 : vector<16xf32>
        %mul3A_125 = arith.mulf %sub3A_122, %sub3A_122 : vector<16xf32>
        %add3A_126 = arith.addf %add3A_102, %mul3A_125 : vector<16xf32>
        %mul3A_127 = arith.mulf %get3A_114, %sub3A_121 : vector<16xf32>
        %add3A_128 = arith.addf %add3A_104, %mul3A_127 : vector<16xf32>
        %mul3A_129 = arith.mulf %get3A_114, %sub3A_122 : vector<16xf32>
        %add3A_130 = arith.addf %add3A_106, %mul3A_129 : vector<16xf32>
        %mul3A_131 = arith.mulf %get3A_114, %get3A_114 : vector<16xf32>
        %add3A_132 = arith.addf %add3A_108, %mul3A_131 : vector<16xf32>
        %get3A_133 = arith.index_cast %add3A_52 : i32 to index
        %get3A_134 = arith.constant 48 : index
        %get3A_135 = tpu.vector_load %arg14[%get3A_133, %get3A_134] {strides = array<i32>} : memref<128x64xf32, #tpu.memory_space<vmem>>, vector<16xf32>,
        %get3A_136 = arith.index_cast %add3A_52 : i32 to index
        %get3A_137 = arith.constant 48 : index
        %get3A_138 = tpu.vector_load %arg15[%get3A_136, %get3A_137] {strides = array<i32>} : memref<128x64xf32, #tpu.memory_space<vmem>>, vector<16xf32>,
        %get3A_139 = arith.index_cast %add3A_52 : i32 to index
        %get3A_140 = arith.constant 48 : index
        %get3A_141 = tpu.vector_load %arg16[%get3A_139, %get3A_140] {strides = array<i32>} : memref<128x64xf32, #tpu.memory_space<vmem>>, vector<16xf32>,
        %get3A_142 = arith.index_cast %add3A_52 : i32 to index
        %get3A_143 = arith.constant 48 : index
        %get3A_144 = tpu.vector_load %arg17[%get3A_142, %get3A_143] {strides = array<i32>} : memref<128x64xf32, #tpu.memory_space<vmem>>, vector<16xf32>,
        %sub3A_145 = arith.subf %get3A_135, %get3A_141 : vector<16xf32>
        %sub3A_146 = arith.subf %get3A_135, %get3A_144 : vector<16xf32>
        %mul3A_147 = arith.mulf %sub3A_145, %sub3A_145 : vector<16xf32>
        %add3A_148 = arith.addf %add3A_124, %mul3A_147 : vector<16xf32>
        %mul3A_149 = arith.mulf %sub3A_146, %sub3A_146 : vector<16xf32>
        %add3A_150 = arith.addf %add3A_126, %mul3A_149 : vector<16xf32>
        %mul3A_151 = arith.mulf %get3A_138, %sub3A_145 : vector<16xf32>
        %add3A_152 = arith.addf %add3A_128, %mul3A_151 : vector<16xf32>
        %mul3A_153 = arith.mulf %get3A_138, %sub3A_146 : vector<16xf32>
        %add3A_154 = arith.addf %add3A_130, %mul3A_153 : vector<16xf32>
        %mul3A_155 = arith.mulf %get3A_138, %get3A_138 : vector<16xf32>
        %add3A_156 = arith.addf %add3A_132, %mul3A_155 : vector<16xf32>
        %eq3A = arith.constant 0 : i32
        %eq3A_157 = vector.broadcast %eq3A : i32 to vector<16xi32>
        %eq3A_158 = arith.cmpi eq, %iota3A, %eq3A_157 : vector<16xi32>
        %reduce_sum3A = arith.constant true
        %reduce_sum3A_159 = vector.broadcast %reduce_sum3A : i1 to vector<16xi1>
        %reduce_sum3A_160 = tpu.scan <sum>, %add3A_148 masked %reduce_sum3A_159 : vector<16xf32>, vector<16xi1> -> vector<16xf32>
        %reduce_sum3A_161 = vector.extract %reduce_sum3A_160[15] : f32 from vector<16xf32>
        %broadcast_in_dim3A_162 = vector.broadcast %reduce_sum3A_161 : f32 to vector<16xf32>
        %select_n3A = arith.select %eq3A_158, %broadcast_in_dim3A_162, %broadcast_in_dim3A_42 : vector<16xi1>, vector<16xf32>
        %reduce_sum3A_163 = arith.constant true
        %reduce_sum3A_164 = vector.broadcast %reduce_sum3A_163 : i1 to vector<16xi1>
        %reduce_sum3A_165 = tpu.scan <sum>, %add3A_150 masked %reduce_sum3A_164 : vector<16xf32>, vector<16xi1> -> vector<16xf32>
        %reduce_sum3A_166 = vector.extract %reduce_sum3A_165[15] : f32 from vector<16xf32>
        %broadcast_in_dim3A_167 = vector.broadcast %reduce_sum3A_166 : f32 to vector<16xf32>
        %select_n3A_168 = arith.select %eq3A_158, %broadcast_in_dim3A_167, %broadcast_in_dim3A_44 : vector<16xi1>, vector<16xf32>
        %reduce_sum3A_169 = arith.constant true
        %reduce_sum3A_170 = vector.broadcast %reduce_sum3A_169 : i1 to vector<16xi1>
        %reduce_sum3A_171 = tpu.scan <sum>, %add3A_152 masked %reduce_sum3A_170 : vector<16xf32>, vector<16xi1> -> vector<16xf32>
        %reduce_sum3A_172 = vector.extract %reduce_sum3A_171[15] : f32 from vector<16xf32>
        %broadcast_in_dim3A_173 = vector.broadcast %reduce_sum3A_172 : f32 to vector<16xf32>
        %select_n3A_174 = arith.select %eq3A_158, %broadcast_in_dim3A_173, %broadcast_in_dim3A_46 : vector<16xi1>, vector<16xf32>
        %reduce_sum3A_175 = arith.constant true
        %reduce_sum3A_176 = vector.broadcast %reduce_sum3A_175 : i1 to vector<16xi1>
        %reduce_sum3A_177 = tpu.scan <sum>, %add3A_154 masked %reduce_sum3A_176 : vector<16xf32>, vector<16xi1> -> vector<16xf32>
        %reduce_sum3A_178 = vector.extract %reduce_sum3A_177[15] : f32 from vector<16xf32>
        %broadcast_in_dim3A_179 = vector.broadcast %reduce_sum3A_178 : f32 to vector<16xf32>
        %select_n3A_180 = arith.select %eq3A_158, %broadcast_in_dim3A_179, %broadcast_in_dim3A_48 : vector<16xi1>, vector<16xf32>
        %reduce_sum3A_181 = arith.constant true
        %reduce_sum3A_182 = vector.broadcast %reduce_sum3A_181 : i1 to vector<16xi1>
        %reduce_sum3A_183 = tpu.scan <sum>, %add3A_156 masked %reduce_sum3A_182 : vector<16xf32>, vector<16xi1> -> vector<16xf32>
        %reduce_sum3A_184 = vector.extract %reduce_sum3A_183[15] : f32 from vector<16xf32>
        %broadcast_in_dim3A_185 = vector.broadcast %reduce_sum3A_184 : f32 to vector<16xf32>
        %select_n3A_186 = arith.select %eq3A_158, %broadcast_in_dim3A_185, %broadcast_in_dim3A_50 : vector<16xi1>, vector<16xf32>
        %add3A_187 = arith.constant 1 : i32
        %add3A_188 = arith.addi %mul3A_41, %add3A_187 : i32
        %broadcast_in_dim3A_189 = arith.constant 0.000000e+00 : f32
        %broadcast_in_dim3A_190 = vector.broadcast %broadcast_in_dim3A_189 : f32 to vector<16xf32>
        %broadcast_in_dim3A_191 = arith.constant 0.000000e+00 : f32
        %broadcast_in_dim3A_192 = vector.broadcast %broadcast_in_dim3A_191 : f32 to vector<16xf32>
        %broadcast_in_dim3A_193 = arith.constant 0.000000e+00 : f32
        %broadcast_in_dim3A_194 = vector.broadcast %broadcast_in_dim3A_193 : f32 to vector<16xf32>
        %broadcast_in_dim3A_195 = arith.constant 0.000000e+00 : f32
        %broadcast_in_dim3A_196 = vector.broadcast %broadcast_in_dim3A_195 : f32 to vector<16xf32>
        %broadcast_in_dim3A_197 = arith.constant 0.000000e+00 : f32
        %broadcast_in_dim3A_198 = vector.broadcast %broadcast_in_dim3A_197 : f32 to vector<16xf32>
        %get3A_199 = arith.index_cast %add3A_188 : i32 to index
        %get3A_200 = arith.constant 0 : index
        %get3A_201 = tpu.vector_load %arg14[%get3A_199, %get3A_200] {strides = array<i32>} : memref<128x64xf32, #tpu.memory_space<vmem>>, vector<16xf32>,
        %get3A_202 = arith.index_cast %add3A_188 : i32 to index
        %get3A_203 = arith.constant 0 : index
        %get3A_204 = tpu.vector_load %arg15[%get3A_202, %get3A_203] {strides = array<i32>} : memref<128x64xf32, #tpu.memory_space<vmem>>, vector<16xf32>,
        %get3A_205 = arith.index_cast %add3A_188 : i32 to index
        %get3A_206 = arith.constant 0 : index
        %get3A_207 = tpu.vector_load %arg16[%get3A_205, %get3A_206] {strides = array<i32>} : memref<128x64xf32, #tpu.memory_space<vmem>>, vector<16xf32>,
        %get3A_208 = arith.index_cast %add3A_188 : i32 to index
        %get3A_209 = arith.constant 0 : index
        %get3A_210 = tpu.vector_load %arg17[%get3A_208, %get3A_209] {strides = array<i32>} : memref<128x64xf32, #tpu.memory_space<vmem>>, vector<16xf32>,
        %sub3A_211 = arith.subf %get3A_201, %get3A_207 : vector<16xf32>
        %sub3A_212 = arith.subf %get3A_201, %get3A_210 : vector<16xf32>
        %mul3A_213 = arith.mulf %sub3A_211, %sub3A_211 : vector<16xf32>
        %add3A_214 = arith.addf %broadcast_in_dim3A_190, %mul3A_213 : vector<16xf32>
        %mul3A_215 = arith.mulf %sub3A_212, %sub3A_212 : vector<16xf32>
        %add3A_216 = arith.addf %broadcast_in_dim3A_192, %mul3A_215 : vector<16xf32>
        %mul3A_217 = arith.mulf %get3A_204, %sub3A_211 : vector<16xf32>
        %add3A_218 = arith.addf %broadcast_in_dim3A_194, %mul3A_217 : vector<16xf32>
        %mul3A_219 = arith.mulf %get3A_204, %sub3A_212 : vector<16xf32>
        %add3A_220 = arith.addf %broadcast_in_dim3A_196, %mul3A_219 : vector<16xf32>
        %mul3A_221 = arith.mulf %get3A_204, %get3A_204 : vector<16xf32>
        %add3A_222 = arith.addf %broadcast_in_dim3A_198, %mul3A_221 : vector<16xf32>
        %get3A_223 = arith.index_cast %add3A_188 : i32 to index
        %get3A_224 = arith.constant 16 : index
        %get3A_225 = tpu.vector_load %arg14[%get3A_223, %get3A_224] {strides = array<i32>} : memref<128x64xf32, #tpu.memory_space<vmem>>, vector<16xf32>,
        %get3A_226 = arith.index_cast %add3A_188 : i32 to index
        %get3A_227 = arith.constant 16 : index
        %get3A_228 = tpu.vector_load %arg15[%get3A_226, %get3A_227] {strides = array<i32>} : memref<128x64xf32, #tpu.memory_space<vmem>>, vector<16xf32>,
        %get3A_229 = arith.index_cast %add3A_188 : i32 to index
        %get3A_230 = arith.constant 16 : index
        %get3A_231 = tpu.vector_load %arg16[%get3A_229, %get3A_230] {strides = array<i32>} : memref<128x64xf32, #tpu.memory_space<vmem>>, vector<16xf32>,
        %get3A_232 = arith.index_cast %add3A_188 : i32 to index
        %get3A_233 = arith.constant 16 : index
        %get3A_234 = tpu.vector_load %arg17[%get3A_232, %get3A_233] {strides = array<i32>} : memref<128x64xf32, #tpu.memory_space<vmem>>, vector<16xf32>,
        %sub3A_235 = arith.subf %get3A_225, %get3A_231 : vector<16xf32>
        %sub3A_236 = arith.subf %get3A_225, %get3A_234 : vector<16xf32>
        %mul3A_237 = arith.mulf %sub3A_235, %sub3A_235 : vector<16xf32>
        %add3A_238 = arith.addf %add3A_214, %mul3A_237 : vector<16xf32>
        %mul3A_239 = arith.mulf %sub3A_236, %sub3A_236 : vector<16xf32>
        %add3A_240 = arith.addf %add3A_216, %mul3A_239 : vector<16xf32>
        %mul3A_241 = arith.mulf %get3A_228, %sub3A_235 : vector<16xf32>
        %add3A_242 = arith.addf %add3A_218, %mul3A_241 : vector<16xf32>
        %mul3A_243 = arith.mulf %get3A_228, %sub3A_236 : vector<16xf32>
        %add3A_244 = arith.addf %add3A_220, %mul3A_243 : vector<16xf32>
        %mul3A_245 = arith.mulf %get3A_228, %get3A_228 : vector<16xf32>
        %add3A_246 = arith.addf %add3A_222, %mul3A_245 : vector<16xf32>
        %get3A_247 = arith.index_cast %add3A_188 : i32 to index
        %get3A_248 = arith.constant 32 : index
        %get3A_249 = tpu.vector_load %arg14[%get3A_247, %get3A_248] {strides = array<i32>} : memref<128x64xf32, #tpu.memory_space<vmem>>, vector<16xf32>,
        %get3A_250 = arith.index_cast %add3A_188 : i32 to index
        %get3A_251 = arith.constant 32 : index
        %get3A_252 = tpu.vector_load %arg15[%get3A_250, %get3A_251] {strides = array<i32>} : memref<128x64xf32, #tpu.memory_space<vmem>>, vector<16xf32>,
        %get3A_253 = arith.index_cast %add3A_188 : i32 to index
        %get3A_254 = arith.constant 32 : index
        %get3A_255 = tpu.vector_load %arg16[%get3A_253, %get3A_254] {strides = array<i32>} : memref<128x64xf32, #tpu.memory_space<vmem>>, vector<16xf32>,
        %get3A_256 = arith.index_cast %add3A_188 : i32 to index
        %get3A_257 = arith.constant 32 : index
        %get3A_258 = tpu.vector_load %arg17[%get3A_256, %get3A_257] {strides = array<i32>} : memref<128x64xf32, #tpu.memory_space<vmem>>, vector<16xf32>,
        %sub3A_259 = arith.subf %get3A_249, %get3A_255 : vector<16xf32>
        %sub3A_260 = arith.subf %get3A_249, %get3A_258 : vector<16xf32>
        %mul3A_261 = arith.mulf %sub3A_259, %sub3A_259 : vector<16xf32>
        %add3A_262 = arith.addf %add3A_238, %mul3A_261 : vector<16xf32>
        %mul3A_263 = arith.mulf %sub3A_260, %sub3A_260 : vector<16xf32>
        %add3A_264 = arith.addf %add3A_240, %mul3A_263 : vector<16xf32>
        %mul3A_265 = arith.mulf %get3A_252, %sub3A_259 : vector<16xf32>
        %add3A_266 = arith.addf %add3A_242, %mul3A_265 : vector<16xf32>
        %mul3A_267 = arith.mulf %get3A_252, %sub3A_260 : vector<16xf32>
        %add3A_268 = arith.addf %add3A_244, %mul3A_267 : vector<16xf32>
        %mul3A_269 = arith.mulf %get3A_252, %get3A_252 : vector<16xf32>
        %add3A_270 = arith.addf %add3A_246, %mul3A_269 : vector<16xf32>
        %get3A_271 = arith.index_cast %add3A_188 : i32 to index
        %get3A_272 = arith.constant 48 : index
        %get3A_273 = tpu.vector_load %arg14[%get3A_271, %get3A_272] {strides = array<i32>} : memref<128x64xf32, #tpu.memory_space<vmem>>, vector<16xf32>,
        %get3A_274 = arith.index_cast %add3A_188 : i32 to index
        %get3A_275 = arith.constant 48 : index
        %get3A_276 = tpu.vector_load %arg15[%get3A_274, %get3A_275] {strides = array<i32>} : memref<128x64xf32, #tpu.memory_space<vmem>>, vector<16xf32>,
        %get3A_277 = arith.index_cast %add3A_188 : i32 to index
        %get3A_278 = arith.constant 48 : index
        %get3A_279 = tpu.vector_load %arg16[%get3A_277, %get3A_278] {strides = array<i32>} : memref<128x64xf32, #tpu.memory_space<vmem>>, vector<16xf32>,
        %get3A_280 = arith.index_cast %add3A_188 : i32 to index
        %get3A_281 = arith.constant 48 : index
        %get3A_282 = tpu.vector_load %arg17[%get3A_280, %get3A_281] {strides = array<i32>} : memref<128x64xf32, #tpu.memory_space<vmem>>, vector<16xf32>,
        %sub3A_283 = arith.subf %get3A_273, %get3A_279 : vector<16xf32>
        %sub3A_284 = arith.subf %get3A_273, %get3A_282 : vector<16xf32>
        %mul3A_285 = arith.mulf %sub3A_283, %sub3A_283 : vector<16xf32>
        %add3A_286 = arith.addf %add3A_262, %mul3A_285 : vector<16xf32>
        %mul3A_287 = arith.mulf %sub3A_284, %sub3A_284 : vector<16xf32>
        %add3A_288 = arith.addf %add3A_264, %mul3A_287 : vector<16xf32>
        %mul3A_289 = arith.mulf %get3A_276, %sub3A_283 : vector<16xf32>
        %add3A_290 = arith.addf %add3A_266, %mul3A_289 : vector<16xf32>
        %mul3A_291 = arith.mulf %get3A_276, %sub3A_284 : vector<16xf32>
        %add3A_292 = arith.addf %add3A_268, %mul3A_291 : vector<16xf32>
        %mul3A_293 = arith.mulf %get3A_276, %get3A_276 : vector<16xf32>
        %add3A_294 = arith.addf %add3A_270, %mul3A_293 : vector<16xf32>
        %eq3A_295 = arith.constant 1 : i32
        %eq3A_296 = vector.broadcast %eq3A_295 : i32 to vector<16xi32>
        %eq3A_297 = arith.cmpi eq, %iota3A, %eq3A_296 : vector<16xi32>
        %reduce_sum3A_298 = arith.constant true
        %reduce_sum3A_299 = vector.broadcast %reduce_sum3A_298 : i1 to vector<16xi1>
        %reduce_sum3A_300 = tpu.scan <sum>, %add3A_286 masked %reduce_sum3A_299 : vector<16xf32>, vector<16xi1> -> vector<16xf32>
        %reduce_sum3A_301 = vector.extract %reduce_sum3A_300[15] : f32 from vector<16xf32>
        %broadcast_in_dim3A_302 = vector.broadcast %reduce_sum3A_301 : f32 to vector<16xf32>
        %select_n3A_303 = arith.select %eq3A_297, %broadcast_in_dim3A_302, %select_n3A : vector<16xi1>, vector<16xf32>
        %reduce_sum3A_304 = arith.constant true
        %reduce_sum3A_305 = vector.broadcast %reduce_sum3A_304 : i1 to vector<16xi1>
        %reduce_sum3A_306 = tpu.scan <sum>, %add3A_288 masked %reduce_sum3A_305 : vector<16xf32>, vector<16xi1> -> vector<16xf32>
        %reduce_sum3A_307 = vector.extract %reduce_sum3A_306[15] : f32 from vector<16xf32>
        %broadcast_in_dim3A_308 = vector.broadcast %reduce_sum3A_307 : f32 to vector<16xf32>
        %select_n3A_309 = arith.select %eq3A_297, %broadcast_in_dim3A_308, %select_n3A_168 : vector<16xi1>, vector<16xf32>
        %reduce_sum3A_310 = arith.constant true
        %reduce_sum3A_311 = vector.broadcast %reduce_sum3A_310 : i1 to vector<16xi1>
        %reduce_sum3A_312 = tpu.scan <sum>, %add3A_290 masked %reduce_sum3A_311 : vector<16xf32>, vector<16xi1> -> vector<16xf32>
        %reduce_sum3A_313 = vector.extract %reduce_sum3A_312[15] : f32 from vector<16xf32>
        %broadcast_in_dim3A_314 = vector.broadcast %reduce_sum3A_313 : f32 to vector<16xf32>
        %select_n3A_315 = arith.select %eq3A_297, %broadcast_in_dim3A_314, %select_n3A_174 : vector<16xi1>, vector<16xf32>
        %reduce_sum3A_316 = arith.constant true
        %reduce_sum3A_317 = vector.broadcast %reduce_sum3A_316 : i1 to vector<16xi1>
        %reduce_sum3A_318 = tpu.scan <sum>, %add3A_292 masked %reduce_sum3A_317 : vector<16xf32>, vector<16xi1> -> vector<16xf32>
        %reduce_sum3A_319 = vector.extract %reduce_sum3A_318[15] : f32 from vector<16xf32>
        %broadcast_in_dim3A_320 = vector.broadcast %reduce_sum3A_319 : f32 to vector<16xf32>
        %select_n3A_321 = arith.select %eq3A_297, %broadcast_in_dim3A_320, %select_n3A_180 : vector<16xi1>, vector<16xf32>
        %reduce_sum3A_322 = arith.constant true
        %reduce_sum3A_323 = vector.broadcast %reduce_sum3A_322 : i1 to vector<16xi1>
        %reduce_sum3A_324 = tpu.scan <sum>, %add3A_294 masked %reduce_sum3A_323 : vector<16xf32>, vector<16xi1> -> vector<16xf32>
        %reduce_sum3A_325 = vector.extract %reduce_sum3A_324[15] : f32 from vector<16xf32>
        %broadcast_in_dim3A_326 = vector.broadcast %reduce_sum3A_325 : f32 to vector<16xf32>
        %select_n3A_327 = arith.select %eq3A_297, %broadcast_in_dim3A_326, %select_n3A_186 : vector<16xi1>, vector<16xf32>
        %add3A_328 = arith.constant 2 : i32
        %add3A_329 = arith.addi %mul3A_41, %add3A_328 : i32
        %broadcast_in_dim3A_330 = arith.constant 0.000000e+00 : f32
        %broadcast_in_dim3A_331 = vector.broadcast %broadcast_in_dim3A_330 : f32 to vector<16xf32>
        %broadcast_in_dim3A_332 = arith.constant 0.000000e+00 : f32
        %broadcast_in_dim3A_333 = vector.broadcast %broadcast_in_dim3A_332 : f32 to vector<16xf32>
        %broadcast_in_dim3A_334 = arith.constant 0.000000e+00 : f32
        %broadcast_in_dim3A_335 = vector.broadcast %broadcast_in_dim3A_334 : f32 to vector<16xf32>
        %broadcast_in_dim3A_336 = arith.constant 0.000000e+00 : f32
        %broadcast_in_dim3A_337 = vector.broadcast %broadcast_in_dim3A_336 : f32 to vector<16xf32>
        %broadcast_in_dim3A_338 = arith.constant 0.000000e+00 : f32
        %broadcast_in_dim3A_339 = vector.broadcast %broadcast_in_dim3A_338 : f32 to vector<16xf32>
        %get3A_340 = arith.index_cast %add3A_329 : i32 to index
        %get3A_341 = arith.constant 0 : index
        %get3A_342 = tpu.vector_load %arg14[%get3A_340, %get3A_341] {strides = array<i32>} : memref<128x64xf32, #tpu.memory_space<vmem>>, vector<16xf32>,
        %get3A_343 = arith.index_cast %add3A_329 : i32 to index
        %get3A_344 = arith.constant 0 : index
        %get3A_345 = tpu.vector_load %arg15[%get3A_343, %get3A_344] {strides = array<i32>} : memref<128x64xf32, #tpu.memory_space<vmem>>, vector<16xf32>,
        %get3A_346 = arith.index_cast %add3A_329 : i32 to index
        %get3A_347 = arith.constant 0 : index
        %get3A_348 = tpu.vector_load %arg16[%get3A_346, %get3A_347] {strides = array<i32>} : memref<128x64xf32, #tpu.memory_space<vmem>>, vector<16xf32>,
        %get3A_349 = arith.index_cast %add3A_329 : i32 to index
        %get3A_350 = arith.constant 0 : index
        %get3A_351 = tpu.vector_load %arg17[%get3A_349, %get3A_350] {strides = array<i32>} : memref<128x64xf32, #tpu.memory_space<vmem>>, vector<16xf32>,
        %sub3A_352 = arith.subf %get3A_342, %get3A_348 : vector<16xf32>
        %sub3A_353 = arith.subf %get3A_342, %get3A_351 : vector<16xf32>
        %mul3A_354 = arith.mulf %sub3A_352, %sub3A_352 : vector<16xf32>
        %add3A_355 = arith.addf %broadcast_in_dim3A_331, %mul3A_354 : vector<16xf32>
        %mul3A_356 = arith.mulf %sub3A_353, %sub3A_353 : vector<16xf32>
        %add3A_357 = arith.addf %broadcast_in_dim3A_333, %mul3A_356 : vector<16xf32>
        %mul3A_358 = arith.mulf %get3A_345, %sub3A_352 : vector<16xf32>
        %add3A_359 = arith.addf %broadcast_in_dim3A_335, %mul3A_358 : vector<16xf32>
        %mul3A_360 = arith.mulf %get3A_345, %sub3A_353 : vector<16xf32>
        %add3A_361 = arith.addf %broadcast_in_dim3A_337, %mul3A_360 : vector<16xf32>
        %mul3A_362 = arith.mulf %get3A_345, %get3A_345 : vector<16xf32>
        %add3A_363 = arith.addf %broadcast_in_dim3A_339, %mul3A_362 : vector<16xf32>
        %get3A_364 = arith.index_cast %add3A_329 : i32 to index
        %get3A_365 = arith.constant 16 : index
        %get3A_366 = tpu.vector_load %arg14[%get3A_364, %get3A_365] {strides = array<i32>} : memref<128x64xf32, #tpu.memory_space<vmem>>, vector<16xf32>,
        %get3A_367 = arith.index_cast %add3A_329 : i32 to index
        %get3A_368 = arith.constant 16 : index
        %get3A_369 = tpu.vector_load %arg15[%get3A_367, %get3A_368] {strides = array<i32>} : memref<128x64xf32, #tpu.memory_space<vmem>>, vector<16xf32>,
        %get3A_370 = arith.index_cast %add3A_329 : i32 to index
        %get3A_371 = arith.constant 16 : index
        %get3A_372 = tpu.vector_load %arg16[%get3A_370, %get3A_371] {strides = array<i32>} : memref<128x64xf32, #tpu.memory_space<vmem>>, vector<16xf32>,
        %get3A_373 = arith.index_cast %add3A_329 : i32 to index
        %get3A_374 = arith.constant 16 : index
        %get3A_375 = tpu.vector_load %arg17[%get3A_373, %get3A_374] {strides = array<i32>} : memref<128x64xf32, #tpu.memory_space<vmem>>, vector<16xf32>,
        %sub3A_376 = arith.subf %get3A_366, %get3A_372 : vector<16xf32>
        %sub3A_377 = arith.subf %get3A_366, %get3A_375 : vector<16xf32>
        %mul3A_378 = arith.mulf %sub3A_376, %sub3A_376 : vector<16xf32>
        %add3A_379 = arith.addf %add3A_355, %mul3A_378 : vector<16xf32>
        %mul3A_380 = arith.mulf %sub3A_377, %sub3A_377 : vector<16xf32>
        %add3A_381 = arith.addf %add3A_357, %mul3A_380 : vector<16xf32>
        %mul3A_382 = arith.mulf %get3A_369, %sub3A_376 : vector<16xf32>
        %add3A_383 = arith.addf %add3A_359, %mul3A_382 : vector<16xf32>
        %mul3A_384 = arith.mulf %get3A_369, %sub3A_377 : vector<16xf32>
        %add3A_385 = arith.addf %add3A_361, %mul3A_384 : vector<16xf32>
        %mul3A_386 = arith.mulf %get3A_369, %get3A_369 : vector<16xf32>
        %add3A_387 = arith.addf %add3A_363, %mul3A_386 : vector<16xf32>
        %get3A_388 = arith.index_cast %add3A_329 : i32 to index
        %get3A_389 = arith.constant 32 : index
        %get3A_390 = tpu.vector_load %arg14[%get3A_388, %get3A_389] {strides = array<i32>} : memref<128x64xf32, #tpu.memory_space<vmem>>, vector<16xf32>,
        %get3A_391 = arith.index_cast %add3A_329 : i32 to index
        %get3A_392 = arith.constant 32 : index
        %get3A_393 = tpu.vector_load %arg15[%get3A_391, %get3A_392] {strides = array<i32>} : memref<128x64xf32, #tpu.memory_space<vmem>>, vector<16xf32>,
        %get3A_394 = arith.index_cast %add3A_329 : i32 to index
        %get3A_395 = arith.constant 32 : index
        %get3A_396 = tpu.vector_load %arg16[%get3A_394, %get3A_395] {strides = array<i32>} : memref<128x64xf32, #tpu.memory_space<vmem>>, vector<16xf32>,
        %get3A_397 = arith.index_cast %add3A_329 : i32 to index
        %get3A_398 = arith.constant 32 : index
        %get3A_399 = tpu.vector_load %arg17[%get3A_397, %get3A_398] {strides = array<i32>} : memref<128x64xf32, #tpu.memory_space<vmem>>, vector<16xf32>,
        %sub3A_400 = arith.subf %get3A_390, %get3A_396 : vector<16xf32>
        %sub3A_401 = arith.subf %get3A_390, %get3A_399 : vector<16xf32>
        %mul3A_402 = arith.mulf %sub3A_400, %sub3A_400 : vector<16xf32>
        %add3A_403 = arith.addf %add3A_379, %mul3A_402 : vector<16xf32>
        %mul3A_404 = arith.mulf %sub3A_401, %sub3A_401 : vector<16xf32>
        %add3A_405 = arith.addf %add3A_381, %mul3A_404 : vector<16xf32>
        %mul3A_406 = arith.mulf %get3A_393, %sub3A_400 : vector<16xf32>
        %add3A_407 = arith.addf %add3A_383, %mul3A_406 : vector<16xf32>
        %mul3A_408 = arith.mulf %get3A_393, %sub3A_401 : vector<16xf32>
        %add3A_409 = arith.addf %add3A_385, %mul3A_408 : vector<16xf32>
        %mul3A_410 = arith.mulf %get3A_393, %get3A_393 : vector<16xf32>
        %add3A_411 = arith.addf %add3A_387, %mul3A_410 : vector<16xf32>
        %get3A_412 = arith.index_cast %add3A_329 : i32 to index
        %get3A_413 = arith.constant 48 : index
        %get3A_414 = tpu.vector_load %arg14[%get3A_412, %get3A_413] {strides = array<i32>} : memref<128x64xf32, #tpu.memory_space<vmem>>, vector<16xf32>,
        %get3A_415 = arith.index_cast %add3A_329 : i32 to index
        %get3A_416 = arith.constant 48 : index
        %get3A_417 = tpu.vector_load %arg15[%get3A_415, %get3A_416] {strides = array<i32>} : memref<128x64xf32, #tpu.memory_space<vmem>>, vector<16xf32>,
        %get3A_418 = arith.index_cast %add3A_329 : i32 to index
        %get3A_419 = arith.constant 48 : index
        %get3A_420 = tpu.vector_load %arg16[%get3A_418, %get3A_419] {strides = array<i32>} : memref<128x64xf32, #tpu.memory_space<vmem>>, vector<16xf32>,
        %get3A_421 = arith.index_cast %add3A_329 : i32 to index
        %get3A_422 = arith.constant 48 : index
        %get3A_423 = tpu.vector_load %arg17[%get3A_421, %get3A_422] {strides = array<i32>} : memref<128x64xf32, #tpu.memory_space<vmem>>, vector<16xf32>,
        %sub3A_424 = arith.subf %get3A_414, %get3A_420 : vector<16xf32>
        %sub3A_425 = arith.subf %get3A_414, %get3A_423 : vector<16xf32>
        %mul3A_426 = arith.mulf %sub3A_424, %sub3A_424 : vector<16xf32>
        %add3A_427 = arith.addf %add3A_403, %mul3A_426 : vector<16xf32>
        %mul3A_428 = arith.mulf %sub3A_425, %sub3A_425 : vector<16xf32>
        %add3A_429 = arith.addf %add3A_405, %mul3A_428 : vector<16xf32>
        %mul3A_430 = arith.mulf %get3A_417, %sub3A_424 : vector<16xf32>
        %add3A_431 = arith.addf %add3A_407, %mul3A_430 : vector<16xf32>
        %mul3A_432 = arith.mulf %get3A_417, %sub3A_425 : vector<16xf32>
        %add3A_433 = arith.addf %add3A_409, %mul3A_432 : vector<16xf32>
        %mul3A_434 = arith.mulf %get3A_417, %get3A_417 : vector<16xf32>
        %add3A_435 = arith.addf %add3A_411, %mul3A_434 : vector<16xf32>
        %eq3A_436 = arith.constant 2 : i32
        %eq3A_437 = vector.broadcast %eq3A_436 : i32 to vector<16xi32>
        %eq3A_438 = arith.cmpi eq, %iota3A, %eq3A_437 : vector<16xi32>
        %reduce_sum3A_439 = arith.constant true
        %reduce_sum3A_440 = vector.broadcast %reduce_sum3A_439 : i1 to vector<16xi1>
        %reduce_sum3A_441 = tpu.scan <sum>, %add3A_427 masked %reduce_sum3A_440 : vector<16xf32>, vector<16xi1> -> vector<16xf32>
        %reduce_sum3A_442 = vector.extract %reduce_sum3A_441[15] : f32 from vector<16xf32>
        %broadcast_in_dim3A_443 = vector.broadcast %reduce_sum3A_442 : f32 to vector<16xf32>
        %select_n3A_444 = arith.select %eq3A_438, %broadcast_in_dim3A_443, %select_n3A_303 : vector<16xi1>, vector<16xf32>
        %reduce_sum3A_445 = arith.constant true
        %reduce_sum3A_446 = vector.broadcast %reduce_sum3A_445 : i1 to vector<16xi1>
        %reduce_sum3A_447 = tpu.scan <sum>, %add3A_429 masked %reduce_sum3A_446 : vector<16xf32>, vector<16xi1> -> vector<16xf32>
        %reduce_sum3A_448 = vector.extract %reduce_sum3A_447[15] : f32 from vector<16xf32>
        %broadcast_in_dim3A_449 = vector.broadcast %reduce_sum3A_448 : f32 to vector<16xf32>
        %select_n3A_450 = arith.select %eq3A_438, %broadcast_in_dim3A_449, %select_n3A_309 : vector<16xi1>, vector<16xf32>
        %reduce_sum3A_451 = arith.constant true
        %reduce_sum3A_452 = vector.broadcast %reduce_sum3A_451 : i1 to vector<16xi1>
        %reduce_sum3A_453 = tpu.scan <sum>, %add3A_431 masked %reduce_sum3A_452 : vector<16xf32>, vector<16xi1> -> vector<16xf32>
        %reduce_sum3A_454 = vector.extract %reduce_sum3A_453[15] : f32 from vector<16xf32>
        %broadcast_in_dim3A_455 = vector.broadcast %reduce_sum3A_454 : f32 to vector<16xf32>
        %select_n3A_456 = arith.select %eq3A_438, %broadcast_in_dim3A_455, %select_n3A_315 : vector<16xi1>, vector<16xf32>
        %reduce_sum3A_457 = arith.constant true
        %reduce_sum3A_458 = vector.broadcast %reduce_sum3A_457 : i1 to vector<16xi1>
        %reduce_sum3A_459 = tpu.scan <sum>, %add3A_433 masked %reduce_sum3A_458 : vector<16xf32>, vector<16xi1> -> vector<16xf32>
        %reduce_sum3A_460 = vector.extract %reduce_sum3A_459[15] : f32 from vector<16xf32>
        %broadcast_in_dim3A_461 = vector.broadcast %reduce_sum3A_460 : f32 to vector<16xf32>
        %select_n3A_462 = arith.select %eq3A_438, %broadcast_in_dim3A_461, %select_n3A_321 : vector<16xi1>, vector<16xf32>
        %reduce_sum3A_463 = arith.constant true
        %reduce_sum3A_464 = vector.broadcast %reduce_sum3A_463 : i1 to vector<16xi1>
        %reduce_sum3A_465 = tpu.scan <sum>, %add3A_435 masked %reduce_sum3A_464 : vector<16xf32>, vector<16xi1> -> vector<16xf32>
        %reduce_sum3A_466 = vector.extract %reduce_sum3A_465[15] : f32 from vector<16xf32>
        %broadcast_in_dim3A_467 = vector.broadcast %reduce_sum3A_466 : f32 to vector<16xf32>
        %select_n3A_468 = arith.select %eq3A_438, %broadcast_in_dim3A_467, %select_n3A_327 : vector<16xi1>, vector<16xf32>
        %add3A_469 = arith.constant 3 : i32
        %add3A_470 = arith.addi %mul3A_41, %add3A_469 : i32
        %broadcast_in_dim3A_471 = arith.constant 0.000000e+00 : f32
        %broadcast_in_dim3A_472 = vector.broadcast %broadcast_in_dim3A_471 : f32 to vector<16xf32>
        %broadcast_in_dim3A_473 = arith.constant 0.000000e+00 : f32
        %broadcast_in_dim3A_474 = vector.broadcast %broadcast_in_dim3A_473 : f32 to vector<16xf32>
        %broadcast_in_dim3A_475 = arith.constant 0.000000e+00 : f32
        %broadcast_in_dim3A_476 = vector.broadcast %broadcast_in_dim3A_475 : f32 to vector<16xf32>
        %broadcast_in_dim3A_477 = arith.constant 0.000000e+00 : f32
        %broadcast_in_dim3A_478 = vector.broadcast %broadcast_in_dim3A_477 : f32 to vector<16xf32>
        %broadcast_in_dim3A_479 = arith.constant 0.000000e+00 : f32
        %broadcast_in_dim3A_480 = vector.broadcast %broadcast_in_dim3A_479 : f32 to vector<16xf32>
        %get3A_481 = arith.index_cast %add3A_470 : i32 to index
        %get3A_482 = arith.constant 0 : index
        %get3A_483 = tpu.vector_load %arg14[%get3A_481, %get3A_482] {strides = array<i32>} : memref<128x64xf32, #tpu.memory_space<vmem>>, vector<16xf32>,
        %get3A_484 = arith.index_cast %add3A_470 : i32 to index
        %get3A_485 = arith.constant 0 : index
        %get3A_486 = tpu.vector_load %arg15[%get3A_484, %get3A_485] {strides = array<i32>} : memref<128x64xf32, #tpu.memory_space<vmem>>, vector<16xf32>,
        %get3A_487 = arith.index_cast %add3A_470 : i32 to index
        %get3A_488 = arith.constant 0 : index
        %get3A_489 = tpu.vector_load %arg16[%get3A_487, %get3A_488] {strides = array<i32>} : memref<128x64xf32, #tpu.memory_space<vmem>>, vector<16xf32>,
        %get3A_490 = arith.index_cast %add3A_470 : i32 to index
        %get3A_491 = arith.constant 0 : index
        %get3A_492 = tpu.vector_load %arg17[%get3A_490, %get3A_491] {strides = array<i32>} : memref<128x64xf32, #tpu.memory_space<vmem>>, vector<16xf32>,
        %sub3A_493 = arith.subf %get3A_483, %get3A_489 : vector<16xf32>
        %sub3A_494 = arith.subf %get3A_483, %get3A_492 : vector<16xf32>
        %mul3A_495 = arith.mulf %sub3A_493, %sub3A_493 : vector<16xf32>
        %add3A_496 = arith.addf %broadcast_in_dim3A_472, %mul3A_495 : vector<16xf32>
        %mul3A_497 = arith.mulf %sub3A_494, %sub3A_494 : vector<16xf32>
        %add3A_498 = arith.addf %broadcast_in_dim3A_474, %mul3A_497 : vector<16xf32>
        %mul3A_499 = arith.mulf %get3A_486, %sub3A_493 : vector<16xf32>
        %add3A_500 = arith.addf %broadcast_in_dim3A_476, %mul3A_499 : vector<16xf32>
        %mul3A_501 = arith.mulf %get3A_486, %sub3A_494 : vector<16xf32>
        %add3A_502 = arith.addf %broadcast_in_dim3A_478, %mul3A_501 : vector<16xf32>
        %mul3A_503 = arith.mulf %get3A_486, %get3A_486 : vector<16xf32>
        %add3A_504 = arith.addf %broadcast_in_dim3A_480, %mul3A_503 : vector<16xf32>
        %get3A_505 = arith.index_cast %add3A_470 : i32 to index
        %get3A_506 = arith.constant 16 : index
        %get3A_507 = tpu.vector_load %arg14[%get3A_505, %get3A_506] {strides = array<i32>} : memref<128x64xf32, #tpu.memory_space<vmem>>, vector<16xf32>,
        %get3A_508 = arith.index_cast %add3A_470 : i32 to index
        %get3A_509 = arith.constant 16 : index
        %get3A_510 = tpu.vector_load %arg15[%get3A_508, %get3A_509] {strides = array<i32>} : memref<128x64xf32, #tpu.memory_space<vmem>>, vector<16xf32>,
        %get3A_511 = arith.index_cast %add3A_470 : i32 to index
        %get3A_512 = arith.constant 16 : index
        %get3A_513 = tpu.vector_load %arg16[%get3A_511, %get3A_512] {strides = array<i32>} : memref<128x64xf32, #tpu.memory_space<vmem>>, vector<16xf32>,
        %get3A_514 = arith.index_cast %add3A_470 : i32 to index
        %get3A_515 = arith.constant 16 : index
        %get3A_516 = tpu.vector_load %arg17[%get3A_514, %get3A_515] {strides = array<i32>} : memref<128x64xf32, #tpu.memory_space<vmem>>, vector<16xf32>,
        %sub3A_517 = arith.subf %get3A_507, %get3A_513 : vector<16xf32>
        %sub3A_518 = arith.subf %get3A_507, %get3A_516 : vector<16xf32>
        %mul3A_519 = arith.mulf %sub3A_517, %sub3A_517 : vector<16xf32>
        %add3A_520 = arith.addf %add3A_496, %mul3A_519 : vector<16xf32>
        %mul3A_521 = arith.mulf %sub3A_518, %sub3A_518 : vector<16xf32>
        %add3A_522 = arith.addf %add3A_498, %mul3A_521 : vector<16xf32>
        %mul3A_523 = arith.mulf %get3A_510, %sub3A_517 : vector<16xf32>
        %add3A_524 = arith.addf %add3A_500, %mul3A_523 : vector<16xf32>
        %mul3A_525 = arith.mulf %get3A_510, %sub3A_518 : vector<16xf32>
        %add3A_526 = arith.addf %add3A_502, %mul3A_525 : vector<16xf32>
        %mul3A_527 = arith.mulf %get3A_510, %get3A_510 : vector<16xf32>
        %add3A_528 = arith.addf %add3A_504, %mul3A_527 : vector<16xf32>
        %get3A_529 = arith.index_cast %add3A_470 : i32 to index
        %get3A_530 = arith.constant 32 : index
        %get3A_531 = tpu.vector_load %arg14[%get3A_529, %get3A_530] {strides = array<i32>} : memref<128x64xf32, #tpu.memory_space<vmem>>, vector<16xf32>,
        %get3A_532 = arith.index_cast %add3A_470 : i32 to index
        %get3A_533 = arith.constant 32 : index
        %get3A_534 = tpu.vector_load %arg15[%get3A_532, %get3A_533] {strides = array<i32>} : memref<128x64xf32, #tpu.memory_space<vmem>>, vector<16xf32>,
        %get3A_535 = arith.index_cast %add3A_470 : i32 to index
        %get3A_536 = arith.constant 32 : index
        %get3A_537 = tpu.vector_load %arg16[%get3A_535, %get3A_536] {strides = array<i32>} : memref<128x64xf32, #tpu.memory_space<vmem>>, vector<16xf32>,
        %get3A_538 = arith.index_cast %add3A_470 : i32 to index
        %get3A_539 = arith.constant 32 : index
        %get3A_540 = tpu.vector_load %arg17[%get3A_538, %get3A_539] {strides = array<i32>} : memref<128x64xf32, #tpu.memory_space<vmem>>, vector<16xf32>,
        %sub3A_541 = arith.subf %get3A_531, %get3A_537 : vector<16xf32>
        %sub3A_542 = arith.subf %get3A_531, %get3A_540 : vector<16xf32>
        %mul3A_543 = arith.mulf %sub3A_541, %sub3A_541 : vector<16xf32>
        %add3A_544 = arith.addf %add3A_520, %mul3A_543 : vector<16xf32>
        %mul3A_545 = arith.mulf %sub3A_542, %sub3A_542 : vector<16xf32>
        %add3A_546 = arith.addf %add3A_522, %mul3A_545 : vector<16xf32>
        %mul3A_547 = arith.mulf %get3A_534, %sub3A_541 : vector<16xf32>
        %add3A_548 = arith.addf %add3A_524, %mul3A_547 : vector<16xf32>
        %mul3A_549 = arith.mulf %get3A_534, %sub3A_542 : vector<16xf32>
        %add3A_550 = arith.addf %add3A_526, %mul3A_549 : vector<16xf32>
        %mul3A_551 = arith.mulf %get3A_534, %get3A_534 : vector<16xf32>
        %add3A_552 = arith.addf %add3A_528, %mul3A_551 : vector<16xf32>
        %get3A_553 = arith.index_cast %add3A_470 : i32 to index
        %get3A_554 = arith.constant 48 : index
        %get3A_555 = tpu.vector_load %arg14[%get3A_553, %get3A_554] {strides = array<i32>} : memref<128x64xf32, #tpu.memory_space<vmem>>, vector<16xf32>,
        %get3A_556 = arith.index_cast %add3A_470 : i32 to index
        %get3A_557 = arith.constant 48 : index
        %get3A_558 = tpu.vector_load %arg15[%get3A_556, %get3A_557] {strides = array<i32>} : memref<128x64xf32, #tpu.memory_space<vmem>>, vector<16xf32>,
        %get3A_559 = arith.index_cast %add3A_470 : i32 to index
        %get3A_560 = arith.constant 48 : index
        %get3A_561 = tpu.vector_load %arg16[%get3A_559, %get3A_560] {strides = array<i32>} : memref<128x64xf32, #tpu.memory_space<vmem>>, vector<16xf32>,
        %get3A_562 = arith.index_cast %add3A_470 : i32 to index
        %get3A_563 = arith.constant 48 : index
        %get3A_564 = tpu.vector_load %arg17[%get3A_562, %get3A_563] {strides = array<i32>} : memref<128x64xf32, #tpu.memory_space<vmem>>, vector<16xf32>,
        %sub3A_565 = arith.subf %get3A_555, %get3A_561 : vector<16xf32>
        %sub3A_566 = arith.subf %get3A_555, %get3A_564 : vector<16xf32>
        %mul3A_567 = arith.mulf %sub3A_565, %sub3A_565 : vector<16xf32>
        %add3A_568 = arith.addf %add3A_544, %mul3A_567 : vector<16xf32>
        %mul3A_569 = arith.mulf %sub3A_566, %sub3A_566 : vector<16xf32>
        %add3A_570 = arith.addf %add3A_546, %mul3A_569 : vector<16xf32>
        %mul3A_571 = arith.mulf %get3A_558, %sub3A_565 : vector<16xf32>
        %add3A_572 = arith.addf %add3A_548, %mul3A_571 : vector<16xf32>
        %mul3A_573 = arith.mulf %get3A_558, %sub3A_566 : vector<16xf32>
        %add3A_574 = arith.addf %add3A_550, %mul3A_573 : vector<16xf32>
        %mul3A_575 = arith.mulf %get3A_558, %get3A_558 : vector<16xf32>
        %add3A_576 = arith.addf %add3A_552, %mul3A_575 : vector<16xf32>
        %eq3A_577 = arith.constant 3 : i32
        %eq3A_578 = vector.broadcast %eq3A_577 : i32 to vector<16xi32>
        %eq3A_579 = arith.cmpi eq, %iota3A, %eq3A_578 : vector<16xi32>
        %reduce_sum3A_580 = arith.constant true
        %reduce_sum3A_581 = vector.broadcast %reduce_sum3A_580 : i1 to vector<16xi1>
        %reduce_sum3A_582 = tpu.scan <sum>, %add3A_568 masked %reduce_sum3A_581 : vector<16xf32>, vector<16xi1> -> vector<16xf32>
        %reduce_sum3A_583 = vector.extract %reduce_sum3A_582[15] : f32 from vector<16xf32>
        %broadcast_in_dim3A_584 = vector.broadcast %reduce_sum3A_583 : f32 to vector<16xf32>
        %select_n3A_585 = arith.select %eq3A_579, %broadcast_in_dim3A_584, %select_n3A_444 : vector<16xi1>, vector<16xf32>
        %reduce_sum3A_586 = arith.constant true
        %reduce_sum3A_587 = vector.broadcast %reduce_sum3A_586 : i1 to vector<16xi1>
        %reduce_sum3A_588 = tpu.scan <sum>, %add3A_570 masked %reduce_sum3A_587 : vector<16xf32>, vector<16xi1> -> vector<16xf32>
        %reduce_sum3A_589 = vector.extract %reduce_sum3A_588[15] : f32 from vector<16xf32>
        %broadcast_in_dim3A_590 = vector.broadcast %reduce_sum3A_589 : f32 to vector<16xf32>
        %select_n3A_591 = arith.select %eq3A_579, %broadcast_in_dim3A_590, %select_n3A_450 : vector<16xi1>, vector<16xf32>
        %reduce_sum3A_592 = arith.constant true
        %reduce_sum3A_593 = vector.broadcast %reduce_sum3A_592 : i1 to vector<16xi1>
        %reduce_sum3A_594 = tpu.scan <sum>, %add3A_572 masked %reduce_sum3A_593 : vector<16xf32>, vector<16xi1> -> vector<16xf32>
        %reduce_sum3A_595 = vector.extract %reduce_sum3A_594[15] : f32 from vector<16xf32>
        %broadcast_in_dim3A_596 = vector.broadcast %reduce_sum3A_595 : f32 to vector<16xf32>
        %select_n3A_597 = arith.select %eq3A_579, %broadcast_in_dim3A_596, %select_n3A_456 : vector<16xi1>, vector<16xf32>
        %reduce_sum3A_598 = arith.constant true
        %reduce_sum3A_599 = vector.broadcast %reduce_sum3A_598 : i1 to vector<16xi1>
        %reduce_sum3A_600 = tpu.scan <sum>, %add3A_574 masked %reduce_sum3A_599 : vector<16xf32>, vector<16xi1> -> vector<16xf32>
        %reduce_sum3A_601 = vector.extract %reduce_sum3A_600[15] : f32 from vector<16xf32>
        %broadcast_in_dim3A_602 = vector.broadcast %reduce_sum3A_601 : f32 to vector<16xf32>
        %select_n3A_603 = arith.select %eq3A_579, %broadcast_in_dim3A_602, %select_n3A_462 : vector<16xi1>, vector<16xf32>
        %reduce_sum3A_604 = arith.constant true
        %reduce_sum3A_605 = vector.broadcast %reduce_sum3A_604 : i1 to vector<16xi1>
        %reduce_sum3A_606 = tpu.scan <sum>, %add3A_576 masked %reduce_sum3A_605 : vector<16xf32>, vector<16xi1> -> vector<16xf32>
        %reduce_sum3A_607 = vector.extract %reduce_sum3A_606[15] : f32 from vector<16xf32>
        %broadcast_in_dim3A_608 = vector.broadcast %reduce_sum3A_607 : f32 to vector<16xf32>
        %select_n3A_609 = arith.select %eq3A_579, %broadcast_in_dim3A_608, %select_n3A_468 : vector<16xi1>, vector<16xf32>
        %add3A_610 = arith.constant 4 : i32
        %add3A_611 = arith.addi %mul3A_41, %add3A_610 : i32
        %broadcast_in_dim3A_612 = arith.constant 0.000000e+00 : f32
        %broadcast_in_dim3A_613 = vector.broadcast %broadcast_in_dim3A_612 : f32 to vector<16xf32>
        %broadcast_in_dim3A_614 = arith.constant 0.000000e+00 : f32
        %broadcast_in_dim3A_615 = vector.broadcast %broadcast_in_dim3A_614 : f32 to vector<16xf32>
        %broadcast_in_dim3A_616 = arith.constant 0.000000e+00 : f32
        %broadcast_in_dim3A_617 = vector.broadcast %broadcast_in_dim3A_616 : f32 to vector<16xf32>
        %broadcast_in_dim3A_618 = arith.constant 0.000000e+00 : f32
        %broadcast_in_dim3A_619 = vector.broadcast %broadcast_in_dim3A_618 : f32 to vector<16xf32>
        %broadcast_in_dim3A_620 = arith.constant 0.000000e+00 : f32
        %broadcast_in_dim3A_621 = vector.broadcast %broadcast_in_dim3A_620 : f32 to vector<16xf32>
        %get3A_622 = arith.index_cast %add3A_611 : i32 to index
        %get3A_623 = arith.constant 0 : index
        %get3A_624 = tpu.vector_load %arg14[%get3A_622, %get3A_623] {strides = array<i32>} : memref<128x64xf32, #tpu.memory_space<vmem>>, vector<16xf32>,
        %get3A_625 = arith.index_cast %add3A_611 : i32 to index
        %get3A_626 = arith.constant 0 : index
        %get3A_627 = tpu.vector_load %arg15[%get3A_625, %get3A_626] {strides = array<i32>} : memref<128x64xf32, #tpu.memory_space<vmem>>, vector<16xf32>,
        %get3A_628 = arith.index_cast %add3A_611 : i32 to index
        %get3A_629 = arith.constant 0 : index
        %get3A_630 = tpu.vector_load %arg16[%get3A_628, %get3A_629] {strides = array<i32>} : memref<128x64xf32, #tpu.memory_space<vmem>>, vector<16xf32>,
        %get3A_631 = arith.index_cast %add3A_611 : i32 to index
        %get3A_632 = arith.constant 0 : index
        %get3A_633 = tpu.vector_load %arg17[%get3A_631, %get3A_632] {strides = array<i32>} : memref<128x64xf32, #tpu.memory_space<vmem>>, vector<16xf32>,
        %sub3A_634 = arith.subf %get3A_624, %get3A_630 : vector<16xf32>
        %sub3A_635 = arith.subf %get3A_624, %get3A_633 : vector<16xf32>
        %mul3A_636 = arith.mulf %sub3A_634, %sub3A_634 : vector<16xf32>
        %add3A_637 = arith.addf %broadcast_in_dim3A_613, %mul3A_636 : vector<16xf32>
        %mul3A_638 = arith.mulf %sub3A_635, %sub3A_635 : vector<16xf32>
        %add3A_639 = arith.addf %broadcast_in_dim3A_615, %mul3A_638 : vector<16xf32>
        %mul3A_640 = arith.mulf %get3A_627, %sub3A_634 : vector<16xf32>
        %add3A_641 = arith.addf %broadcast_in_dim3A_617, %mul3A_640 : vector<16xf32>
        %mul3A_642 = arith.mulf %get3A_627, %sub3A_635 : vector<16xf32>
        %add3A_643 = arith.addf %broadcast_in_dim3A_619, %mul3A_642 : vector<16xf32>
        %mul3A_644 = arith.mulf %get3A_627, %get3A_627 : vector<16xf32>
        %add3A_645 = arith.addf %broadcast_in_dim3A_621, %mul3A_644 : vector<16xf32>
        %get3A_646 = arith.index_cast %add3A_611 : i32 to index
        %get3A_647 = arith.constant 16 : index
        %get3A_648 = tpu.vector_load %arg14[%get3A_646, %get3A_647] {strides = array<i32>} : memref<128x64xf32, #tpu.memory_space<vmem>>, vector<16xf32>,
        %get3A_649 = arith.index_cast %add3A_611 : i32 to index
        %get3A_650 = arith.constant 16 : index
        %get3A_651 = tpu.vector_load %arg15[%get3A_649, %get3A_650] {strides = array<i32>} : memref<128x64xf32, #tpu.memory_space<vmem>>, vector<16xf32>,
        %get3A_652 = arith.index_cast %add3A_611 : i32 to index
        %get3A_653 = arith.constant 16 : index
        %get3A_654 = tpu.vector_load %arg16[%get3A_652, %get3A_653] {strides = array<i32>} : memref<128x64xf32, #tpu.memory_space<vmem>>, vector<16xf32>,
        %get3A_655 = arith.index_cast %add3A_611 : i32 to index
        %get3A_656 = arith.constant 16 : index
        %get3A_657 = tpu.vector_load %arg17[%get3A_655, %get3A_656] {strides = array<i32>} : memref<128x64xf32, #tpu.memory_space<vmem>>, vector<16xf32>,
        %sub3A_658 = arith.subf %get3A_648, %get3A_654 : vector<16xf32>
        %sub3A_659 = arith.subf %get3A_648, %get3A_657 : vector<16xf32>
        %mul3A_660 = arith.mulf %sub3A_658, %sub3A_658 : vector<16xf32>
        %add3A_661 = arith.addf %add3A_637, %mul3A_660 : vector<16xf32>
        %mul3A_662 = arith.mulf %sub3A_659, %sub3A_659 : vector<16xf32>
        %add3A_663 = arith.addf %add3A_639, %mul3A_662 : vector<16xf32>
        %mul3A_664 = arith.mulf %get3A_651, %sub3A_658 : vector<16xf32>
        %add3A_665 = arith.addf %add3A_641, %mul3A_664 : vector<16xf32>
        %mul3A_666 = arith.mulf %get3A_651, %sub3A_659 : vector<16xf32>
        %add3A_667 = arith.addf %add3A_643, %mul3A_666 : vector<16xf32>
        %mul3A_668 = arith.mulf %get3A_651, %get3A_651 : vector<16xf32>
        %add3A_669 = arith.addf %add3A_645, %mul3A_668 : vector<16xf32>
        %get3A_670 = arith.index_cast %add3A_611 : i32 to index
        %get3A_671 = arith.constant 32 : index
        %get3A_672 = tpu.vector_load %arg14[%get3A_670, %get3A_671] {strides = array<i32>} : memref<128x64xf32, #tpu.memory_space<vmem>>, vector<16xf32>,
        %get3A_673 = arith.index_cast %add3A_611 : i32 to index
        %get3A_674 = arith.constant 32 : index
        %get3A_675 = tpu.vector_load %arg15[%get3A_673, %get3A_674] {strides = array<i32>} : memref<128x64xf32, #tpu.memory_space<vmem>>, vector<16xf32>,
        %get3A_676 = arith.index_cast %add3A_611 : i32 to index
        %get3A_677 = arith.constant 32 : index
        %get3A_678 = tpu.vector_load %arg16[%get3A_676, %get3A_677] {strides = array<i32>} : memref<128x64xf32, #tpu.memory_space<vmem>>, vector<16xf32>,
        %get3A_679 = arith.index_cast %add3A_611 : i32 to index
        %get3A_680 = arith.constant 32 : index
        %get3A_681 = tpu.vector_load %arg17[%get3A_679, %get3A_680] {strides = array<i32>} : memref<128x64xf32, #tpu.memory_space<vmem>>, vector<16xf32>,
        %sub3A_682 = arith.subf %get3A_672, %get3A_678 : vector<16xf32>
        %sub3A_683 = arith.subf %get3A_672, %get3A_681 : vector<16xf32>
        %mul3A_684 = arith.mulf %sub3A_682, %sub3A_682 : vector<16xf32>
        %add3A_685 = arith.addf %add3A_661, %mul3A_684 : vector<16xf32>
        %mul3A_686 = arith.mulf %sub3A_683, %sub3A_683 : vector<16xf32>
        %add3A_687 = arith.addf %add3A_663, %mul3A_686 : vector<16xf32>
        %mul3A_688 = arith.mulf %get3A_675, %sub3A_682 : vector<16xf32>
        %add3A_689 = arith.addf %add3A_665, %mul3A_688 : vector<16xf32>
        %mul3A_690 = arith.mulf %get3A_675, %sub3A_683 : vector<16xf32>
        %add3A_691 = arith.addf %add3A_667, %mul3A_690 : vector<16xf32>
        %mul3A_692 = arith.mulf %get3A_675, %get3A_675 : vector<16xf32>
        %add3A_693 = arith.addf %add3A_669, %mul3A_692 : vector<16xf32>
        %get3A_694 = arith.index_cast %add3A_611 : i32 to index
        %get3A_695 = arith.constant 48 : index
        %get3A_696 = tpu.vector_load %arg14[%get3A_694, %get3A_695] {strides = array<i32>} : memref<128x64xf32, #tpu.memory_space<vmem>>, vector<16xf32>,
        %get3A_697 = arith.index_cast %add3A_611 : i32 to index
        %get3A_698 = arith.constant 48 : index
        %get3A_699 = tpu.vector_load %arg15[%get3A_697, %get3A_698] {strides = array<i32>} : memref<128x64xf32, #tpu.memory_space<vmem>>, vector<16xf32>,
        %get3A_700 = arith.index_cast %add3A_611 : i32 to index
        %get3A_701 = arith.constant 48 : index
        %get3A_702 = tpu.vector_load %arg16[%get3A_700, %get3A_701] {strides = array<i32>} : memref<128x64xf32, #tpu.memory_space<vmem>>, vector<16xf32>,
        %get3A_703 = arith.index_cast %add3A_611 : i32 to index
        %get3A_704 = arith.constant 48 : index
        %get3A_705 = tpu.vector_load %arg17[%get3A_703, %get3A_704] {strides = array<i32>} : memref<128x64xf32, #tpu.memory_space<vmem>>, vector<16xf32>,
        %sub3A_706 = arith.subf %get3A_696, %get3A_702 : vector<16xf32>
        %sub3A_707 = arith.subf %get3A_696, %get3A_705 : vector<16xf32>
        %mul3A_708 = arith.mulf %sub3A_706, %sub3A_706 : vector<16xf32>
        %add3A_709 = arith.addf %add3A_685, %mul3A_708 : vector<16xf32>
        %mul3A_710 = arith.mulf %sub3A_707, %sub3A_707 : vector<16xf32>
        %add3A_711 = arith.addf %add3A_687, %mul3A_710 : vector<16xf32>
        %mul3A_712 = arith.mulf %get3A_699, %sub3A_706 : vector<16xf32>
        %add3A_713 = arith.addf %add3A_689, %mul3A_712 : vector<16xf32>
        %mul3A_714 = arith.mulf %get3A_699, %sub3A_707 : vector<16xf32>
        %add3A_715 = arith.addf %add3A_691, %mul3A_714 : vector<16xf32>
        %mul3A_716 = arith.mulf %get3A_699, %get3A_699 : vector<16xf32>
        %add3A_717 = arith.addf %add3A_693, %mul3A_716 : vector<16xf32>
        %eq3A_718 = arith.constant 4 : i32
        %eq3A_719 = vector.broadcast %eq3A_718 : i32 to vector<16xi32>
        %eq3A_720 = arith.cmpi eq, %iota3A, %eq3A_719 : vector<16xi32>
        %reduce_sum3A_721 = arith.constant true
        %reduce_sum3A_722 = vector.broadcast %reduce_sum3A_721 : i1 to vector<16xi1>
        %reduce_sum3A_723 = tpu.scan <sum>, %add3A_709 masked %reduce_sum3A_722 : vector<16xf32>, vector<16xi1> -> vector<16xf32>
        %reduce_sum3A_724 = vector.extract %reduce_sum3A_723[15] : f32 from vector<16xf32>
        %broadcast_in_dim3A_725 = vector.broadcast %reduce_sum3A_724 : f32 to vector<16xf32>
        %select_n3A_726 = arith.select %eq3A_720, %broadcast_in_dim3A_725, %select_n3A_585 : vector<16xi1>, vector<16xf32>
        %reduce_sum3A_727 = arith.constant true
        %reduce_sum3A_728 = vector.broadcast %reduce_sum3A_727 : i1 to vector<16xi1>
        %reduce_sum3A_729 = tpu.scan <sum>, %add3A_711 masked %reduce_sum3A_728 : vector<16xf32>, vector<16xi1> -> vector<16xf32>
        %reduce_sum3A_730 = vector.extract %reduce_sum3A_729[15] : f32 from vector<16xf32>
        %broadcast_in_dim3A_731 = vector.broadcast %reduce_sum3A_730 : f32 to vector<16xf32>
        %select_n3A_732 = arith.select %eq3A_720, %broadcast_in_dim3A_731, %select_n3A_591 : vector<16xi1>, vector<16xf32>
        %reduce_sum3A_733 = arith.constant true
        %reduce_sum3A_734 = vector.broadcast %reduce_sum3A_733 : i1 to vector<16xi1>
        %reduce_sum3A_735 = tpu.scan <sum>, %add3A_713 masked %reduce_sum3A_734 : vector<16xf32>, vector<16xi1> -> vector<16xf32>
        %reduce_sum3A_736 = vector.extract %reduce_sum3A_735[15] : f32 from vector<16xf32>
        %broadcast_in_dim3A_737 = vector.broadcast %reduce_sum3A_736 : f32 to vector<16xf32>
        %select_n3A_738 = arith.select %eq3A_720, %broadcast_in_dim3A_737, %select_n3A_597 : vector<16xi1>, vector<16xf32>
        %reduce_sum3A_739 = arith.constant true
        %reduce_sum3A_740 = vector.broadcast %reduce_sum3A_739 : i1 to vector<16xi1>
        %reduce_sum3A_741 = tpu.scan <sum>, %add3A_715 masked %reduce_sum3A_740 : vector<16xf32>, vector<16xi1> -> vector<16xf32>
        %reduce_sum3A_742 = vector.extract %reduce_sum3A_741[15] : f32 from vector<16xf32>
        %broadcast_in_dim3A_743 = vector.broadcast %reduce_sum3A_742 : f32 to vector<16xf32>
        %select_n3A_744 = arith.select %eq3A_720, %broadcast_in_dim3A_743, %select_n3A_603 : vector<16xi1>, vector<16xf32>
        %reduce_sum3A_745 = arith.constant true
        %reduce_sum3A_746 = vector.broadcast %reduce_sum3A_745 : i1 to vector<16xi1>
        %reduce_sum3A_747 = tpu.scan <sum>, %add3A_717 masked %reduce_sum3A_746 : vector<16xf32>, vector<16xi1> -> vector<16xf32>
        %reduce_sum3A_748 = vector.extract %reduce_sum3A_747[15] : f32 from vector<16xf32>
        %broadcast_in_dim3A_749 = vector.broadcast %reduce_sum3A_748 : f32 to vector<16xf32>
        %select_n3A_750 = arith.select %eq3A_720, %broadcast_in_dim3A_749, %select_n3A_609 : vector<16xi1>, vector<16xf32>
        %add3A_751 = arith.constant 5 : i32
        %add3A_752 = arith.addi %mul3A_41, %add3A_751 : i32
        %broadcast_in_dim3A_753 = arith.constant 0.000000e+00 : f32
        %broadcast_in_dim3A_754 = vector.broadcast %broadcast_in_dim3A_753 : f32 to vector<16xf32>
        %broadcast_in_dim3A_755 = arith.constant 0.000000e+00 : f32
        %broadcast_in_dim3A_756 = vector.broadcast %broadcast_in_dim3A_755 : f32 to vector<16xf32>
        %broadcast_in_dim3A_757 = arith.constant 0.000000e+00 : f32
        %broadcast_in_dim3A_758 = vector.broadcast %broadcast_in_dim3A_757 : f32 to vector<16xf32>
        %broadcast_in_dim3A_759 = arith.constant 0.000000e+00 : f32
        %broadcast_in_dim3A_760 = vector.broadcast %broadcast_in_dim3A_759 : f32 to vector<16xf32>
        %broadcast_in_dim3A_761 = arith.constant 0.000000e+00 : f32
        %broadcast_in_dim3A_762 = vector.broadcast %broadcast_in_dim3A_761 : f32 to vector<16xf32>
        %get3A_763 = arith.index_cast %add3A_752 : i32 to index
        %get3A_764 = arith.constant 0 : index
        %get3A_765 = tpu.vector_load %arg14[%get3A_763, %get3A_764] {strides = array<i32>} : memref<128x64xf32, #tpu.memory_space<vmem>>, vector<16xf32>,
        %get3A_766 = arith.index_cast %add3A_752 : i32 to index
        %get3A_767 = arith.constant 0 : index
        %get3A_768 = tpu.vector_load %arg15[%get3A_766, %get3A_767] {strides = array<i32>} : memref<128x64xf32, #tpu.memory_space<vmem>>, vector<16xf32>,
        %get3A_769 = arith.index_cast %add3A_752 : i32 to index
        %get3A_770 = arith.constant 0 : index
        %get3A_771 = tpu.vector_load %arg16[%get3A_769, %get3A_770] {strides = array<i32>} : memref<128x64xf32, #tpu.memory_space<vmem>>, vector<16xf32>,
        %get3A_772 = arith.index_cast %add3A_752 : i32 to index
        %get3A_773 = arith.constant 0 : index
        %get3A_774 = tpu.vector_load %arg17[%get3A_772, %get3A_773] {strides = array<i32>} : memref<128x64xf32, #tpu.memory_space<vmem>>, vector<16xf32>,
        %sub3A_775 = arith.subf %get3A_765, %get3A_771 : vector<16xf32>
        %sub3A_776 = arith.subf %get3A_765, %get3A_774 : vector<16xf32>
        %mul3A_777 = arith.mulf %sub3A_775, %sub3A_775 : vector<16xf32>
        %add3A_778 = arith.addf %broadcast_in_dim3A_754, %mul3A_777 : vector<16xf32>
        %mul3A_779 = arith.mulf %sub3A_776, %sub3A_776 : vector<16xf32>
        %add3A_780 = arith.addf %broadcast_in_dim3A_756, %mul3A_779 : vector<16xf32>
        %mul3A_781 = arith.mulf %get3A_768, %sub3A_775 : vector<16xf32>
        %add3A_782 = arith.addf %broadcast_in_dim3A_758, %mul3A_781 : vector<16xf32>
        %mul3A_783 = arith.mulf %get3A_768, %sub3A_776 : vector<16xf32>
        %add3A_784 = arith.addf %broadcast_in_dim3A_760, %mul3A_783 : vector<16xf32>
        %mul3A_785 = arith.mulf %get3A_768, %get3A_768 : vector<16xf32>
        %add3A_786 = arith.addf %broadcast_in_dim3A_762, %mul3A_785 : vector<16xf32>
        %get3A_787 = arith.index_cast %add3A_752 : i32 to index
        %get3A_788 = arith.constant 16 : index
        %get3A_789 = tpu.vector_load %arg14[%get3A_787, %get3A_788] {strides = array<i32>} : memref<128x64xf32, #tpu.memory_space<vmem>>, vector<16xf32>,
        %get3A_790 = arith.index_cast %add3A_752 : i32 to index
        %get3A_791 = arith.constant 16 : index
        %get3A_792 = tpu.vector_load %arg15[%get3A_790, %get3A_791] {strides = array<i32>} : memref<128x64xf32, #tpu.memory_space<vmem>>, vector<16xf32>,
        %get3A_793 = arith.index_cast %add3A_752 : i32 to index
        %get3A_794 = arith.constant 16 : index
        %get3A_795 = tpu.vector_load %arg16[%get3A_793, %get3A_794] {strides = array<i32>} : memref<128x64xf32, #tpu.memory_space<vmem>>, vector<16xf32>,
        %get3A_796 = arith.index_cast %add3A_752 : i32 to index
        %get3A_797 = arith.constant 16 : index
        %get3A_798 = tpu.vector_load %arg17[%get3A_796, %get3A_797] {strides = array<i32>} : memref<128x64xf32, #tpu.memory_space<vmem>>, vector<16xf32>,
        %sub3A_799 = arith.subf %get3A_789, %get3A_795 : vector<16xf32>
        %sub3A_800 = arith.subf %get3A_789, %get3A_798 : vector<16xf32>
        %mul3A_801 = arith.mulf %sub3A_799, %sub3A_799 : vector<16xf32>
        %add3A_802 = arith.addf %add3A_778, %mul3A_801 : vector<16xf32>
        %mul3A_803 = arith.mulf %sub3A_800, %sub3A_800 : vector<16xf32>
        %add3A_804 = arith.addf %add3A_780, %mul3A_803 : vector<16xf32>
        %mul3A_805 = arith.mulf %get3A_792, %sub3A_799 : vector<16xf32>
        %add3A_806 = arith.addf %add3A_782, %mul3A_805 : vector<16xf32>
        %mul3A_807 = arith.mulf %get3A_792, %sub3A_800 : vector<16xf32>
        %add3A_808 = arith.addf %add3A_784, %mul3A_807 : vector<16xf32>
        %mul3A_809 = arith.mulf %get3A_792, %get3A_792 : vector<16xf32>
        %add3A_810 = arith.addf %add3A_786, %mul3A_809 : vector<16xf32>
        %get3A_811 = arith.index_cast %add3A_752 : i32 to index
        %get3A_812 = arith.constant 32 : index
        %get3A_813 = tpu.vector_load %arg14[%get3A_811, %get3A_812] {strides = array<i32>} : memref<128x64xf32, #tpu.memory_space<vmem>>, vector<16xf32>,
        %get3A_814 = arith.index_cast %add3A_752 : i32 to index
        %get3A_815 = arith.constant 32 : index
        %get3A_816 = tpu.vector_load %arg15[%get3A_814, %get3A_815] {strides = array<i32>} : memref<128x64xf32, #tpu.memory_space<vmem>>, vector<16xf32>,
        %get3A_817 = arith.index_cast %add3A_752 : i32 to index
        %get3A_818 = arith.constant 32 : index
        %get3A_819 = tpu.vector_load %arg16[%get3A_817, %get3A_818] {strides = array<i32>} : memref<128x64xf32, #tpu.memory_space<vmem>>, vector<16xf32>,
        %get3A_820 = arith.index_cast %add3A_752 : i32 to index
        %get3A_821 = arith.constant 32 : index
        %get3A_822 = tpu.vector_load %arg17[%get3A_820, %get3A_821] {strides = array<i32>} : memref<128x64xf32, #tpu.memory_space<vmem>>, vector<16xf32>,
        %sub3A_823 = arith.subf %get3A_813, %get3A_819 : vector<16xf32>
        %sub3A_824 = arith.subf %get3A_813, %get3A_822 : vector<16xf32>
        %mul3A_825 = arith.mulf %sub3A_823, %sub3A_823 : vector<16xf32>
        %add3A_826 = arith.addf %add3A_802, %mul3A_825 : vector<16xf32>
        %mul3A_827 = arith.mulf %sub3A_824, %sub3A_824 : vector<16xf32>
        %add3A_828 = arith.addf %add3A_804, %mul3A_827 : vector<16xf32>
        %mul3A_829 = arith.mulf %get3A_816, %sub3A_823 : vector<16xf32>
        %add3A_830 = arith.addf %add3A_806, %mul3A_829 : vector<16xf32>
        %mul3A_831 = arith.mulf %get3A_816, %sub3A_824 : vector<16xf32>
        %add3A_832 = arith.addf %add3A_808, %mul3A_831 : vector<16xf32>
        %mul3A_833 = arith.mulf %get3A_816, %get3A_816 : vector<16xf32>
        %add3A_834 = arith.addf %add3A_810, %mul3A_833 : vector<16xf32>
        %get3A_835 = arith.index_cast %add3A_752 : i32 to index
        %get3A_836 = arith.constant 48 : index
        %get3A_837 = tpu.vector_load %arg14[%get3A_835, %get3A_836] {strides = array<i32>} : memref<128x64xf32, #tpu.memory_space<vmem>>, vector<16xf32>,
        %get3A_838 = arith.index_cast %add3A_752 : i32 to index
        %get3A_839 = arith.constant 48 : index
        %get3A_840 = tpu.vector_load %arg15[%get3A_838, %get3A_839] {strides = array<i32>} : memref<128x64xf32, #tpu.memory_space<vmem>>, vector<16xf32>,
        %get3A_841 = arith.index_cast %add3A_752 : i32 to index
        %get3A_842 = arith.constant 48 : index
        %get3A_843 = tpu.vector_load %arg16[%get3A_841, %get3A_842] {strides = array<i32>} : memref<128x64xf32, #tpu.memory_space<vmem>>, vector<16xf32>,
        %get3A_844 = arith.index_cast %add3A_752 : i32 to index
        %get3A_845 = arith.constant 48 : index
        %get3A_846 = tpu.vector_load %arg17[%get3A_844, %get3A_845] {strides = array<i32>} : memref<128x64xf32, #tpu.memory_space<vmem>>, vector<16xf32>,
        %sub3A_847 = arith.subf %get3A_837, %get3A_843 : vector<16xf32>
        %sub3A_848 = arith.subf %get3A_837, %get3A_846 : vector<16xf32>
        %mul3A_849 = arith.mulf %sub3A_847, %sub3A_847 : vector<16xf32>
        %add3A_850 = arith.addf %add3A_826, %mul3A_849 : vector<16xf32>
        %mul3A_851 = arith.mulf %sub3A_848, %sub3A_848 : vector<16xf32>
        %add3A_852 = arith.addf %add3A_828, %mul3A_851 : vector<16xf32>
        %mul3A_853 = arith.mulf %get3A_840, %sub3A_847 : vector<16xf32>
        %add3A_854 = arith.addf %add3A_830, %mul3A_853 : vector<16xf32>
        %mul3A_855 = arith.mulf %get3A_840, %sub3A_848 : vector<16xf32>
        %add3A_856 = arith.addf %add3A_832, %mul3A_855 : vector<16xf32>
        %mul3A_857 = arith.mulf %get3A_840, %get3A_840 : vector<16xf32>
        %add3A_858 = arith.addf %add3A_834, %mul3A_857 : vector<16xf32>
        %eq3A_859 = arith.constant 5 : i32
        %eq3A_860 = vector.broadcast %eq3A_859 : i32 to vector<16xi32>
        %eq3A_861 = arith.cmpi eq, %iota3A, %eq3A_860 : vector<16xi32>
        %reduce_sum3A_862 = arith.constant true
        %reduce_sum3A_863 = vector.broadcast %reduce_sum3A_862 : i1 to vector<16xi1>
        %reduce_sum3A_864 = tpu.scan <sum>, %add3A_850 masked %reduce_sum3A_863 : vector<16xf32>, vector<16xi1> -> vector<16xf32>
        %reduce_sum3A_865 = vector.extract %reduce_sum3A_864[15] : f32 from vector<16xf32>
        %broadcast_in_dim3A_866 = vector.broadcast %reduce_sum3A_865 : f32 to vector<16xf32>
        %select_n3A_867 = arith.select %eq3A_861, %broadcast_in_dim3A_866, %select_n3A_726 : vector<16xi1>, vector<16xf32>
        %reduce_sum3A_868 = arith.constant true
        %reduce_sum3A_869 = vector.broadcast %reduce_sum3A_868 : i1 to vector<16xi1>
        %reduce_sum3A_870 = tpu.scan <sum>, %add3A_852 masked %reduce_sum3A_869 : vector<16xf32>, vector<16xi1> -> vector<16xf32>
        %reduce_sum3A_871 = vector.extract %reduce_sum3A_870[15] : f32 from vector<16xf32>
        %broadcast_in_dim3A_872 = vector.broadcast %reduce_sum3A_871 : f32 to vector<16xf32>
        %select_n3A_873 = arith.select %eq3A_861, %broadcast_in_dim3A_872, %select_n3A_732 : vector<16xi1>, vector<16xf32>
        %reduce_sum3A_874 = arith.constant true
        %reduce_sum3A_875 = vector.broadcast %reduce_sum3A_874 : i1 to vector<16xi1>
        %reduce_sum3A_876 = tpu.scan <sum>, %add3A_854 masked %reduce_sum3A_875 : vector<16xf32>, vector<16xi1> -> vector<16xf32>
        %reduce_sum3A_877 = vector.extract %reduce_sum3A_876[15] : f32 from vector<16xf32>
        %broadcast_in_dim3A_878 = vector.broadcast %reduce_sum3A_877 : f32 to vector<16xf32>
        %select_n3A_879 = arith.select %eq3A_861, %broadcast_in_dim3A_878, %select_n3A_738 : vector<16xi1>, vector<16xf32>
        %reduce_sum3A_880 = arith.constant true
        %reduce_sum3A_881 = vector.broadcast %reduce_sum3A_880 : i1 to vector<16xi1>
        %reduce_sum3A_882 = tpu.scan <sum>, %add3A_856 masked %reduce_sum3A_881 : vector<16xf32>, vector<16xi1> -> vector<16xf32>
        %reduce_sum3A_883 = vector.extract %reduce_sum3A_882[15] : f32 from vector<16xf32>
        %broadcast_in_dim3A_884 = vector.broadcast %reduce_sum3A_883 : f32 to vector<16xf32>
        %select_n3A_885 = arith.select %eq3A_861, %broadcast_in_dim3A_884, %select_n3A_744 : vector<16xi1>, vector<16xf32>
        %reduce_sum3A_886 = arith.constant true
        %reduce_sum3A_887 = vector.broadcast %reduce_sum3A_886 : i1 to vector<16xi1>
        %reduce_sum3A_888 = tpu.scan <sum>, %add3A_858 masked %reduce_sum3A_887 : vector<16xf32>, vector<16xi1> -> vector<16xf32>
        %reduce_sum3A_889 = vector.extract %reduce_sum3A_888[15] : f32 from vector<16xf32>
        %broadcast_in_dim3A_890 = vector.broadcast %reduce_sum3A_889 : f32 to vector<16xf32>
        %select_n3A_891 = arith.select %eq3A_861, %broadcast_in_dim3A_890, %select_n3A_750 : vector<16xi1>, vector<16xf32>
        %add3A_892 = arith.constant 6 : i32
        %add3A_893 = arith.addi %mul3A_41, %add3A_892 : i32
        %broadcast_in_dim3A_894 = arith.constant 0.000000e+00 : f32
        %broadcast_in_dim3A_895 = vector.broadcast %broadcast_in_dim3A_894 : f32 to vector<16xf32>
        %broadcast_in_dim3A_896 = arith.constant 0.000000e+00 : f32
        %broadcast_in_dim3A_897 = vector.broadcast %broadcast_in_dim3A_896 : f32 to vector<16xf32>
        %broadcast_in_dim3A_898 = arith.constant 0.000000e+00 : f32
        %broadcast_in_dim3A_899 = vector.broadcast %broadcast_in_dim3A_898 : f32 to vector<16xf32>
        %broadcast_in_dim3A_900 = arith.constant 0.000000e+00 : f32
        %broadcast_in_dim3A_901 = vector.broadcast %broadcast_in_dim3A_900 : f32 to vector<16xf32>
        %broadcast_in_dim3A_902 = arith.constant 0.000000e+00 : f32
        %broadcast_in_dim3A_903 = vector.broadcast %broadcast_in_dim3A_902 : f32 to vector<16xf32>
        %get3A_904 = arith.index_cast %add3A_893 : i32 to index
        %get3A_905 = arith.constant 0 : index
        %get3A_906 = tpu.vector_load %arg14[%get3A_904, %get3A_905] {strides = array<i32>} : memref<128x64xf32, #tpu.memory_space<vmem>>, vector<16xf32>,
        %get3A_907 = arith.index_cast %add3A_893 : i32 to index
        %get3A_908 = arith.constant 0 : index
        %get3A_909 = tpu.vector_load %arg15[%get3A_907, %get3A_908] {strides = array<i32>} : memref<128x64xf32, #tpu.memory_space<vmem>>, vector<16xf32>,
        %get3A_910 = arith.index_cast %add3A_893 : i32 to index
        %get3A_911 = arith.constant 0 : index
        %get3A_912 = tpu.vector_load %arg16[%get3A_910, %get3A_911] {strides = array<i32>} : memref<128x64xf32, #tpu.memory_space<vmem>>, vector<16xf32>,
        %get3A_913 = arith.index_cast %add3A_893 : i32 to index
        %get3A_914 = arith.constant 0 : index
        %get3A_915 = tpu.vector_load %arg17[%get3A_913, %get3A_914] {strides = array<i32>} : memref<128x64xf32, #tpu.memory_space<vmem>>, vector<16xf32>,
        %sub3A_916 = arith.subf %get3A_906, %get3A_912 : vector<16xf32>
        %sub3A_917 = arith.subf %get3A_906, %get3A_915 : vector<16xf32>
        %mul3A_918 = arith.mulf %sub3A_916, %sub3A_916 : vector<16xf32>
        %add3A_919 = arith.addf %broadcast_in_dim3A_895, %mul3A_918 : vector<16xf32>
        %mul3A_920 = arith.mulf %sub3A_917, %sub3A_917 : vector<16xf32>
        %add3A_921 = arith.addf %broadcast_in_dim3A_897, %mul3A_920 : vector<16xf32>
        %mul3A_922 = arith.mulf %get3A_909, %sub3A_916 : vector<16xf32>
        %add3A_923 = arith.addf %broadcast_in_dim3A_899, %mul3A_922 : vector<16xf32>
        %mul3A_924 = arith.mulf %get3A_909, %sub3A_917 : vector<16xf32>
        %add3A_925 = arith.addf %broadcast_in_dim3A_901, %mul3A_924 : vector<16xf32>
        %mul3A_926 = arith.mulf %get3A_909, %get3A_909 : vector<16xf32>
        %add3A_927 = arith.addf %broadcast_in_dim3A_903, %mul3A_926 : vector<16xf32>
        %get3A_928 = arith.index_cast %add3A_893 : i32 to index
        %get3A_929 = arith.constant 16 : index
        %get3A_930 = tpu.vector_load %arg14[%get3A_928, %get3A_929] {strides = array<i32>} : memref<128x64xf32, #tpu.memory_space<vmem>>, vector<16xf32>,
        %get3A_931 = arith.index_cast %add3A_893 : i32 to index
        %get3A_932 = arith.constant 16 : index
        %get3A_933 = tpu.vector_load %arg15[%get3A_931, %get3A_932] {strides = array<i32>} : memref<128x64xf32, #tpu.memory_space<vmem>>, vector<16xf32>,
        %get3A_934 = arith.index_cast %add3A_893 : i32 to index
        %get3A_935 = arith.constant 16 : index
        %get3A_936 = tpu.vector_load %arg16[%get3A_934, %get3A_935] {strides = array<i32>} : memref<128x64xf32, #tpu.memory_space<vmem>>, vector<16xf32>,
        %get3A_937 = arith.index_cast %add3A_893 : i32 to index
        %get3A_938 = arith.constant 16 : index
        %get3A_939 = tpu.vector_load %arg17[%get3A_937, %get3A_938] {strides = array<i32>} : memref<128x64xf32, #tpu.memory_space<vmem>>, vector<16xf32>,
        %sub3A_940 = arith.subf %get3A_930, %get3A_936 : vector<16xf32>
        %sub3A_941 = arith.subf %get3A_930, %get3A_939 : vector<16xf32>
        %mul3A_942 = arith.mulf %sub3A_940, %sub3A_940 : vector<16xf32>
        %add3A_943 = arith.addf %add3A_919, %mul3A_942 : vector<16xf32>
        %mul3A_944 = arith.mulf %sub3A_941, %sub3A_941 : vector<16xf32>
        %add3A_945 = arith.addf %add3A_921, %mul3A_944 : vector<16xf32>
        %mul3A_946 = arith.mulf %get3A_933, %sub3A_940 : vector<16xf32>
        %add3A_947 = arith.addf %add3A_923, %mul3A_946 : vector<16xf32>
        %mul3A_948 = arith.mulf %get3A_933, %sub3A_941 : vector<16xf32>
        %add3A_949 = arith.addf %add3A_925, %mul3A_948 : vector<16xf32>
        %mul3A_950 = arith.mulf %get3A_933, %get3A_933 : vector<16xf32>
        %add3A_951 = arith.addf %add3A_927, %mul3A_950 : vector<16xf32>
        %get3A_952 = arith.index_cast %add3A_893 : i32 to index
        %get3A_953 = arith.constant 32 : index
        %get3A_954 = tpu.vector_load %arg14[%get3A_952, %get3A_953] {strides = array<i32>} : memref<128x64xf32, #tpu.memory_space<vmem>>, vector<16xf32>,
        %get3A_955 = arith.index_cast %add3A_893 : i32 to index
        %get3A_956 = arith.constant 32 : index
        %get3A_957 = tpu.vector_load %arg15[%get3A_955, %get3A_956] {strides = array<i32>} : memref<128x64xf32, #tpu.memory_space<vmem>>, vector<16xf32>,
        %get3A_958 = arith.index_cast %add3A_893 : i32 to index
        %get3A_959 = arith.constant 32 : index
        %get3A_960 = tpu.vector_load %arg16[%get3A_958, %get3A_959] {strides = array<i32>} : memref<128x64xf32, #tpu.memory_space<vmem>>, vector<16xf32>,
        %get3A_961 = arith.index_cast %add3A_893 : i32 to index
        %get3A_962 = arith.constant 32 : index
        %get3A_963 = tpu.vector_load %arg17[%get3A_961, %get3A_962] {strides = array<i32>} : memref<128x64xf32, #tpu.memory_space<vmem>>, vector<16xf32>,
        %sub3A_964 = arith.subf %get3A_954, %get3A_960 : vector<16xf32>
        %sub3A_965 = arith.subf %get3A_954, %get3A_963 : vector<16xf32>
        %mul3A_966 = arith.mulf %sub3A_964, %sub3A_964 : vector<16xf32>
        %add3A_967 = arith.addf %add3A_943, %mul3A_966 : vector<16xf32>
        %mul3A_968 = arith.mulf %sub3A_965, %sub3A_965 : vector<16xf32>
        %add3A_969 = arith.addf %add3A_945, %mul3A_968 : vector<16xf32>
        %mul3A_970 = arith.mulf %get3A_957, %sub3A_964 : vector<16xf32>
        %add3A_971 = arith.addf %add3A_947, %mul3A_970 : vector<16xf32>
        %mul3A_972 = arith.mulf %get3A_957, %sub3A_965 : vector<16xf32>
        %add3A_973 = arith.addf %add3A_949, %mul3A_972 : vector<16xf32>
        %mul3A_974 = arith.mulf %get3A_957, %get3A_957 : vector<16xf32>
        %add3A_975 = arith.addf %add3A_951, %mul3A_974 : vector<16xf32>
        %get3A_976 = arith.index_cast %add3A_893 : i32 to index
        %get3A_977 = arith.constant 48 : index
        %get3A_978 = tpu.vector_load %arg14[%get3A_976, %get3A_977] {strides = array<i32>} : memref<128x64xf32, #tpu.memory_space<vmem>>, vector<16xf32>,
        %get3A_979 = arith.index_cast %add3A_893 : i32 to index
        %get3A_980 = arith.constant 48 : index
        %get3A_981 = tpu.vector_load %arg15[%get3A_979, %get3A_980] {strides = array<i32>} : memref<128x64xf32, #tpu.memory_space<vmem>>, vector<16xf32>,
        %get3A_982 = arith.index_cast %add3A_893 : i32 to index
        %get3A_983 = arith.constant 48 : index
        %get3A_984 = tpu.vector_load %arg16[%get3A_982, %get3A_983] {strides = array<i32>} : memref<128x64xf32, #tpu.memory_space<vmem>>, vector<16xf32>,
        %get3A_985 = arith.index_cast %add3A_893 : i32 to index
        %get3A_986 = arith.constant 48 : index
        %get3A_987 = tpu.vector_load %arg17[%get3A_985, %get3A_986] {strides = array<i32>} : memref<128x64xf32, #tpu.memory_space<vmem>>, vector<16xf32>,
        %sub3A_988 = arith.subf %get3A_978, %get3A_984 : vector<16xf32>
        %sub3A_989 = arith.subf %get3A_978, %get3A_987 : vector<16xf32>
        %mul3A_990 = arith.mulf %sub3A_988, %sub3A_988 : vector<16xf32>
        %add3A_991 = arith.addf %add3A_967, %mul3A_990 : vector<16xf32>
        %mul3A_992 = arith.mulf %sub3A_989, %sub3A_989 : vector<16xf32>
        %add3A_993 = arith.addf %add3A_969, %mul3A_992 : vector<16xf32>
        %mul3A_994 = arith.mulf %get3A_981, %sub3A_988 : vector<16xf32>
        %add3A_995 = arith.addf %add3A_971, %mul3A_994 : vector<16xf32>
        %mul3A_996 = arith.mulf %get3A_981, %sub3A_989 : vector<16xf32>
        %add3A_997 = arith.addf %add3A_973, %mul3A_996 : vector<16xf32>
        %mul3A_998 = arith.mulf %get3A_981, %get3A_981 : vector<16xf32>
        %add3A_999 = arith.addf %add3A_975, %mul3A_998 : vector<16xf32>
        %eq3A_1000 = arith.constant 6 : i32
        %eq3A_1001 = vector.broadcast %eq3A_1000 : i32 to vector<16xi32>
        %eq3A_1002 = arith.cmpi eq, %iota3A, %eq3A_1001 : vector<16xi32>
        %reduce_sum3A_1003 = arith.constant true
        %reduce_sum3A_1004 = vector.broadcast %reduce_sum3A_1003 : i1 to vector<16xi1>
        %reduce_sum3A_1005 = tpu.scan <sum>, %add3A_991 masked %reduce_sum3A_1004 : vector<16xf32>, vector<16xi1> -> vector<16xf32>
        %reduce_sum3A_1006 = vector.extract %reduce_sum3A_1005[15] : f32 from vector<16xf32>
        %broadcast_in_dim3A_1007 = vector.broadcast %reduce_sum3A_1006 : f32 to vector<16xf32>
        %select_n3A_1008 = arith.select %eq3A_1002, %broadcast_in_dim3A_1007, %select_n3A_867 : vector<16xi1>, vector<16xf32>
        %reduce_sum3A_1009 = arith.constant true
        %reduce_sum3A_1010 = vector.broadcast %reduce_sum3A_1009 : i1 to vector<16xi1>
        %reduce_sum3A_1011 = tpu.scan <sum>, %add3A_993 masked %reduce_sum3A_1010 : vector<16xf32>, vector<16xi1> -> vector<16xf32>
        %reduce_sum3A_1012 = vector.extract %reduce_sum3A_1011[15] : f32 from vector<16xf32>
        %broadcast_in_dim3A_1013 = vector.broadcast %reduce_sum3A_1012 : f32 to vector<16xf32>
        %select_n3A_1014 = arith.select %eq3A_1002, %broadcast_in_dim3A_1013, %select_n3A_873 : vector<16xi1>, vector<16xf32>
        %reduce_sum3A_1015 = arith.constant true
        %reduce_sum3A_1016 = vector.broadcast %reduce_sum3A_1015 : i1 to vector<16xi1>
        %reduce_sum3A_1017 = tpu.scan <sum>, %add3A_995 masked %reduce_sum3A_1016 : vector<16xf32>, vector<16xi1> -> vector<16xf32>
        %reduce_sum3A_1018 = vector.extract %reduce_sum3A_1017[15] : f32 from vector<16xf32>
        %broadcast_in_dim3A_1019 = vector.broadcast %reduce_sum3A_1018 : f32 to vector<16xf32>
        %select_n3A_1020 = arith.select %eq3A_1002, %broadcast_in_dim3A_1019, %select_n3A_879 : vector<16xi1>, vector<16xf32>
        %reduce_sum3A_1021 = arith.constant true
        %reduce_sum3A_1022 = vector.broadcast %reduce_sum3A_1021 : i1 to vector<16xi1>
        %reduce_sum3A_1023 = tpu.scan <sum>, %add3A_997 masked %reduce_sum3A_1022 : vector<16xf32>, vector<16xi1> -> vector<16xf32>
        %reduce_sum3A_1024 = vector.extract %reduce_sum3A_1023[15] : f32 from vector<16xf32>
        %broadcast_in_dim3A_1025 = vector.broadcast %reduce_sum3A_1024 : f32 to vector<16xf32>
        %select_n3A_1026 = arith.select %eq3A_1002, %broadcast_in_dim3A_1025, %select_n3A_885 : vector<16xi1>, vector<16xf32>
        %reduce_sum3A_1027 = arith.constant true
        %reduce_sum3A_1028 = vector.broadcast %reduce_sum3A_1027 : i1 to vector<16xi1>
        %reduce_sum3A_1029 = tpu.scan <sum>, %add3A_999 masked %reduce_sum3A_1028 : vector<16xf32>, vector<16xi1> -> vector<16xf32>
        %reduce_sum3A_1030 = vector.extract %reduce_sum3A_1029[15] : f32 from vector<16xf32>
        %broadcast_in_dim3A_1031 = vector.broadcast %reduce_sum3A_1030 : f32 to vector<16xf32>
        %select_n3A_1032 = arith.select %eq3A_1002, %broadcast_in_dim3A_1031, %select_n3A_891 : vector<16xi1>, vector<16xf32>
        %add3A_1033 = arith.constant 7 : i32
        %add3A_1034 = arith.addi %mul3A_41, %add3A_1033 : i32
        %broadcast_in_dim3A_1035 = arith.constant 0.000000e+00 : f32
        %broadcast_in_dim3A_1036 = vector.broadcast %broadcast_in_dim3A_1035 : f32 to vector<16xf32>
        %broadcast_in_dim3A_1037 = arith.constant 0.000000e+00 : f32
        %broadcast_in_dim3A_1038 = vector.broadcast %broadcast_in_dim3A_1037 : f32 to vector<16xf32>
        %broadcast_in_dim3A_1039 = arith.constant 0.000000e+00 : f32
        %broadcast_in_dim3A_1040 = vector.broadcast %broadcast_in_dim3A_1039 : f32 to vector<16xf32>
        %broadcast_in_dim3A_1041 = arith.constant 0.000000e+00 : f32
        %broadcast_in_dim3A_1042 = vector.broadcast %broadcast_in_dim3A_1041 : f32 to vector<16xf32>
        %broadcast_in_dim3A_1043 = arith.constant 0.000000e+00 : f32
        %broadcast_in_dim3A_1044 = vector.broadcast %broadcast_in_dim3A_1043 : f32 to vector<16xf32>
        %get3A_1045 = arith.index_cast %add3A_1034 : i32 to index
        %get3A_1046 = arith.constant 0 : index
        %get3A_1047 = tpu.vector_load %arg14[%get3A_1045, %get3A_1046] {strides = array<i32>} : memref<128x64xf32, #tpu.memory_space<vmem>>, vector<16xf32>,
        %get3A_1048 = arith.index_cast %add3A_1034 : i32 to index
        %get3A_1049 = arith.constant 0 : index
        %get3A_1050 = tpu.vector_load %arg15[%get3A_1048, %get3A_1049] {strides = array<i32>} : memref<128x64xf32, #tpu.memory_space<vmem>>, vector<16xf32>,
        %get3A_1051 = arith.index_cast %add3A_1034 : i32 to index
        %get3A_1052 = arith.constant 0 : index
        %get3A_1053 = tpu.vector_load %arg16[%get3A_1051, %get3A_1052] {strides = array<i32>} : memref<128x64xf32, #tpu.memory_space<vmem>>, vector<16xf32>,
        %get3A_1054 = arith.index_cast %add3A_1034 : i32 to index
        %get3A_1055 = arith.constant 0 : index
        %get3A_1056 = tpu.vector_load %arg17[%get3A_1054, %get3A_1055] {strides = array<i32>} : memref<128x64xf32, #tpu.memory_space<vmem>>, vector<16xf32>,
        %sub3A_1057 = arith.subf %get3A_1047, %get3A_1053 : vector<16xf32>
        %sub3A_1058 = arith.subf %get3A_1047, %get3A_1056 : vector<16xf32>
        %mul3A_1059 = arith.mulf %sub3A_1057, %sub3A_1057 : vector<16xf32>
        %add3A_1060 = arith.addf %broadcast_in_dim3A_1036, %mul3A_1059 : vector<16xf32>
        %mul3A_1061 = arith.mulf %sub3A_1058, %sub3A_1058 : vector<16xf32>
        %add3A_1062 = arith.addf %broadcast_in_dim3A_1038, %mul3A_1061 : vector<16xf32>
        %mul3A_1063 = arith.mulf %get3A_1050, %sub3A_1057 : vector<16xf32>
        %add3A_1064 = arith.addf %broadcast_in_dim3A_1040, %mul3A_1063 : vector<16xf32>
        %mul3A_1065 = arith.mulf %get3A_1050, %sub3A_1058 : vector<16xf32>
        %add3A_1066 = arith.addf %broadcast_in_dim3A_1042, %mul3A_1065 : vector<16xf32>
        %mul3A_1067 = arith.mulf %get3A_1050, %get3A_1050 : vector<16xf32>
        %add3A_1068 = arith.addf %broadcast_in_dim3A_1044, %mul3A_1067 : vector<16xf32>
        %get3A_1069 = arith.index_cast %add3A_1034 : i32 to index
        %get3A_1070 = arith.constant 16 : index
        %get3A_1071 = tpu.vector_load %arg14[%get3A_1069, %get3A_1070] {strides = array<i32>} : memref<128x64xf32, #tpu.memory_space<vmem>>, vector<16xf32>,
        %get3A_1072 = arith.index_cast %add3A_1034 : i32 to index
        %get3A_1073 = arith.constant 16 : index
        %get3A_1074 = tpu.vector_load %arg15[%get3A_1072, %get3A_1073] {strides = array<i32>} : memref<128x64xf32, #tpu.memory_space<vmem>>, vector<16xf32>,
        %get3A_1075 = arith.index_cast %add3A_1034 : i32 to index
        %get3A_1076 = arith.constant 16 : index
        %get3A_1077 = tpu.vector_load %arg16[%get3A_1075, %get3A_1076] {strides = array<i32>} : memref<128x64xf32, #tpu.memory_space<vmem>>, vector<16xf32>,
        %get3A_1078 = arith.index_cast %add3A_1034 : i32 to index
        %get3A_1079 = arith.constant 16 : index
        %get3A_1080 = tpu.vector_load %arg17[%get3A_1078, %get3A_1079] {strides = array<i32>} : memref<128x64xf32, #tpu.memory_space<vmem>>, vector<16xf32>,
        %sub3A_1081 = arith.subf %get3A_1071, %get3A_1077 : vector<16xf32>
        %sub3A_1082 = arith.subf %get3A_1071, %get3A_1080 : vector<16xf32>
        %mul3A_1083 = arith.mulf %sub3A_1081, %sub3A_1081 : vector<16xf32>
        %add3A_1084 = arith.addf %add3A_1060, %mul3A_1083 : vector<16xf32>
        %mul3A_1085 = arith.mulf %sub3A_1082, %sub3A_1082 : vector<16xf32>
        %add3A_1086 = arith.addf %add3A_1062, %mul3A_1085 : vector<16xf32>
        %mul3A_1087 = arith.mulf %get3A_1074, %sub3A_1081 : vector<16xf32>
        %add3A_1088 = arith.addf %add3A_1064, %mul3A_1087 : vector<16xf32>
        %mul3A_1089 = arith.mulf %get3A_1074, %sub3A_1082 : vector<16xf32>
        %add3A_1090 = arith.addf %add3A_1066, %mul3A_1089 : vector<16xf32>
        %mul3A_1091 = arith.mulf %get3A_1074, %get3A_1074 : vector<16xf32>
        %add3A_1092 = arith.addf %add3A_1068, %mul3A_1091 : vector<16xf32>
        %get3A_1093 = arith.index_cast %add3A_1034 : i32 to index
        %get3A_1094 = arith.constant 32 : index
        %get3A_1095 = tpu.vector_load %arg14[%get3A_1093, %get3A_1094] {strides = array<i32>} : memref<128x64xf32, #tpu.memory_space<vmem>>, vector<16xf32>,
        %get3A_1096 = arith.index_cast %add3A_1034 : i32 to index
        %get3A_1097 = arith.constant 32 : index
        %get3A_1098 = tpu.vector_load %arg15[%get3A_1096, %get3A_1097] {strides = array<i32>} : memref<128x64xf32, #tpu.memory_space<vmem>>, vector<16xf32>,
        %get3A_1099 = arith.index_cast %add3A_1034 : i32 to index
        %get3A_1100 = arith.constant 32 : index
        %get3A_1101 = tpu.vector_load %arg16[%get3A_1099, %get3A_1100] {strides = array<i32>} : memref<128x64xf32, #tpu.memory_space<vmem>>, vector<16xf32>,
        %get3A_1102 = arith.index_cast %add3A_1034 : i32 to index
        %get3A_1103 = arith.constant 32 : index
        %get3A_1104 = tpu.vector_load %arg17[%get3A_1102, %get3A_1103] {strides = array<i32>} : memref<128x64xf32, #tpu.memory_space<vmem>>, vector<16xf32>,
        %sub3A_1105 = arith.subf %get3A_1095, %get3A_1101 : vector<16xf32>
        %sub3A_1106 = arith.subf %get3A_1095, %get3A_1104 : vector<16xf32>
        %mul3A_1107 = arith.mulf %sub3A_1105, %sub3A_1105 : vector<16xf32>
        %add3A_1108 = arith.addf %add3A_1084, %mul3A_1107 : vector<16xf32>
        %mul3A_1109 = arith.mulf %sub3A_1106, %sub3A_1106 : vector<16xf32>
        %add3A_1110 = arith.addf %add3A_1086, %mul3A_1109 : vector<16xf32>
        %mul3A_1111 = arith.mulf %get3A_1098, %sub3A_1105 : vector<16xf32>
        %add3A_1112 = arith.addf %add3A_1088, %mul3A_1111 : vector<16xf32>
        %mul3A_1113 = arith.mulf %get3A_1098, %sub3A_1106 : vector<16xf32>
        %add3A_1114 = arith.addf %add3A_1090, %mul3A_1113 : vector<16xf32>
        %mul3A_1115 = arith.mulf %get3A_1098, %get3A_1098 : vector<16xf32>
        %add3A_1116 = arith.addf %add3A_1092, %mul3A_1115 : vector<16xf32>
        %get3A_1117 = arith.index_cast %add3A_1034 : i32 to index
        %get3A_1118 = arith.constant 48 : index
        %get3A_1119 = tpu.vector_load %arg14[%get3A_1117, %get3A_1118] {strides = array<i32>} : memref<128x64xf32, #tpu.memory_space<vmem>>, vector<16xf32>,
        %get3A_1120 = arith.index_cast %add3A_1034 : i32 to index
        %get3A_1121 = arith.constant 48 : index
        %get3A_1122 = tpu.vector_load %arg15[%get3A_1120, %get3A_1121] {strides = array<i32>} : memref<128x64xf32, #tpu.memory_space<vmem>>, vector<16xf32>,
        %get3A_1123 = arith.index_cast %add3A_1034 : i32 to index
        %get3A_1124 = arith.constant 48 : index
        %get3A_1125 = tpu.vector_load %arg16[%get3A_1123, %get3A_1124] {strides = array<i32>} : memref<128x64xf32, #tpu.memory_space<vmem>>, vector<16xf32>,
        %get3A_1126 = arith.index_cast %add3A_1034 : i32 to index
        %get3A_1127 = arith.constant 48 : index
        %get3A_1128 = tpu.vector_load %arg17[%get3A_1126, %get3A_1127] {strides = array<i32>} : memref<128x64xf32, #tpu.memory_space<vmem>>, vector<16xf32>,
        %sub3A_1129 = arith.subf %get3A_1119, %get3A_1125 : vector<16xf32>
        %sub3A_1130 = arith.subf %get3A_1119, %get3A_1128 : vector<16xf32>
        %mul3A_1131 = arith.mulf %sub3A_1129, %sub3A_1129 : vector<16xf32>
        %add3A_1132 = arith.addf %add3A_1108, %mul3A_1131 : vector<16xf32>
        %mul3A_1133 = arith.mulf %sub3A_1130, %sub3A_1130 : vector<16xf32>
        %add3A_1134 = arith.addf %add3A_1110, %mul3A_1133 : vector<16xf32>
        %mul3A_1135 = arith.mulf %get3A_1122, %sub3A_1129 : vector<16xf32>
        %add3A_1136 = arith.addf %add3A_1112, %mul3A_1135 : vector<16xf32>
        %mul3A_1137 = arith.mulf %get3A_1122, %sub3A_1130 : vector<16xf32>
        %add3A_1138 = arith.addf %add3A_1114, %mul3A_1137 : vector<16xf32>
        %mul3A_1139 = arith.mulf %get3A_1122, %get3A_1122 : vector<16xf32>
        %add3A_1140 = arith.addf %add3A_1116, %mul3A_1139 : vector<16xf32>
        %eq3A_1141 = arith.constant 7 : i32
        %eq3A_1142 = vector.broadcast %eq3A_1141 : i32 to vector<16xi32>
        %eq3A_1143 = arith.cmpi eq, %iota3A, %eq3A_1142 : vector<16xi32>
        %reduce_sum3A_1144 = arith.constant true
        %reduce_sum3A_1145 = vector.broadcast %reduce_sum3A_1144 : i1 to vector<16xi1>
        %reduce_sum3A_1146 = tpu.scan <sum>, %add3A_1132 masked %reduce_sum3A_1145 : vector<16xf32>, vector<16xi1> -> vector<16xf32>
        %reduce_sum3A_1147 = vector.extract %reduce_sum3A_1146[15] : f32 from vector<16xf32>
        %broadcast_in_dim3A_1148 = vector.broadcast %reduce_sum3A_1147 : f32 to vector<16xf32>
        %select_n3A_1149 = arith.select %eq3A_1143, %broadcast_in_dim3A_1148, %select_n3A_1008 : vector<16xi1>, vector<16xf32>
        %reduce_sum3A_1150 = arith.constant true
        %reduce_sum3A_1151 = vector.broadcast %reduce_sum3A_1150 : i1 to vector<16xi1>
        %reduce_sum3A_1152 = tpu.scan <sum>, %add3A_1134 masked %reduce_sum3A_1151 : vector<16xf32>, vector<16xi1> -> vector<16xf32>
        %reduce_sum3A_1153 = vector.extract %reduce_sum3A_1152[15] : f32 from vector<16xf32>
        %broadcast_in_dim3A_1154 = vector.broadcast %reduce_sum3A_1153 : f32 to vector<16xf32>
        %select_n3A_1155 = arith.select %eq3A_1143, %broadcast_in_dim3A_1154, %select_n3A_1014 : vector<16xi1>, vector<16xf32>
        %reduce_sum3A_1156 = arith.constant true
        %reduce_sum3A_1157 = vector.broadcast %reduce_sum3A_1156 : i1 to vector<16xi1>
        %reduce_sum3A_1158 = tpu.scan <sum>, %add3A_1136 masked %reduce_sum3A_1157 : vector<16xf32>, vector<16xi1> -> vector<16xf32>
        %reduce_sum3A_1159 = vector.extract %reduce_sum3A_1158[15] : f32 from vector<16xf32>
        %broadcast_in_dim3A_1160 = vector.broadcast %reduce_sum3A_1159 : f32 to vector<16xf32>
        %select_n3A_1161 = arith.select %eq3A_1143, %broadcast_in_dim3A_1160, %select_n3A_1020 : vector<16xi1>, vector<16xf32>
        %reduce_sum3A_1162 = arith.constant true
        %reduce_sum3A_1163 = vector.broadcast %reduce_sum3A_1162 : i1 to vector<16xi1>
        %reduce_sum3A_1164 = tpu.scan <sum>, %add3A_1138 masked %reduce_sum3A_1163 : vector<16xf32>, vector<16xi1> -> vector<16xf32>
        %reduce_sum3A_1165 = vector.extract %reduce_sum3A_1164[15] : f32 from vector<16xf32>
        %broadcast_in_dim3A_1166 = vector.broadcast %reduce_sum3A_1165 : f32 to vector<16xf32>
        %select_n3A_1167 = arith.select %eq3A_1143, %broadcast_in_dim3A_1166, %select_n3A_1026 : vector<16xi1>, vector<16xf32>
        %reduce_sum3A_1168 = arith.constant true
        %reduce_sum3A_1169 = vector.broadcast %reduce_sum3A_1168 : i1 to vector<16xi1>
        %reduce_sum3A_1170 = tpu.scan <sum>, %add3A_1140 masked %reduce_sum3A_1169 : vector<16xf32>, vector<16xi1> -> vector<16xf32>
        %reduce_sum3A_1171 = vector.extract %reduce_sum3A_1170[15] : f32 from vector<16xf32>
        %broadcast_in_dim3A_1172 = vector.broadcast %reduce_sum3A_1171 : f32 to vector<16xf32>
        %select_n3A_1173 = arith.select %eq3A_1143, %broadcast_in_dim3A_1172, %select_n3A_1032 : vector<16xi1>, vector<16xf32>
        %add3A_1174 = arith.constant 8 : i32
        %add3A_1175 = arith.addi %mul3A_41, %add3A_1174 : i32
        %broadcast_in_dim3A_1176 = arith.constant 0.000000e+00 : f32
        %broadcast_in_dim3A_1177 = vector.broadcast %broadcast_in_dim3A_1176 : f32 to vector<16xf32>
        %broadcast_in_dim3A_1178 = arith.constant 0.000000e+00 : f32
        %broadcast_in_dim3A_1179 = vector.broadcast %broadcast_in_dim3A_1178 : f32 to vector<16xf32>
        %broadcast_in_dim3A_1180 = arith.constant 0.000000e+00 : f32
        %broadcast_in_dim3A_1181 = vector.broadcast %broadcast_in_dim3A_1180 : f32 to vector<16xf32>
        %broadcast_in_dim3A_1182 = arith.constant 0.000000e+00 : f32
        %broadcast_in_dim3A_1183 = vector.broadcast %broadcast_in_dim3A_1182 : f32 to vector<16xf32>
        %broadcast_in_dim3A_1184 = arith.constant 0.000000e+00 : f32
        %broadcast_in_dim3A_1185 = vector.broadcast %broadcast_in_dim3A_1184 : f32 to vector<16xf32>
        %get3A_1186 = arith.index_cast %add3A_1175 : i32 to index
        %get3A_1187 = arith.constant 0 : index
        %get3A_1188 = tpu.vector_load %arg14[%get3A_1186, %get3A_1187] {strides = array<i32>} : memref<128x64xf32, #tpu.memory_space<vmem>>, vector<16xf32>,
        %get3A_1189 = arith.index_cast %add3A_1175 : i32 to index
        %get3A_1190 = arith.constant 0 : index
        %get3A_1191 = tpu.vector_load %arg15[%get3A_1189, %get3A_1190] {strides = array<i32>} : memref<128x64xf32, #tpu.memory_space<vmem>>, vector<16xf32>,
        %get3A_1192 = arith.index_cast %add3A_1175 : i32 to index
        %get3A_1193 = arith.constant 0 : index
        %get3A_1194 = tpu.vector_load %arg16[%get3A_1192, %get3A_1193] {strides = array<i32>} : memref<128x64xf32, #tpu.memory_space<vmem>>, vector<16xf32>,
        %get3A_1195 = arith.index_cast %add3A_1175 : i32 to index
        %get3A_1196 = arith.constant 0 : index
        %get3A_1197 = tpu.vector_load %arg17[%get3A_1195, %get3A_1196] {strides = array<i32>} : memref<128x64xf32, #tpu.memory_space<vmem>>, vector<16xf32>,
        %sub3A_1198 = arith.subf %get3A_1188, %get3A_1194 : vector<16xf32>
        %sub3A_1199 = arith.subf %get3A_1188, %get3A_1197 : vector<16xf32>
        %mul3A_1200 = arith.mulf %sub3A_1198, %sub3A_1198 : vector<16xf32>
        %add3A_1201 = arith.addf %broadcast_in_dim3A_1177, %mul3A_1200 : vector<16xf32>
        %mul3A_1202 = arith.mulf %sub3A_1199, %sub3A_1199 : vector<16xf32>
        %add3A_1203 = arith.addf %broadcast_in_dim3A_1179, %mul3A_1202 : vector<16xf32>
        %mul3A_1204 = arith.mulf %get3A_1191, %sub3A_1198 : vector<16xf32>
        %add3A_1205 = arith.addf %broadcast_in_dim3A_1181, %mul3A_1204 : vector<16xf32>
        %mul3A_1206 = arith.mulf %get3A_1191, %sub3A_1199 : vector<16xf32>
        %add3A_1207 = arith.addf %broadcast_in_dim3A_1183, %mul3A_1206 : vector<16xf32>
        %mul3A_1208 = arith.mulf %get3A_1191, %get3A_1191 : vector<16xf32>
        %add3A_1209 = arith.addf %broadcast_in_dim3A_1185, %mul3A_1208 : vector<16xf32>
        %get3A_1210 = arith.index_cast %add3A_1175 : i32 to index
        %get3A_1211 = arith.constant 16 : index
        %get3A_1212 = tpu.vector_load %arg14[%get3A_1210, %get3A_1211] {strides = array<i32>} : memref<128x64xf32, #tpu.memory_space<vmem>>, vector<16xf32>,
        %get3A_1213 = arith.index_cast %add3A_1175 : i32 to index
        %get3A_1214 = arith.constant 16 : index
        %get3A_1215 = tpu.vector_load %arg15[%get3A_1213, %get3A_1214] {strides = array<i32>} : memref<128x64xf32, #tpu.memory_space<vmem>>, vector<16xf32>,
        %get3A_1216 = arith.index_cast %add3A_1175 : i32 to index
        %get3A_1217 = arith.constant 16 : index
        %get3A_1218 = tpu.vector_load %arg16[%get3A_1216, %get3A_1217] {strides = array<i32>} : memref<128x64xf32, #tpu.memory_space<vmem>>, vector<16xf32>,
        %get3A_1219 = arith.index_cast %add3A_1175 : i32 to index
        %get3A_1220 = arith.constant 16 : index
        %get3A_1221 = tpu.vector_load %arg17[%get3A_1219, %get3A_1220] {strides = array<i32>} : memref<128x64xf32, #tpu.memory_space<vmem>>, vector<16xf32>,
        %sub3A_1222 = arith.subf %get3A_1212, %get3A_1218 : vector<16xf32>
        %sub3A_1223 = arith.subf %get3A_1212, %get3A_1221 : vector<16xf32>
        %mul3A_1224 = arith.mulf %sub3A_1222, %sub3A_1222 : vector<16xf32>
        %add3A_1225 = arith.addf %add3A_1201, %mul3A_1224 : vector<16xf32>
        %mul3A_1226 = arith.mulf %sub3A_1223, %sub3A_1223 : vector<16xf32>
        %add3A_1227 = arith.addf %add3A_1203, %mul3A_1226 : vector<16xf32>
        %mul3A_1228 = arith.mulf %get3A_1215, %sub3A_1222 : vector<16xf32>
        %add3A_1229 = arith.addf %add3A_1205, %mul3A_1228 : vector<16xf32>
        %mul3A_1230 = arith.mulf %get3A_1215, %sub3A_1223 : vector<16xf32>
        %add3A_1231 = arith.addf %add3A_1207, %mul3A_1230 : vector<16xf32>
        %mul3A_1232 = arith.mulf %get3A_1215, %get3A_1215 : vector<16xf32>
        %add3A_1233 = arith.addf %add3A_1209, %mul3A_1232 : vector<16xf32>
        %get3A_1234 = arith.index_cast %add3A_1175 : i32 to index
        %get3A_1235 = arith.constant 32 : index
        %get3A_1236 = tpu.vector_load %arg14[%get3A_1234, %get3A_1235] {strides = array<i32>} : memref<128x64xf32, #tpu.memory_space<vmem>>, vector<16xf32>,
        %get3A_1237 = arith.index_cast %add3A_1175 : i32 to index
        %get3A_1238 = arith.constant 32 : index
        %get3A_1239 = tpu.vector_load %arg15[%get3A_1237, %get3A_1238] {strides = array<i32>} : memref<128x64xf32, #tpu.memory_space<vmem>>, vector<16xf32>,
        %get3A_1240 = arith.index_cast %add3A_1175 : i32 to index
        %get3A_1241 = arith.constant 32 : index
        %get3A_1242 = tpu.vector_load %arg16[%get3A_1240, %get3A_1241] {strides = array<i32>} : memref<128x64xf32, #tpu.memory_space<vmem>>, vector<16xf32>,
        %get3A_1243 = arith.index_cast %add3A_1175 : i32 to index
        %get3A_1244 = arith.constant 32 : index
        %get3A_1245 = tpu.vector_load %arg17[%get3A_1243, %get3A_1244] {strides = array<i32>} : memref<128x64xf32, #tpu.memory_space<vmem>>, vector<16xf32>,
        %sub3A_1246 = arith.subf %get3A_1236, %get3A_1242 : vector<16xf32>
        %sub3A_1247 = arith.subf %get3A_1236, %get3A_1245 : vector<16xf32>
        %mul3A_1248 = arith.mulf %sub3A_1246, %sub3A_1246 : vector<16xf32>
        %add3A_1249 = arith.addf %add3A_1225, %mul3A_1248 : vector<16xf32>
        %mul3A_1250 = arith.mulf %sub3A_1247, %sub3A_1247 : vector<16xf32>
        %add3A_1251 = arith.addf %add3A_1227, %mul3A_1250 : vector<16xf32>
        %mul3A_1252 = arith.mulf %get3A_1239, %sub3A_1246 : vector<16xf32>
        %add3A_1253 = arith.addf %add3A_1229, %mul3A_1252 : vector<16xf32>
        %mul3A_1254 = arith.mulf %get3A_1239, %sub3A_1247 : vector<16xf32>
        %add3A_1255 = arith.addf %add3A_1231, %mul3A_1254 : vector<16xf32>
        %mul3A_1256 = arith.mulf %get3A_1239, %get3A_1239 : vector<16xf32>
        %add3A_1257 = arith.addf %add3A_1233, %mul3A_1256 : vector<16xf32>
        %get3A_1258 = arith.index_cast %add3A_1175 : i32 to index
        %get3A_1259 = arith.constant 48 : index
        %get3A_1260 = tpu.vector_load %arg14[%get3A_1258, %get3A_1259] {strides = array<i32>} : memref<128x64xf32, #tpu.memory_space<vmem>>, vector<16xf32>,
        %get3A_1261 = arith.index_cast %add3A_1175 : i32 to index
        %get3A_1262 = arith.constant 48 : index
        %get3A_1263 = tpu.vector_load %arg15[%get3A_1261, %get3A_1262] {strides = array<i32>} : memref<128x64xf32, #tpu.memory_space<vmem>>, vector<16xf32>,
        %get3A_1264 = arith.index_cast %add3A_1175 : i32 to index
        %get3A_1265 = arith.constant 48 : index
        %get3A_1266 = tpu.vector_load %arg16[%get3A_1264, %get3A_1265] {strides = array<i32>} : memref<128x64xf32, #tpu.memory_space<vmem>>, vector<16xf32>,
        %get3A_1267 = arith.index_cast %add3A_1175 : i32 to index
        %get3A_1268 = arith.constant 48 : index
        %get3A_1269 = tpu.vector_load %arg17[%get3A_1267, %get3A_1268] {strides = array<i32>} : memref<128x64xf32, #tpu.memory_space<vmem>>, vector<16xf32>,
        %sub3A_1270 = arith.subf %get3A_1260, %get3A_1266 : vector<16xf32>
        %sub3A_1271 = arith.subf %get3A_1260, %get3A_1269 : vector<16xf32>
        %mul3A_1272 = arith.mulf %sub3A_1270, %sub3A_1270 : vector<16xf32>
        %add3A_1273 = arith.addf %add3A_1249, %mul3A_1272 : vector<16xf32>
        %mul3A_1274 = arith.mulf %sub3A_1271, %sub3A_1271 : vector<16xf32>
        %add3A_1275 = arith.addf %add3A_1251, %mul3A_1274 : vector<16xf32>
        %mul3A_1276 = arith.mulf %get3A_1263, %sub3A_1270 : vector<16xf32>
        %add3A_1277 = arith.addf %add3A_1253, %mul3A_1276 : vector<16xf32>
        %mul3A_1278 = arith.mulf %get3A_1263, %sub3A_1271 : vector<16xf32>
        %add3A_1279 = arith.addf %add3A_1255, %mul3A_1278 : vector<16xf32>
        %mul3A_1280 = arith.mulf %get3A_1263, %get3A_1263 : vector<16xf32>
        %add3A_1281 = arith.addf %add3A_1257, %mul3A_1280 : vector<16xf32>
        %eq3A_1282 = arith.constant 8 : i32
        %eq3A_1283 = vector.broadcast %eq3A_1282 : i32 to vector<16xi32>
        %eq3A_1284 = arith.cmpi eq, %iota3A, %eq3A_1283 : vector<16xi32>
        %reduce_sum3A_1285 = arith.constant true
        %reduce_sum3A_1286 = vector.broadcast %reduce_sum3A_1285 : i1 to vector<16xi1>
        %reduce_sum3A_1287 = tpu.scan <sum>, %add3A_1273 masked %reduce_sum3A_1286 : vector<16xf32>, vector<16xi1> -> vector<16xf32>
        %reduce_sum3A_1288 = vector.extract %reduce_sum3A_1287[15] : f32 from vector<16xf32>
        %broadcast_in_dim3A_1289 = vector.broadcast %reduce_sum3A_1288 : f32 to vector<16xf32>
        %select_n3A_1290 = arith.select %eq3A_1284, %broadcast_in_dim3A_1289, %select_n3A_1149 : vector<16xi1>, vector<16xf32>
        %reduce_sum3A_1291 = arith.constant true
        %reduce_sum3A_1292 = vector.broadcast %reduce_sum3A_1291 : i1 to vector<16xi1>
        %reduce_sum3A_1293 = tpu.scan <sum>, %add3A_1275 masked %reduce_sum3A_1292 : vector<16xf32>, vector<16xi1> -> vector<16xf32>
        %reduce_sum3A_1294 = vector.extract %reduce_sum3A_1293[15] : f32 from vector<16xf32>
        %broadcast_in_dim3A_1295 = vector.broadcast %reduce_sum3A_1294 : f32 to vector<16xf32>
        %select_n3A_1296 = arith.select %eq3A_1284, %broadcast_in_dim3A_1295, %select_n3A_1155 : vector<16xi1>, vector<16xf32>
        %reduce_sum3A_1297 = arith.constant true
        %reduce_sum3A_1298 = vector.broadcast %reduce_sum3A_1297 : i1 to vector<16xi1>
        %reduce_sum3A_1299 = tpu.scan <sum>, %add3A_1277 masked %reduce_sum3A_1298 : vector<16xf32>, vector<16xi1> -> vector<16xf32>
        %reduce_sum3A_1300 = vector.extract %reduce_sum3A_1299[15] : f32 from vector<16xf32>
        %broadcast_in_dim3A_1301 = vector.broadcast %reduce_sum3A_1300 : f32 to vector<16xf32>
        %select_n3A_1302 = arith.select %eq3A_1284, %broadcast_in_dim3A_1301, %select_n3A_1161 : vector<16xi1>, vector<16xf32>
        %reduce_sum3A_1303 = arith.constant true
        %reduce_sum3A_1304 = vector.broadcast %reduce_sum3A_1303 : i1 to vector<16xi1>
        %reduce_sum3A_1305 = tpu.scan <sum>, %add3A_1279 masked %reduce_sum3A_1304 : vector<16xf32>, vector<16xi1> -> vector<16xf32>
        %reduce_sum3A_1306 = vector.extract %reduce_sum3A_1305[15] : f32 from vector<16xf32>
        %broadcast_in_dim3A_1307 = vector.broadcast %reduce_sum3A_1306 : f32 to vector<16xf32>
        %select_n3A_1308 = arith.select %eq3A_1284, %broadcast_in_dim3A_1307, %select_n3A_1167 : vector<16xi1>, vector<16xf32>
        %reduce_sum3A_1309 = arith.constant true
        %reduce_sum3A_1310 = vector.broadcast %reduce_sum3A_1309 : i1 to vector<16xi1>
        %reduce_sum3A_1311 = tpu.scan <sum>, %add3A_1281 masked %reduce_sum3A_1310 : vector<16xf32>, vector<16xi1> -> vector<16xf32>
        %reduce_sum3A_1312 = vector.extract %reduce_sum3A_1311[15] : f32 from vector<16xf32>
        %broadcast_in_dim3A_1313 = vector.broadcast %reduce_sum3A_1312 : f32 to vector<16xf32>
        %select_n3A_1314 = arith.select %eq3A_1284, %broadcast_in_dim3A_1313, %select_n3A_1173 : vector<16xi1>, vector<16xf32>
        %add3A_1315 = arith.constant 9 : i32
        %add3A_1316 = arith.addi %mul3A_41, %add3A_1315 : i32
        %broadcast_in_dim3A_1317 = arith.constant 0.000000e+00 : f32
        %broadcast_in_dim3A_1318 = vector.broadcast %broadcast_in_dim3A_1317 : f32 to vector<16xf32>
        %broadcast_in_dim3A_1319 = arith.constant 0.000000e+00 : f32
        %broadcast_in_dim3A_1320 = vector.broadcast %broadcast_in_dim3A_1319 : f32 to vector<16xf32>
        %broadcast_in_dim3A_1321 = arith.constant 0.000000e+00 : f32
        %broadcast_in_dim3A_1322 = vector.broadcast %broadcast_in_dim3A_1321 : f32 to vector<16xf32>
        %broadcast_in_dim3A_1323 = arith.constant 0.000000e+00 : f32
        %broadcast_in_dim3A_1324 = vector.broadcast %broadcast_in_dim3A_1323 : f32 to vector<16xf32>
        %broadcast_in_dim3A_1325 = arith.constant 0.000000e+00 : f32
        %broadcast_in_dim3A_1326 = vector.broadcast %broadcast_in_dim3A_1325 : f32 to vector<16xf32>
        %get3A_1327 = arith.index_cast %add3A_1316 : i32 to index
        %get3A_1328 = arith.constant 0 : index
        %get3A_1329 = tpu.vector_load %arg14[%get3A_1327, %get3A_1328] {strides = array<i32>} : memref<128x64xf32, #tpu.memory_space<vmem>>, vector<16xf32>,
        %get3A_1330 = arith.index_cast %add3A_1316 : i32 to index
        %get3A_1331 = arith.constant 0 : index
        %get3A_1332 = tpu.vector_load %arg15[%get3A_1330, %get3A_1331] {strides = array<i32>} : memref<128x64xf32, #tpu.memory_space<vmem>>, vector<16xf32>,
        %get3A_1333 = arith.index_cast %add3A_1316 : i32 to index
        %get3A_1334 = arith.constant 0 : index
        %get3A_1335 = tpu.vector_load %arg16[%get3A_1333, %get3A_1334] {strides = array<i32>} : memref<128x64xf32, #tpu.memory_space<vmem>>, vector<16xf32>,
        %get3A_1336 = arith.index_cast %add3A_1316 : i32 to index
        %get3A_1337 = arith.constant 0 : index
        %get3A_1338 = tpu.vector_load %arg17[%get3A_1336, %get3A_1337] {strides = array<i32>} : memref<128x64xf32, #tpu.memory_space<vmem>>, vector<16xf32>,
        %sub3A_1339 = arith.subf %get3A_1329, %get3A_1335 : vector<16xf32>
        %sub3A_1340 = arith.subf %get3A_1329, %get3A_1338 : vector<16xf32>
        %mul3A_1341 = arith.mulf %sub3A_1339, %sub3A_1339 : vector<16xf32>
        %add3A_1342 = arith.addf %broadcast_in_dim3A_1318, %mul3A_1341 : vector<16xf32>
        %mul3A_1343 = arith.mulf %sub3A_1340, %sub3A_1340 : vector<16xf32>
        %add3A_1344 = arith.addf %broadcast_in_dim3A_1320, %mul3A_1343 : vector<16xf32>
        %mul3A_1345 = arith.mulf %get3A_1332, %sub3A_1339 : vector<16xf32>
        %add3A_1346 = arith.addf %broadcast_in_dim3A_1322, %mul3A_1345 : vector<16xf32>
        %mul3A_1347 = arith.mulf %get3A_1332, %sub3A_1340 : vector<16xf32>
        %add3A_1348 = arith.addf %broadcast_in_dim3A_1324, %mul3A_1347 : vector<16xf32>
        %mul3A_1349 = arith.mulf %get3A_1332, %get3A_1332 : vector<16xf32>
        %add3A_1350 = arith.addf %broadcast_in_dim3A_1326, %mul3A_1349 : vector<16xf32>
        %get3A_1351 = arith.index_cast %add3A_1316 : i32 to index
        %get3A_1352 = arith.constant 16 : index
        %get3A_1353 = tpu.vector_load %arg14[%get3A_1351, %get3A_1352] {strides = array<i32>} : memref<128x64xf32, #tpu.memory_space<vmem>>, vector<16xf32>,
        %get3A_1354 = arith.index_cast %add3A_1316 : i32 to index
        %get3A_1355 = arith.constant 16 : index
        %get3A_1356 = tpu.vector_load %arg15[%get3A_1354, %get3A_1355] {strides = array<i32>} : memref<128x64xf32, #tpu.memory_space<vmem>>, vector<16xf32>,
        %get3A_1357 = arith.index_cast %add3A_1316 : i32 to index
        %get3A_1358 = arith.constant 16 : index
        %get3A_1359 = tpu.vector_load %arg16[%get3A_1357, %get3A_1358] {strides = array<i32>} : memref<128x64xf32, #tpu.memory_space<vmem>>, vector<16xf32>,
        %get3A_1360 = arith.index_cast %add3A_1316 : i32 to index
        %get3A_1361 = arith.constant 16 : index
        %get3A_1362 = tpu.vector_load %arg17[%get3A_1360, %get3A_1361] {strides = array<i32>} : memref<128x64xf32, #tpu.memory_space<vmem>>, vector<16xf32>,
        %sub3A_1363 = arith.subf %get3A_1353, %get3A_1359 : vector<16xf32>
        %sub3A_1364 = arith.subf %get3A_1353, %get3A_1362 : vector<16xf32>
        %mul3A_1365 = arith.mulf %sub3A_1363, %sub3A_1363 : vector<16xf32>
        %add3A_1366 = arith.addf %add3A_1342, %mul3A_1365 : vector<16xf32>
        %mul3A_1367 = arith.mulf %sub3A_1364, %sub3A_1364 : vector<16xf32>
        %add3A_1368 = arith.addf %add3A_1344, %mul3A_1367 : vector<16xf32>
        %mul3A_1369 = arith.mulf %get3A_1356, %sub3A_1363 : vector<16xf32>
        %add3A_1370 = arith.addf %add3A_1346, %mul3A_1369 : vector<16xf32>
        %mul3A_1371 = arith.mulf %get3A_1356, %sub3A_1364 : vector<16xf32>
        %add3A_1372 = arith.addf %add3A_1348, %mul3A_1371 : vector<16xf32>
        %mul3A_1373 = arith.mulf %get3A_1356, %get3A_1356 : vector<16xf32>
        %add3A_1374 = arith.addf %add3A_1350, %mul3A_1373 : vector<16xf32>
        %get3A_1375 = arith.index_cast %add3A_1316 : i32 to index
        %get3A_1376 = arith.constant 32 : index
        %get3A_1377 = tpu.vector_load %arg14[%get3A_1375, %get3A_1376] {strides = array<i32>} : memref<128x64xf32, #tpu.memory_space<vmem>>, vector<16xf32>,
        %get3A_1378 = arith.index_cast %add3A_1316 : i32 to index
        %get3A_1379 = arith.constant 32 : index
        %get3A_1380 = tpu.vector_load %arg15[%get3A_1378, %get3A_1379] {strides = array<i32>} : memref<128x64xf32, #tpu.memory_space<vmem>>, vector<16xf32>,
        %get3A_1381 = arith.index_cast %add3A_1316 : i32 to index
        %get3A_1382 = arith.constant 32 : index
        %get3A_1383 = tpu.vector_load %arg16[%get3A_1381, %get3A_1382] {strides = array<i32>} : memref<128x64xf32, #tpu.memory_space<vmem>>, vector<16xf32>,
        %get3A_1384 = arith.index_cast %add3A_1316 : i32 to index
        %get3A_1385 = arith.constant 32 : index
        %get3A_1386 = tpu.vector_load %arg17[%get3A_1384, %get3A_1385] {strides = array<i32>} : memref<128x64xf32, #tpu.memory_space<vmem>>, vector<16xf32>,
        %sub3A_1387 = arith.subf %get3A_1377, %get3A_1383 : vector<16xf32>
        %sub3A_1388 = arith.subf %get3A_1377, %get3A_1386 : vector<16xf32>
        %mul3A_1389 = arith.mulf %sub3A_1387, %sub3A_1387 : vector<16xf32>
        %add3A_1390 = arith.addf %add3A_1366, %mul3A_1389 : vector<16xf32>
        %mul3A_1391 = arith.mulf %sub3A_1388, %sub3A_1388 : vector<16xf32>
        %add3A_1392 = arith.addf %add3A_1368, %mul3A_1391 : vector<16xf32>
        %mul3A_1393 = arith.mulf %get3A_1380, %sub3A_1387 : vector<16xf32>
        %add3A_1394 = arith.addf %add3A_1370, %mul3A_1393 : vector<16xf32>
        %mul3A_1395 = arith.mulf %get3A_1380, %sub3A_1388 : vector<16xf32>
        %add3A_1396 = arith.addf %add3A_1372, %mul3A_1395 : vector<16xf32>
        %mul3A_1397 = arith.mulf %get3A_1380, %get3A_1380 : vector<16xf32>
        %add3A_1398 = arith.addf %add3A_1374, %mul3A_1397 : vector<16xf32>
        %get3A_1399 = arith.index_cast %add3A_1316 : i32 to index
        %get3A_1400 = arith.constant 48 : index
        %get3A_1401 = tpu.vector_load %arg14[%get3A_1399, %get3A_1400] {strides = array<i32>} : memref<128x64xf32, #tpu.memory_space<vmem>>, vector<16xf32>,
        %get3A_1402 = arith.index_cast %add3A_1316 : i32 to index
        %get3A_1403 = arith.constant 48 : index
        %get3A_1404 = tpu.vector_load %arg15[%get3A_1402, %get3A_1403] {strides = array<i32>} : memref<128x64xf32, #tpu.memory_space<vmem>>, vector<16xf32>,
        %get3A_1405 = arith.index_cast %add3A_1316 : i32 to index
        %get3A_1406 = arith.constant 48 : index
        %get3A_1407 = tpu.vector_load %arg16[%get3A_1405, %get3A_1406] {strides = array<i32>} : memref<128x64xf32, #tpu.memory_space<vmem>>, vector<16xf32>,
        %get3A_1408 = arith.index_cast %add3A_1316 : i32 to index
        %get3A_1409 = arith.constant 48 : index
        %get3A_1410 = tpu.vector_load %arg17[%get3A_1408, %get3A_1409] {strides = array<i32>} : memref<128x64xf32, #tpu.memory_space<vmem>>, vector<16xf32>,
        %sub3A_1411 = arith.subf %get3A_1401, %get3A_1407 : vector<16xf32>
        %sub3A_1412 = arith.subf %get3A_1401, %get3A_1410 : vector<16xf32>
        %mul3A_1413 = arith.mulf %sub3A_1411, %sub3A_1411 : vector<16xf32>
        %add3A_1414 = arith.addf %add3A_1390, %mul3A_1413 : vector<16xf32>
        %mul3A_1415 = arith.mulf %sub3A_1412, %sub3A_1412 : vector<16xf32>
        %add3A_1416 = arith.addf %add3A_1392, %mul3A_1415 : vector<16xf32>
        %mul3A_1417 = arith.mulf %get3A_1404, %sub3A_1411 : vector<16xf32>
        %add3A_1418 = arith.addf %add3A_1394, %mul3A_1417 : vector<16xf32>
        %mul3A_1419 = arith.mulf %get3A_1404, %sub3A_1412 : vector<16xf32>
        %add3A_1420 = arith.addf %add3A_1396, %mul3A_1419 : vector<16xf32>
        %mul3A_1421 = arith.mulf %get3A_1404, %get3A_1404 : vector<16xf32>
        %add3A_1422 = arith.addf %add3A_1398, %mul3A_1421 : vector<16xf32>
        %eq3A_1423 = arith.constant 9 : i32
        %eq3A_1424 = vector.broadcast %eq3A_1423 : i32 to vector<16xi32>
        %eq3A_1425 = arith.cmpi eq, %iota3A, %eq3A_1424 : vector<16xi32>
        %reduce_sum3A_1426 = arith.constant true
        %reduce_sum3A_1427 = vector.broadcast %reduce_sum3A_1426 : i1 to vector<16xi1>
        %reduce_sum3A_1428 = tpu.scan <sum>, %add3A_1414 masked %reduce_sum3A_1427 : vector<16xf32>, vector<16xi1> -> vector<16xf32>
        %reduce_sum3A_1429 = vector.extract %reduce_sum3A_1428[15] : f32 from vector<16xf32>
        %broadcast_in_dim3A_1430 = vector.broadcast %reduce_sum3A_1429 : f32 to vector<16xf32>
        %select_n3A_1431 = arith.select %eq3A_1425, %broadcast_in_dim3A_1430, %select_n3A_1290 : vector<16xi1>, vector<16xf32>
        %reduce_sum3A_1432 = arith.constant true
        %reduce_sum3A_1433 = vector.broadcast %reduce_sum3A_1432 : i1 to vector<16xi1>
        %reduce_sum3A_1434 = tpu.scan <sum>, %add3A_1416 masked %reduce_sum3A_1433 : vector<16xf32>, vector<16xi1> -> vector<16xf32>
        %reduce_sum3A_1435 = vector.extract %reduce_sum3A_1434[15] : f32 from vector<16xf32>
        %broadcast_in_dim3A_1436 = vector.broadcast %reduce_sum3A_1435 : f32 to vector<16xf32>
        %select_n3A_1437 = arith.select %eq3A_1425, %broadcast_in_dim3A_1436, %select_n3A_1296 : vector<16xi1>, vector<16xf32>
        %reduce_sum3A_1438 = arith.constant true
        %reduce_sum3A_1439 = vector.broadcast %reduce_sum3A_1438 : i1 to vector<16xi1>
        %reduce_sum3A_1440 = tpu.scan <sum>, %add3A_1418 masked %reduce_sum3A_1439 : vector<16xf32>, vector<16xi1> -> vector<16xf32>
        %reduce_sum3A_1441 = vector.extract %reduce_sum3A_1440[15] : f32 from vector<16xf32>
        %broadcast_in_dim3A_1442 = vector.broadcast %reduce_sum3A_1441 : f32 to vector<16xf32>
        %select_n3A_1443 = arith.select %eq3A_1425, %broadcast_in_dim3A_1442, %select_n3A_1302 : vector<16xi1>, vector<16xf32>
        %reduce_sum3A_1444 = arith.constant true
        %reduce_sum3A_1445 = vector.broadcast %reduce_sum3A_1444 : i1 to vector<16xi1>
        %reduce_sum3A_1446 = tpu.scan <sum>, %add3A_1420 masked %reduce_sum3A_1445 : vector<16xf32>, vector<16xi1> -> vector<16xf32>
        %reduce_sum3A_1447 = vector.extract %reduce_sum3A_1446[15] : f32 from vector<16xf32>
        %broadcast_in_dim3A_1448 = vector.broadcast %reduce_sum3A_1447 : f32 to vector<16xf32>
        %select_n3A_1449 = arith.select %eq3A_1425, %broadcast_in_dim3A_1448, %select_n3A_1308 : vector<16xi1>, vector<16xf32>
        %reduce_sum3A_1450 = arith.constant true
        %reduce_sum3A_1451 = vector.broadcast %reduce_sum3A_1450 : i1 to vector<16xi1>
        %reduce_sum3A_1452 = tpu.scan <sum>, %add3A_1422 masked %reduce_sum3A_1451 : vector<16xf32>, vector<16xi1> -> vector<16xf32>
        %reduce_sum3A_1453 = vector.extract %reduce_sum3A_1452[15] : f32 from vector<16xf32>
        %broadcast_in_dim3A_1454 = vector.broadcast %reduce_sum3A_1453 : f32 to vector<16xf32>
        %select_n3A_1455 = arith.select %eq3A_1425, %broadcast_in_dim3A_1454, %select_n3A_1314 : vector<16xi1>, vector<16xf32>
        %add3A_1456 = arith.constant 10 : i32
        %add3A_1457 = arith.addi %mul3A_41, %add3A_1456 : i32
        %broadcast_in_dim3A_1458 = arith.constant 0.000000e+00 : f32
        %broadcast_in_dim3A_1459 = vector.broadcast %broadcast_in_dim3A_1458 : f32 to vector<16xf32>
        %broadcast_in_dim3A_1460 = arith.constant 0.000000e+00 : f32
        %broadcast_in_dim3A_1461 = vector.broadcast %broadcast_in_dim3A_1460 : f32 to vector<16xf32>
        %broadcast_in_dim3A_1462 = arith.constant 0.000000e+00 : f32
        %broadcast_in_dim3A_1463 = vector.broadcast %broadcast_in_dim3A_1462 : f32 to vector<16xf32>
        %broadcast_in_dim3A_1464 = arith.constant 0.000000e+00 : f32
        %broadcast_in_dim3A_1465 = vector.broadcast %broadcast_in_dim3A_1464 : f32 to vector<16xf32>
        %broadcast_in_dim3A_1466 = arith.constant 0.000000e+00 : f32
        %broadcast_in_dim3A_1467 = vector.broadcast %broadcast_in_dim3A_1466 : f32 to vector<16xf32>
        %get3A_1468 = arith.index_cast %add3A_1457 : i32 to index
        %get3A_1469 = arith.constant 0 : index
        %get3A_1470 = tpu.vector_load %arg14[%get3A_1468, %get3A_1469] {strides = array<i32>} : memref<128x64xf32, #tpu.memory_space<vmem>>, vector<16xf32>,
        %get3A_1471 = arith.index_cast %add3A_1457 : i32 to index
        %get3A_1472 = arith.constant 0 : index
        %get3A_1473 = tpu.vector_load %arg15[%get3A_1471, %get3A_1472] {strides = array<i32>} : memref<128x64xf32, #tpu.memory_space<vmem>>, vector<16xf32>,
        %get3A_1474 = arith.index_cast %add3A_1457 : i32 to index
        %get3A_1475 = arith.constant 0 : index
        %get3A_1476 = tpu.vector_load %arg16[%get3A_1474, %get3A_1475] {strides = array<i32>} : memref<128x64xf32, #tpu.memory_space<vmem>>, vector<16xf32>,
        %get3A_1477 = arith.index_cast %add3A_1457 : i32 to index
        %get3A_1478 = arith.constant 0 : index
        %get3A_1479 = tpu.vector_load %arg17[%get3A_1477, %get3A_1478] {strides = array<i32>} : memref<128x64xf32, #tpu.memory_space<vmem>>, vector<16xf32>,
        %sub3A_1480 = arith.subf %get3A_1470, %get3A_1476 : vector<16xf32>
        %sub3A_1481 = arith.subf %get3A_1470, %get3A_1479 : vector<16xf32>
        %mul3A_1482 = arith.mulf %sub3A_1480, %sub3A_1480 : vector<16xf32>
        %add3A_1483 = arith.addf %broadcast_in_dim3A_1459, %mul3A_1482 : vector<16xf32>
        %mul3A_1484 = arith.mulf %sub3A_1481, %sub3A_1481 : vector<16xf32>
        %add3A_1485 = arith.addf %broadcast_in_dim3A_1461, %mul3A_1484 : vector<16xf32>
        %mul3A_1486 = arith.mulf %get3A_1473, %sub3A_1480 : vector<16xf32>
        %add3A_1487 = arith.addf %broadcast_in_dim3A_1463, %mul3A_1486 : vector<16xf32>
        %mul3A_1488 = arith.mulf %get3A_1473, %sub3A_1481 : vector<16xf32>
        %add3A_1489 = arith.addf %broadcast_in_dim3A_1465, %mul3A_1488 : vector<16xf32>
        %mul3A_1490 = arith.mulf %get3A_1473, %get3A_1473 : vector<16xf32>
        %add3A_1491 = arith.addf %broadcast_in_dim3A_1467, %mul3A_1490 : vector<16xf32>
        %get3A_1492 = arith.index_cast %add3A_1457 : i32 to index
        %get3A_1493 = arith.constant 16 : index
        %get3A_1494 = tpu.vector_load %arg14[%get3A_1492, %get3A_1493] {strides = array<i32>} : memref<128x64xf32, #tpu.memory_space<vmem>>, vector<16xf32>,
        %get3A_1495 = arith.index_cast %add3A_1457 : i32 to index
        %get3A_1496 = arith.constant 16 : index
        %get3A_1497 = tpu.vector_load %arg15[%get3A_1495, %get3A_1496] {strides = array<i32>} : memref<128x64xf32, #tpu.memory_space<vmem>>, vector<16xf32>,
        %get3A_1498 = arith.index_cast %add3A_1457 : i32 to index
        %get3A_1499 = arith.constant 16 : index
        %get3A_1500 = tpu.vector_load %arg16[%get3A_1498, %get3A_1499] {strides = array<i32>} : memref<128x64xf32, #tpu.memory_space<vmem>>, vector<16xf32>,
        %get3A_1501 = arith.index_cast %add3A_1457 : i32 to index
        %get3A_1502 = arith.constant 16 : index
        %get3A_1503 = tpu.vector_load %arg17[%get3A_1501, %get3A_1502] {strides = array<i32>} : memref<128x64xf32, #tpu.memory_space<vmem>>, vector<16xf32>,
        %sub3A_1504 = arith.subf %get3A_1494, %get3A_1500 : vector<16xf32>
        %sub3A_1505 = arith.subf %get3A_1494, %get3A_1503 : vector<16xf32>
        %mul3A_1506 = arith.mulf %sub3A_1504, %sub3A_1504 : vector<16xf32>
        %add3A_1507 = arith.addf %add3A_1483, %mul3A_1506 : vector<16xf32>
        %mul3A_1508 = arith.mulf %sub3A_1505, %sub3A_1505 : vector<16xf32>
        %add3A_1509 = arith.addf %add3A_1485, %mul3A_1508 : vector<16xf32>
        %mul3A_1510 = arith.mulf %get3A_1497, %sub3A_1504 : vector<16xf32>
        %add3A_1511 = arith.addf %add3A_1487, %mul3A_1510 : vector<16xf32>
        %mul3A_1512 = arith.mulf %get3A_1497, %sub3A_1505 : vector<16xf32>
        %add3A_1513 = arith.addf %add3A_1489, %mul3A_1512 : vector<16xf32>
        %mul3A_1514 = arith.mulf %get3A_1497, %get3A_1497 : vector<16xf32>
        %add3A_1515 = arith.addf %add3A_1491, %mul3A_1514 : vector<16xf32>
        %get3A_1516 = arith.index_cast %add3A_1457 : i32 to index
        %get3A_1517 = arith.constant 32 : index
        %get3A_1518 = tpu.vector_load %arg14[%get3A_1516, %get3A_1517] {strides = array<i32>} : memref<128x64xf32, #tpu.memory_space<vmem>>, vector<16xf32>,
        %get3A_1519 = arith.index_cast %add3A_1457 : i32 to index
        %get3A_1520 = arith.constant 32 : index
        %get3A_1521 = tpu.vector_load %arg15[%get3A_1519, %get3A_1520] {strides = array<i32>} : memref<128x64xf32, #tpu.memory_space<vmem>>, vector<16xf32>,
        %get3A_1522 = arith.index_cast %add3A_1457 : i32 to index
        %get3A_1523 = arith.constant 32 : index
        %get3A_1524 = tpu.vector_load %arg16[%get3A_1522, %get3A_1523] {strides = array<i32>} : memref<128x64xf32, #tpu.memory_space<vmem>>, vector<16xf32>,
        %get3A_1525 = arith.index_cast %add3A_1457 : i32 to index
        %get3A_1526 = arith.constant 32 : index
        %get3A_1527 = tpu.vector_load %arg17[%get3A_1525, %get3A_1526] {strides = array<i32>} : memref<128x64xf32, #tpu.memory_space<vmem>>, vector<16xf32>,
        %sub3A_1528 = arith.subf %get3A_1518, %get3A_1524 : vector<16xf32>
        %sub3A_1529 = arith.subf %get3A_1518, %get3A_1527 : vector<16xf32>
        %mul3A_1530 = arith.mulf %sub3A_1528, %sub3A_1528 : vector<16xf32>
        %add3A_1531 = arith.addf %add3A_1507, %mul3A_1530 : vector<16xf32>
        %mul3A_1532 = arith.mulf %sub3A_1529, %sub3A_1529 : vector<16xf32>
        %add3A_1533 = arith.addf %add3A_1509, %mul3A_1532 : vector<16xf32>
        %mul3A_1534 = arith.mulf %get3A_1521, %sub3A_1528 : vector<16xf32>
        %add3A_1535 = arith.addf %add3A_1511, %mul3A_1534 : vector<16xf32>
        %mul3A_1536 = arith.mulf %get3A_1521, %sub3A_1529 : vector<16xf32>
        %add3A_1537 = arith.addf %add3A_1513, %mul3A_1536 : vector<16xf32>
        %mul3A_1538 = arith.mulf %get3A_1521, %get3A_1521 : vector<16xf32>
        %add3A_1539 = arith.addf %add3A_1515, %mul3A_1538 : vector<16xf32>
        %get3A_1540 = arith.index_cast %add3A_1457 : i32 to index
        %get3A_1541 = arith.constant 48 : index
        %get3A_1542 = tpu.vector_load %arg14[%get3A_1540, %get3A_1541] {strides = array<i32>} : memref<128x64xf32, #tpu.memory_space<vmem>>, vector<16xf32>,
        %get3A_1543 = arith.index_cast %add3A_1457 : i32 to index
        %get3A_1544 = arith.constant 48 : index
        %get3A_1545 = tpu.vector_load %arg15[%get3A_1543, %get3A_1544] {strides = array<i32>} : memref<128x64xf32, #tpu.memory_space<vmem>>, vector<16xf32>,
        %get3A_1546 = arith.index_cast %add3A_1457 : i32 to index
        %get3A_1547 = arith.constant 48 : index
        %get3A_1548 = tpu.vector_load %arg16[%get3A_1546, %get3A_1547] {strides = array<i32>} : memref<128x64xf32, #tpu.memory_space<vmem>>, vector<16xf32>,
        %get3A_1549 = arith.index_cast %add3A_1457 : i32 to index
        %get3A_1550 = arith.constant 48 : index
        %get3A_1551 = tpu.vector_load %arg17[%get3A_1549, %get3A_1550] {strides = array<i32>} : memref<128x64xf32, #tpu.memory_space<vmem>>, vector<16xf32>,
        %sub3A_1552 = arith.subf %get3A_1542, %get3A_1548 : vector<16xf32>
        %sub3A_1553 = arith.subf %get3A_1542, %get3A_1551 : vector<16xf32>
        %mul3A_1554 = arith.mulf %sub3A_1552, %sub3A_1552 : vector<16xf32>
        %add3A_1555 = arith.addf %add3A_1531, %mul3A_1554 : vector<16xf32>
        %mul3A_1556 = arith.mulf %sub3A_1553, %sub3A_1553 : vector<16xf32>
        %add3A_1557 = arith.addf %add3A_1533, %mul3A_1556 : vector<16xf32>
        %mul3A_1558 = arith.mulf %get3A_1545, %sub3A_1552 : vector<16xf32>
        %add3A_1559 = arith.addf %add3A_1535, %mul3A_1558 : vector<16xf32>
        %mul3A_1560 = arith.mulf %get3A_1545, %sub3A_1553 : vector<16xf32>
        %add3A_1561 = arith.addf %add3A_1537, %mul3A_1560 : vector<16xf32>
        %mul3A_1562 = arith.mulf %get3A_1545, %get3A_1545 : vector<16xf32>
        %add3A_1563 = arith.addf %add3A_1539, %mul3A_1562 : vector<16xf32>
        %eq3A_1564 = arith.constant 10 : i32
        %eq3A_1565 = vector.broadcast %eq3A_1564 : i32 to vector<16xi32>
        %eq3A_1566 = arith.cmpi eq, %iota3A, %eq3A_1565 : vector<16xi32>
        %reduce_sum3A_1567 = arith.constant true
        %reduce_sum3A_1568 = vector.broadcast %reduce_sum3A_1567 : i1 to vector<16xi1>
        %reduce_sum3A_1569 = tpu.scan <sum>, %add3A_1555 masked %reduce_sum3A_1568 : vector<16xf32>, vector<16xi1> -> vector<16xf32>
        %reduce_sum3A_1570 = vector.extract %reduce_sum3A_1569[15] : f32 from vector<16xf32>
        %broadcast_in_dim3A_1571 = vector.broadcast %reduce_sum3A_1570 : f32 to vector<16xf32>
        %select_n3A_1572 = arith.select %eq3A_1566, %broadcast_in_dim3A_1571, %select_n3A_1431 : vector<16xi1>, vector<16xf32>
        %reduce_sum3A_1573 = arith.constant true
        %reduce_sum3A_1574 = vector.broadcast %reduce_sum3A_1573 : i1 to vector<16xi1>
        %reduce_sum3A_1575 = tpu.scan <sum>, %add3A_1557 masked %reduce_sum3A_1574 : vector<16xf32>, vector<16xi1> -> vector<16xf32>
        %reduce_sum3A_1576 = vector.extract %reduce_sum3A_1575[15] : f32 from vector<16xf32>
        %broadcast_in_dim3A_1577 = vector.broadcast %reduce_sum3A_1576 : f32 to vector<16xf32>
        %select_n3A_1578 = arith.select %eq3A_1566, %broadcast_in_dim3A_1577, %select_n3A_1437 : vector<16xi1>, vector<16xf32>
        %reduce_sum3A_1579 = arith.constant true
        %reduce_sum3A_1580 = vector.broadcast %reduce_sum3A_1579 : i1 to vector<16xi1>
        %reduce_sum3A_1581 = tpu.scan <sum>, %add3A_1559 masked %reduce_sum3A_1580 : vector<16xf32>, vector<16xi1> -> vector<16xf32>
        %reduce_sum3A_1582 = vector.extract %reduce_sum3A_1581[15] : f32 from vector<16xf32>
        %broadcast_in_dim3A_1583 = vector.broadcast %reduce_sum3A_1582 : f32 to vector<16xf32>
        %select_n3A_1584 = arith.select %eq3A_1566, %broadcast_in_dim3A_1583, %select_n3A_1443 : vector<16xi1>, vector<16xf32>
        %reduce_sum3A_1585 = arith.constant true
        %reduce_sum3A_1586 = vector.broadcast %reduce_sum3A_1585 : i1 to vector<16xi1>
        %reduce_sum3A_1587 = tpu.scan <sum>, %add3A_1561 masked %reduce_sum3A_1586 : vector<16xf32>, vector<16xi1> -> vector<16xf32>
        %reduce_sum3A_1588 = vector.extract %reduce_sum3A_1587[15] : f32 from vector<16xf32>
        %broadcast_in_dim3A_1589 = vector.broadcast %reduce_sum3A_1588 : f32 to vector<16xf32>
        %select_n3A_1590 = arith.select %eq3A_1566, %broadcast_in_dim3A_1589, %select_n3A_1449 : vector<16xi1>, vector<16xf32>
        %reduce_sum3A_1591 = arith.constant true
        %reduce_sum3A_1592 = vector.broadcast %reduce_sum3A_1591 : i1 to vector<16xi1>
        %reduce_sum3A_1593 = tpu.scan <sum>, %add3A_1563 masked %reduce_sum3A_1592 : vector<16xf32>, vector<16xi1> -> vector<16xf32>
        %reduce_sum3A_1594 = vector.extract %reduce_sum3A_1593[15] : f32 from vector<16xf32>
        %broadcast_in_dim3A_1595 = vector.broadcast %reduce_sum3A_1594 : f32 to vector<16xf32>
        %select_n3A_1596 = arith.select %eq3A_1566, %broadcast_in_dim3A_1595, %select_n3A_1455 : vector<16xi1>, vector<16xf32>
        %add3A_1597 = arith.constant 11 : i32
        %add3A_1598 = arith.addi %mul3A_41, %add3A_1597 : i32
        %broadcast_in_dim3A_1599 = arith.constant 0.000000e+00 : f32
        %broadcast_in_dim3A_1600 = vector.broadcast %broadcast_in_dim3A_1599 : f32 to vector<16xf32>
        %broadcast_in_dim3A_1601 = arith.constant 0.000000e+00 : f32
        %broadcast_in_dim3A_1602 = vector.broadcast %broadcast_in_dim3A_1601 : f32 to vector<16xf32>
        %broadcast_in_dim3A_1603 = arith.constant 0.000000e+00 : f32
        %broadcast_in_dim3A_1604 = vector.broadcast %broadcast_in_dim3A_1603 : f32 to vector<16xf32>
        %broadcast_in_dim3A_1605 = arith.constant 0.000000e+00 : f32
        %broadcast_in_dim3A_1606 = vector.broadcast %broadcast_in_dim3A_1605 : f32 to vector<16xf32>
        %broadcast_in_dim3A_1607 = arith.constant 0.000000e+00 : f32
        %broadcast_in_dim3A_1608 = vector.broadcast %broadcast_in_dim3A_1607 : f32 to vector<16xf32>
        %get3A_1609 = arith.index_cast %add3A_1598 : i32 to index
        %get3A_1610 = arith.constant 0 : index
        %get3A_1611 = tpu.vector_load %arg14[%get3A_1609, %get3A_1610] {strides = array<i32>} : memref<128x64xf32, #tpu.memory_space<vmem>>, vector<16xf32>,
        %get3A_1612 = arith.index_cast %add3A_1598 : i32 to index
        %get3A_1613 = arith.constant 0 : index
        %get3A_1614 = tpu.vector_load %arg15[%get3A_1612, %get3A_1613] {strides = array<i32>} : memref<128x64xf32, #tpu.memory_space<vmem>>, vector<16xf32>,
        %get3A_1615 = arith.index_cast %add3A_1598 : i32 to index
        %get3A_1616 = arith.constant 0 : index
        %get3A_1617 = tpu.vector_load %arg16[%get3A_1615, %get3A_1616] {strides = array<i32>} : memref<128x64xf32, #tpu.memory_space<vmem>>, vector<16xf32>,
        %get3A_1618 = arith.index_cast %add3A_1598 : i32 to index
        %get3A_1619 = arith.constant 0 : index
        %get3A_1620 = tpu.vector_load %arg17[%get3A_1618, %get3A_1619] {strides = array<i32>} : memref<128x64xf32, #tpu.memory_space<vmem>>, vector<16xf32>,
        %sub3A_1621 = arith.subf %get3A_1611, %get3A_1617 : vector<16xf32>
        %sub3A_1622 = arith.subf %get3A_1611, %get3A_1620 : vector<16xf32>
        %mul3A_1623 = arith.mulf %sub3A_1621, %sub3A_1621 : vector<16xf32>
        %add3A_1624 = arith.addf %broadcast_in_dim3A_1600, %mul3A_1623 : vector<16xf32>
        %mul3A_1625 = arith.mulf %sub3A_1622, %sub3A_1622 : vector<16xf32>
        %add3A_1626 = arith.addf %broadcast_in_dim3A_1602, %mul3A_1625 : vector<16xf32>
        %mul3A_1627 = arith.mulf %get3A_1614, %sub3A_1621 : vector<16xf32>
        %add3A_1628 = arith.addf %broadcast_in_dim3A_1604, %mul3A_1627 : vector<16xf32>
        %mul3A_1629 = arith.mulf %get3A_1614, %sub3A_1622 : vector<16xf32>
        %add3A_1630 = arith.addf %broadcast_in_dim3A_1606, %mul3A_1629 : vector<16xf32>
        %mul3A_1631 = arith.mulf %get3A_1614, %get3A_1614 : vector<16xf32>
        %add3A_1632 = arith.addf %broadcast_in_dim3A_1608, %mul3A_1631 : vector<16xf32>
        %get3A_1633 = arith.index_cast %add3A_1598 : i32 to index
        %get3A_1634 = arith.constant 16 : index
        %get3A_1635 = tpu.vector_load %arg14[%get3A_1633, %get3A_1634] {strides = array<i32>} : memref<128x64xf32, #tpu.memory_space<vmem>>, vector<16xf32>,
        %get3A_1636 = arith.index_cast %add3A_1598 : i32 to index
        %get3A_1637 = arith.constant 16 : index
        %get3A_1638 = tpu.vector_load %arg15[%get3A_1636, %get3A_1637] {strides = array<i32>} : memref<128x64xf32, #tpu.memory_space<vmem>>, vector<16xf32>,
        %get3A_1639 = arith.index_cast %add3A_1598 : i32 to index
        %get3A_1640 = arith.constant 16 : index
        %get3A_1641 = tpu.vector_load %arg16[%get3A_1639, %get3A_1640] {strides = array<i32>} : memref<128x64xf32, #tpu.memory_space<vmem>>, vector<16xf32>,
        %get3A_1642 = arith.index_cast %add3A_1598 : i32 to index
        %get3A_1643 = arith.constant 16 : index
        %get3A_1644 = tpu.vector_load %arg17[%get3A_1642, %get3A_1643] {strides = array<i32>} : memref<128x64xf32, #tpu.memory_space<vmem>>, vector<16xf32>,
        %sub3A_1645 = arith.subf %get3A_1635, %get3A_1641 : vector<16xf32>
        %sub3A_1646 = arith.subf %get3A_1635, %get3A_1644 : vector<16xf32>
        %mul3A_1647 = arith.mulf %sub3A_1645, %sub3A_1645 : vector<16xf32>
        %add3A_1648 = arith.addf %add3A_1624, %mul3A_1647 : vector<16xf32>
        %mul3A_1649 = arith.mulf %sub3A_1646, %sub3A_1646 : vector<16xf32>
        %add3A_1650 = arith.addf %add3A_1626, %mul3A_1649 : vector<16xf32>
        %mul3A_1651 = arith.mulf %get3A_1638, %sub3A_1645 : vector<16xf32>
        %add3A_1652 = arith.addf %add3A_1628, %mul3A_1651 : vector<16xf32>
        %mul3A_1653 = arith.mulf %get3A_1638, %sub3A_1646 : vector<16xf32>
        %add3A_1654 = arith.addf %add3A_1630, %mul3A_1653 : vector<16xf32>
        %mul3A_1655 = arith.mulf %get3A_1638, %get3A_1638 : vector<16xf32>
        %add3A_1656 = arith.addf %add3A_1632, %mul3A_1655 : vector<16xf32>
        %get3A_1657 = arith.index_cast %add3A_1598 : i32 to index
        %get3A_1658 = arith.constant 32 : index
        %get3A_1659 = tpu.vector_load %arg14[%get3A_1657, %get3A_1658] {strides = array<i32>} : memref<128x64xf32, #tpu.memory_space<vmem>>, vector<16xf32>,
        %get3A_1660 = arith.index_cast %add3A_1598 : i32 to index
        %get3A_1661 = arith.constant 32 : index
        %get3A_1662 = tpu.vector_load %arg15[%get3A_1660, %get3A_1661] {strides = array<i32>} : memref<128x64xf32, #tpu.memory_space<vmem>>, vector<16xf32>,
        %get3A_1663 = arith.index_cast %add3A_1598 : i32 to index
        %get3A_1664 = arith.constant 32 : index
        %get3A_1665 = tpu.vector_load %arg16[%get3A_1663, %get3A_1664] {strides = array<i32>} : memref<128x64xf32, #tpu.memory_space<vmem>>, vector<16xf32>,
        %get3A_1666 = arith.index_cast %add3A_1598 : i32 to index
        %get3A_1667 = arith.constant 32 : index
        %get3A_1668 = tpu.vector_load %arg17[%get3A_1666, %get3A_1667] {strides = array<i32>} : memref<128x64xf32, #tpu.memory_space<vmem>>, vector<16xf32>,
        %sub3A_1669 = arith.subf %get3A_1659, %get3A_1665 : vector<16xf32>
        %sub3A_1670 = arith.subf %get3A_1659, %get3A_1668 : vector<16xf32>
        %mul3A_1671 = arith.mulf %sub3A_1669, %sub3A_1669 : vector<16xf32>
        %add3A_1672 = arith.addf %add3A_1648, %mul3A_1671 : vector<16xf32>
        %mul3A_1673 = arith.mulf %sub3A_1670, %sub3A_1670 : vector<16xf32>
        %add3A_1674 = arith.addf %add3A_1650, %mul3A_1673 : vector<16xf32>
        %mul3A_1675 = arith.mulf %get3A_1662, %sub3A_1669 : vector<16xf32>
        %add3A_1676 = arith.addf %add3A_1652, %mul3A_1675 : vector<16xf32>
        %mul3A_1677 = arith.mulf %get3A_1662, %sub3A_1670 : vector<16xf32>
        %add3A_1678 = arith.addf %add3A_1654, %mul3A_1677 : vector<16xf32>
        %mul3A_1679 = arith.mulf %get3A_1662, %get3A_1662 : vector<16xf32>
        %add3A_1680 = arith.addf %add3A_1656, %mul3A_1679 : vector<16xf32>
        %get3A_1681 = arith.index_cast %add3A_1598 : i32 to index
        %get3A_1682 = arith.constant 48 : index
        %get3A_1683 = tpu.vector_load %arg14[%get3A_1681, %get3A_1682] {strides = array<i32>} : memref<128x64xf32, #tpu.memory_space<vmem>>, vector<16xf32>,
        %get3A_1684 = arith.index_cast %add3A_1598 : i32 to index
        %get3A_1685 = arith.constant 48 : index
        %get3A_1686 = tpu.vector_load %arg15[%get3A_1684, %get3A_1685] {strides = array<i32>} : memref<128x64xf32, #tpu.memory_space<vmem>>, vector<16xf32>,
        %get3A_1687 = arith.index_cast %add3A_1598 : i32 to index
        %get3A_1688 = arith.constant 48 : index
        %get3A_1689 = tpu.vector_load %arg16[%get3A_1687, %get3A_1688] {strides = array<i32>} : memref<128x64xf32, #tpu.memory_space<vmem>>, vector<16xf32>,
        %get3A_1690 = arith.index_cast %add3A_1598 : i32 to index
        %get3A_1691 = arith.constant 48 : index
        %get3A_1692 = tpu.vector_load %arg17[%get3A_1690, %get3A_1691] {strides = array<i32>} : memref<128x64xf32, #tpu.memory_space<vmem>>, vector<16xf32>,
        %sub3A_1693 = arith.subf %get3A_1683, %get3A_1689 : vector<16xf32>
        %sub3A_1694 = arith.subf %get3A_1683, %get3A_1692 : vector<16xf32>
        %mul3A_1695 = arith.mulf %sub3A_1693, %sub3A_1693 : vector<16xf32>
        %add3A_1696 = arith.addf %add3A_1672, %mul3A_1695 : vector<16xf32>
        %mul3A_1697 = arith.mulf %sub3A_1694, %sub3A_1694 : vector<16xf32>
        %add3A_1698 = arith.addf %add3A_1674, %mul3A_1697 : vector<16xf32>
        %mul3A_1699 = arith.mulf %get3A_1686, %sub3A_1693 : vector<16xf32>
        %add3A_1700 = arith.addf %add3A_1676, %mul3A_1699 : vector<16xf32>
        %mul3A_1701 = arith.mulf %get3A_1686, %sub3A_1694 : vector<16xf32>
        %add3A_1702 = arith.addf %add3A_1678, %mul3A_1701 : vector<16xf32>
        %mul3A_1703 = arith.mulf %get3A_1686, %get3A_1686 : vector<16xf32>
        %add3A_1704 = arith.addf %add3A_1680, %mul3A_1703 : vector<16xf32>
        %eq3A_1705 = arith.constant 11 : i32
        %eq3A_1706 = vector.broadcast %eq3A_1705 : i32 to vector<16xi32>
        %eq3A_1707 = arith.cmpi eq, %iota3A, %eq3A_1706 : vector<16xi32>
        %reduce_sum3A_1708 = arith.constant true
        %reduce_sum3A_1709 = vector.broadcast %reduce_sum3A_1708 : i1 to vector<16xi1>
        %reduce_sum3A_1710 = tpu.scan <sum>, %add3A_1696 masked %reduce_sum3A_1709 : vector<16xf32>, vector<16xi1> -> vector<16xf32>
        %reduce_sum3A_1711 = vector.extract %reduce_sum3A_1710[15] : f32 from vector<16xf32>
        %broadcast_in_dim3A_1712 = vector.broadcast %reduce_sum3A_1711 : f32 to vector<16xf32>
        %select_n3A_1713 = arith.select %eq3A_1707, %broadcast_in_dim3A_1712, %select_n3A_1572 : vector<16xi1>, vector<16xf32>
        %reduce_sum3A_1714 = arith.constant true
        %reduce_sum3A_1715 = vector.broadcast %reduce_sum3A_1714 : i1 to vector<16xi1>
        %reduce_sum3A_1716 = tpu.scan <sum>, %add3A_1698 masked %reduce_sum3A_1715 : vector<16xf32>, vector<16xi1> -> vector<16xf32>
        %reduce_sum3A_1717 = vector.extract %reduce_sum3A_1716[15] : f32 from vector<16xf32>
        %broadcast_in_dim3A_1718 = vector.broadcast %reduce_sum3A_1717 : f32 to vector<16xf32>
        %select_n3A_1719 = arith.select %eq3A_1707, %broadcast_in_dim3A_1718, %select_n3A_1578 : vector<16xi1>, vector<16xf32>
        %reduce_sum3A_1720 = arith.constant true
        %reduce_sum3A_1721 = vector.broadcast %reduce_sum3A_1720 : i1 to vector<16xi1>
        %reduce_sum3A_1722 = tpu.scan <sum>, %add3A_1700 masked %reduce_sum3A_1721 : vector<16xf32>, vector<16xi1> -> vector<16xf32>
        %reduce_sum3A_1723 = vector.extract %reduce_sum3A_1722[15] : f32 from vector<16xf32>
        %broadcast_in_dim3A_1724 = vector.broadcast %reduce_sum3A_1723 : f32 to vector<16xf32>
        %select_n3A_1725 = arith.select %eq3A_1707, %broadcast_in_dim3A_1724, %select_n3A_1584 : vector<16xi1>, vector<16xf32>
        %reduce_sum3A_1726 = arith.constant true
        %reduce_sum3A_1727 = vector.broadcast %reduce_sum3A_1726 : i1 to vector<16xi1>
        %reduce_sum3A_1728 = tpu.scan <sum>, %add3A_1702 masked %reduce_sum3A_1727 : vector<16xf32>, vector<16xi1> -> vector<16xf32>
        %reduce_sum3A_1729 = vector.extract %reduce_sum3A_1728[15] : f32 from vector<16xf32>
        %broadcast_in_dim3A_1730 = vector.broadcast %reduce_sum3A_1729 : f32 to vector<16xf32>
        %select_n3A_1731 = arith.select %eq3A_1707, %broadcast_in_dim3A_1730, %select_n3A_1590 : vector<16xi1>, vector<16xf32>
        %reduce_sum3A_1732 = arith.constant true
        %reduce_sum3A_1733 = vector.broadcast %reduce_sum3A_1732 : i1 to vector<16xi1>
        %reduce_sum3A_1734 = tpu.scan <sum>, %add3A_1704 masked %reduce_sum3A_1733 : vector<16xf32>, vector<16xi1> -> vector<16xf32>
        %reduce_sum3A_1735 = vector.extract %reduce_sum3A_1734[15] : f32 from vector<16xf32>
        %broadcast_in_dim3A_1736 = vector.broadcast %reduce_sum3A_1735 : f32 to vector<16xf32>
        %select_n3A_1737 = arith.select %eq3A_1707, %broadcast_in_dim3A_1736, %select_n3A_1596 : vector<16xi1>, vector<16xf32>
        %add3A_1738 = arith.constant 12 : i32
        %add3A_1739 = arith.addi %mul3A_41, %add3A_1738 : i32
        %broadcast_in_dim3A_1740 = arith.constant 0.000000e+00 : f32
        %broadcast_in_dim3A_1741 = vector.broadcast %broadcast_in_dim3A_1740 : f32 to vector<16xf32>
        %broadcast_in_dim3A_1742 = arith.constant 0.000000e+00 : f32
        %broadcast_in_dim3A_1743 = vector.broadcast %broadcast_in_dim3A_1742 : f32 to vector<16xf32>
        %broadcast_in_dim3A_1744 = arith.constant 0.000000e+00 : f32
        %broadcast_in_dim3A_1745 = vector.broadcast %broadcast_in_dim3A_1744 : f32 to vector<16xf32>
        %broadcast_in_dim3A_1746 = arith.constant 0.000000e+00 : f32
        %broadcast_in_dim3A_1747 = vector.broadcast %broadcast_in_dim3A_1746 : f32 to vector<16xf32>
        %broadcast_in_dim3A_1748 = arith.constant 0.000000e+00 : f32
        %broadcast_in_dim3A_1749 = vector.broadcast %broadcast_in_dim3A_1748 : f32 to vector<16xf32>
        %get3A_1750 = arith.index_cast %add3A_1739 : i32 to index
        %get3A_1751 = arith.constant 0 : index
        %get3A_1752 = tpu.vector_load %arg14[%get3A_1750, %get3A_1751] {strides = array<i32>} : memref<128x64xf32, #tpu.memory_space<vmem>>, vector<16xf32>,
        %get3A_1753 = arith.index_cast %add3A_1739 : i32 to index
        %get3A_1754 = arith.constant 0 : index
        %get3A_1755 = tpu.vector_load %arg15[%get3A_1753, %get3A_1754] {strides = array<i32>} : memref<128x64xf32, #tpu.memory_space<vmem>>, vector<16xf32>,
        %get3A_1756 = arith.index_cast %add3A_1739 : i32 to index
        %get3A_1757 = arith.constant 0 : index
        %get3A_1758 = tpu.vector_load %arg16[%get3A_1756, %get3A_1757] {strides = array<i32>} : memref<128x64xf32, #tpu.memory_space<vmem>>, vector<16xf32>,
        %get3A_1759 = arith.index_cast %add3A_1739 : i32 to index
        %get3A_1760 = arith.constant 0 : index
        %get3A_1761 = tpu.vector_load %arg17[%get3A_1759, %get3A_1760] {strides = array<i32>} : memref<128x64xf32, #tpu.memory_space<vmem>>, vector<16xf32>,
        %sub3A_1762 = arith.subf %get3A_1752, %get3A_1758 : vector<16xf32>
        %sub3A_1763 = arith.subf %get3A_1752, %get3A_1761 : vector<16xf32>
        %mul3A_1764 = arith.mulf %sub3A_1762, %sub3A_1762 : vector<16xf32>
        %add3A_1765 = arith.addf %broadcast_in_dim3A_1741, %mul3A_1764 : vector<16xf32>
        %mul3A_1766 = arith.mulf %sub3A_1763, %sub3A_1763 : vector<16xf32>
        %add3A_1767 = arith.addf %broadcast_in_dim3A_1743, %mul3A_1766 : vector<16xf32>
        %mul3A_1768 = arith.mulf %get3A_1755, %sub3A_1762 : vector<16xf32>
        %add3A_1769 = arith.addf %broadcast_in_dim3A_1745, %mul3A_1768 : vector<16xf32>
        %mul3A_1770 = arith.mulf %get3A_1755, %sub3A_1763 : vector<16xf32>
        %add3A_1771 = arith.addf %broadcast_in_dim3A_1747, %mul3A_1770 : vector<16xf32>
        %mul3A_1772 = arith.mulf %get3A_1755, %get3A_1755 : vector<16xf32>
        %add3A_1773 = arith.addf %broadcast_in_dim3A_1749, %mul3A_1772 : vector<16xf32>
        %get3A_1774 = arith.index_cast %add3A_1739 : i32 to index
        %get3A_1775 = arith.constant 16 : index
        %get3A_1776 = tpu.vector_load %arg14[%get3A_1774, %get3A_1775] {strides = array<i32>} : memref<128x64xf32, #tpu.memory_space<vmem>>, vector<16xf32>,
        %get3A_1777 = arith.index_cast %add3A_1739 : i32 to index
        %get3A_1778 = arith.constant 16 : index
        %get3A_1779 = tpu.vector_load %arg15[%get3A_1777, %get3A_1778] {strides = array<i32>} : memref<128x64xf32, #tpu.memory_space<vmem>>, vector<16xf32>,
        %get3A_1780 = arith.index_cast %add3A_1739 : i32 to index
        %get3A_1781 = arith.constant 16 : index
        %get3A_1782 = tpu.vector_load %arg16[%get3A_1780, %get3A_1781] {strides = array<i32>} : memref<128x64xf32, #tpu.memory_space<vmem>>, vector<16xf32>,
        %get3A_1783 = arith.index_cast %add3A_1739 : i32 to index
        %get3A_1784 = arith.constant 16 : index
        %get3A_1785 = tpu.vector_load %arg17[%get3A_1783, %get3A_1784] {strides = array<i32>} : memref<128x64xf32, #tpu.memory_space<vmem>>, vector<16xf32>,
        %sub3A_1786 = arith.subf %get3A_1776, %get3A_1782 : vector<16xf32>
        %sub3A_1787 = arith.subf %get3A_1776, %get3A_1785 : vector<16xf32>
        %mul3A_1788 = arith.mulf %sub3A_1786, %sub3A_1786 : vector<16xf32>
        %add3A_1789 = arith.addf %add3A_1765, %mul3A_1788 : vector<16xf32>
        %mul3A_1790 = arith.mulf %sub3A_1787, %sub3A_1787 : vector<16xf32>
        %add3A_1791 = arith.addf %add3A_1767, %mul3A_1790 : vector<16xf32>
        %mul3A_1792 = arith.mulf %get3A_1779, %sub3A_1786 : vector<16xf32>
        %add3A_1793 = arith.addf %add3A_1769, %mul3A_1792 : vector<16xf32>
        %mul3A_1794 = arith.mulf %get3A_1779, %sub3A_1787 : vector<16xf32>
        %add3A_1795 = arith.addf %add3A_1771, %mul3A_1794 : vector<16xf32>
        %mul3A_1796 = arith.mulf %get3A_1779, %get3A_1779 : vector<16xf32>
        %add3A_1797 = arith.addf %add3A_1773, %mul3A_1796 : vector<16xf32>
        %get3A_1798 = arith.index_cast %add3A_1739 : i32 to index
        %get3A_1799 = arith.constant 32 : index
        %get3A_1800 = tpu.vector_load %arg14[%get3A_1798, %get3A_1799] {strides = array<i32>} : memref<128x64xf32, #tpu.memory_space<vmem>>, vector<16xf32>,
        %get3A_1801 = arith.index_cast %add3A_1739 : i32 to index
        %get3A_1802 = arith.constant 32 : index
        %get3A_1803 = tpu.vector_load %arg15[%get3A_1801, %get3A_1802] {strides = array<i32>} : memref<128x64xf32, #tpu.memory_space<vmem>>, vector<16xf32>,
        %get3A_1804 = arith.index_cast %add3A_1739 : i32 to index
        %get3A_1805 = arith.constant 32 : index
        %get3A_1806 = tpu.vector_load %arg16[%get3A_1804, %get3A_1805] {strides = array<i32>} : memref<128x64xf32, #tpu.memory_space<vmem>>, vector<16xf32>,
        %get3A_1807 = arith.index_cast %add3A_1739 : i32 to index
        %get3A_1808 = arith.constant 32 : index
        %get3A_1809 = tpu.vector_load %arg17[%get3A_1807, %get3A_1808] {strides = array<i32>} : memref<128x64xf32, #tpu.memory_space<vmem>>, vector<16xf32>,
        %sub3A_1810 = arith.subf %get3A_1800, %get3A_1806 : vector<16xf32>
        %sub3A_1811 = arith.subf %get3A_1800, %get3A_1809 : vector<16xf32>
        %mul3A_1812 = arith.mulf %sub3A_1810, %sub3A_1810 : vector<16xf32>
        %add3A_1813 = arith.addf %add3A_1789, %mul3A_1812 : vector<16xf32>
        %mul3A_1814 = arith.mulf %sub3A_1811, %sub3A_1811 : vector<16xf32>
        %add3A_1815 = arith.addf %add3A_1791, %mul3A_1814 : vector<16xf32>
        %mul3A_1816 = arith.mulf %get3A_1803, %sub3A_1810 : vector<16xf32>
        %add3A_1817 = arith.addf %add3A_1793, %mul3A_1816 : vector<16xf32>
        %mul3A_1818 = arith.mulf %get3A_1803, %sub3A_1811 : vector<16xf32>
        %add3A_1819 = arith.addf %add3A_1795, %mul3A_1818 : vector<16xf32>
        %mul3A_1820 = arith.mulf %get3A_1803, %get3A_1803 : vector<16xf32>
        %add3A_1821 = arith.addf %add3A_1797, %mul3A_1820 : vector<16xf32>
        %get3A_1822 = arith.index_cast %add3A_1739 : i32 to index
        %get3A_1823 = arith.constant 48 : index
        %get3A_1824 = tpu.vector_load %arg14[%get3A_1822, %get3A_1823] {strides = array<i32>} : memref<128x64xf32, #tpu.memory_space<vmem>>, vector<16xf32>,
        %get3A_1825 = arith.index_cast %add3A_1739 : i32 to index
        %get3A_1826 = arith.constant 48 : index
        %get3A_1827 = tpu.vector_load %arg15[%get3A_1825, %get3A_1826] {strides = array<i32>} : memref<128x64xf32, #tpu.memory_space<vmem>>, vector<16xf32>,
        %get3A_1828 = arith.index_cast %add3A_1739 : i32 to index
        %get3A_1829 = arith.constant 48 : index
        %get3A_1830 = tpu.vector_load %arg16[%get3A_1828, %get3A_1829] {strides = array<i32>} : memref<128x64xf32, #tpu.memory_space<vmem>>, vector<16xf32>,
        %get3A_1831 = arith.index_cast %add3A_1739 : i32 to index
        %get3A_1832 = arith.constant 48 : index
        %get3A_1833 = tpu.vector_load %arg17[%get3A_1831, %get3A_1832] {strides = array<i32>} : memref<128x64xf32, #tpu.memory_space<vmem>>, vector<16xf32>,
        %sub3A_1834 = arith.subf %get3A_1824, %get3A_1830 : vector<16xf32>
        %sub3A_1835 = arith.subf %get3A_1824, %get3A_1833 : vector<16xf32>
        %mul3A_1836 = arith.mulf %sub3A_1834, %sub3A_1834 : vector<16xf32>
        %add3A_1837 = arith.addf %add3A_1813, %mul3A_1836 : vector<16xf32>
        %mul3A_1838 = arith.mulf %sub3A_1835, %sub3A_1835 : vector<16xf32>
        %add3A_1839 = arith.addf %add3A_1815, %mul3A_1838 : vector<16xf32>
        %mul3A_1840 = arith.mulf %get3A_1827, %sub3A_1834 : vector<16xf32>
        %add3A_1841 = arith.addf %add3A_1817, %mul3A_1840 : vector<16xf32>
        %mul3A_1842 = arith.mulf %get3A_1827, %sub3A_1835 : vector<16xf32>
        %add3A_1843 = arith.addf %add3A_1819, %mul3A_1842 : vector<16xf32>
        %mul3A_1844 = arith.mulf %get3A_1827, %get3A_1827 : vector<16xf32>
        %add3A_1845 = arith.addf %add3A_1821, %mul3A_1844 : vector<16xf32>
        %eq3A_1846 = arith.constant 12 : i32
        %eq3A_1847 = vector.broadcast %eq3A_1846 : i32 to vector<16xi32>
        %eq3A_1848 = arith.cmpi eq, %iota3A, %eq3A_1847 : vector<16xi32>
        %reduce_sum3A_1849 = arith.constant true
        %reduce_sum3A_1850 = vector.broadcast %reduce_sum3A_1849 : i1 to vector<16xi1>
        %reduce_sum3A_1851 = tpu.scan <sum>, %add3A_1837 masked %reduce_sum3A_1850 : vector<16xf32>, vector<16xi1> -> vector<16xf32>
        %reduce_sum3A_1852 = vector.extract %reduce_sum3A_1851[15] : f32 from vector<16xf32>
        %broadcast_in_dim3A_1853 = vector.broadcast %reduce_sum3A_1852 : f32 to vector<16xf32>
        %select_n3A_1854 = arith.select %eq3A_1848, %broadcast_in_dim3A_1853, %select_n3A_1713 : vector<16xi1>, vector<16xf32>
        %reduce_sum3A_1855 = arith.constant true
        %reduce_sum3A_1856 = vector.broadcast %reduce_sum3A_1855 : i1 to vector<16xi1>
        %reduce_sum3A_1857 = tpu.scan <sum>, %add3A_1839 masked %reduce_sum3A_1856 : vector<16xf32>, vector<16xi1> -> vector<16xf32>
        %reduce_sum3A_1858 = vector.extract %reduce_sum3A_1857[15] : f32 from vector<16xf32>
        %broadcast_in_dim3A_1859 = vector.broadcast %reduce_sum3A_1858 : f32 to vector<16xf32>
        %select_n3A_1860 = arith.select %eq3A_1848, %broadcast_in_dim3A_1859, %select_n3A_1719 : vector<16xi1>, vector<16xf32>
        %reduce_sum3A_1861 = arith.constant true
        %reduce_sum3A_1862 = vector.broadcast %reduce_sum3A_1861 : i1 to vector<16xi1>
        %reduce_sum3A_1863 = tpu.scan <sum>, %add3A_1841 masked %reduce_sum3A_1862 : vector<16xf32>, vector<16xi1> -> vector<16xf32>
        %reduce_sum3A_1864 = vector.extract %reduce_sum3A_1863[15] : f32 from vector<16xf32>
        %broadcast_in_dim3A_1865 = vector.broadcast %reduce_sum3A_1864 : f32 to vector<16xf32>
        %select_n3A_1866 = arith.select %eq3A_1848, %broadcast_in_dim3A_1865, %select_n3A_1725 : vector<16xi1>, vector<16xf32>
        %reduce_sum3A_1867 = arith.constant true
        %reduce_sum3A_1868 = vector.broadcast %reduce_sum3A_1867 : i1 to vector<16xi1>
        %reduce_sum3A_1869 = tpu.scan <sum>, %add3A_1843 masked %reduce_sum3A_1868 : vector<16xf32>, vector<16xi1> -> vector<16xf32>
        %reduce_sum3A_1870 = vector.extract %reduce_sum3A_1869[15] : f32 from vector<16xf32>
        %broadcast_in_dim3A_1871 = vector.broadcast %reduce_sum3A_1870 : f32 to vector<16xf32>
        %select_n3A_1872 = arith.select %eq3A_1848, %broadcast_in_dim3A_1871, %select_n3A_1731 : vector<16xi1>, vector<16xf32>
        %reduce_sum3A_1873 = arith.constant true
        %reduce_sum3A_1874 = vector.broadcast %reduce_sum3A_1873 : i1 to vector<16xi1>
        %reduce_sum3A_1875 = tpu.scan <sum>, %add3A_1845 masked %reduce_sum3A_1874 : vector<16xf32>, vector<16xi1> -> vector<16xf32>
        %reduce_sum3A_1876 = vector.extract %reduce_sum3A_1875[15] : f32 from vector<16xf32>
        %broadcast_in_dim3A_1877 = vector.broadcast %reduce_sum3A_1876 : f32 to vector<16xf32>
        %select_n3A_1878 = arith.select %eq3A_1848, %broadcast_in_dim3A_1877, %select_n3A_1737 : vector<16xi1>, vector<16xf32>
        %add3A_1879 = arith.constant 13 : i32
        %add3A_1880 = arith.addi %mul3A_41, %add3A_1879 : i32
        %broadcast_in_dim3A_1881 = arith.constant 0.000000e+00 : f32
        %broadcast_in_dim3A_1882 = vector.broadcast %broadcast_in_dim3A_1881 : f32 to vector<16xf32>
        %broadcast_in_dim3A_1883 = arith.constant 0.000000e+00 : f32
        %broadcast_in_dim3A_1884 = vector.broadcast %broadcast_in_dim3A_1883 : f32 to vector<16xf32>
        %broadcast_in_dim3A_1885 = arith.constant 0.000000e+00 : f32
        %broadcast_in_dim3A_1886 = vector.broadcast %broadcast_in_dim3A_1885 : f32 to vector<16xf32>
        %broadcast_in_dim3A_1887 = arith.constant 0.000000e+00 : f32
        %broadcast_in_dim3A_1888 = vector.broadcast %broadcast_in_dim3A_1887 : f32 to vector<16xf32>
        %broadcast_in_dim3A_1889 = arith.constant 0.000000e+00 : f32
        %broadcast_in_dim3A_1890 = vector.broadcast %broadcast_in_dim3A_1889 : f32 to vector<16xf32>
        %get3A_1891 = arith.index_cast %add3A_1880 : i32 to index
        %get3A_1892 = arith.constant 0 : index
        %get3A_1893 = tpu.vector_load %arg14[%get3A_1891, %get3A_1892] {strides = array<i32>} : memref<128x64xf32, #tpu.memory_space<vmem>>, vector<16xf32>,
        %get3A_1894 = arith.index_cast %add3A_1880 : i32 to index
        %get3A_1895 = arith.constant 0 : index
        %get3A_1896 = tpu.vector_load %arg15[%get3A_1894, %get3A_1895] {strides = array<i32>} : memref<128x64xf32, #tpu.memory_space<vmem>>, vector<16xf32>,
        %get3A_1897 = arith.index_cast %add3A_1880 : i32 to index
        %get3A_1898 = arith.constant 0 : index
        %get3A_1899 = tpu.vector_load %arg16[%get3A_1897, %get3A_1898] {strides = array<i32>} : memref<128x64xf32, #tpu.memory_space<vmem>>, vector<16xf32>,
        %get3A_1900 = arith.index_cast %add3A_1880 : i32 to index
        %get3A_1901 = arith.constant 0 : index
        %get3A_1902 = tpu.vector_load %arg17[%get3A_1900, %get3A_1901] {strides = array<i32>} : memref<128x64xf32, #tpu.memory_space<vmem>>, vector<16xf32>,
        %sub3A_1903 = arith.subf %get3A_1893, %get3A_1899 : vector<16xf32>
        %sub3A_1904 = arith.subf %get3A_1893, %get3A_1902 : vector<16xf32>
        %mul3A_1905 = arith.mulf %sub3A_1903, %sub3A_1903 : vector<16xf32>
        %add3A_1906 = arith.addf %broadcast_in_dim3A_1882, %mul3A_1905 : vector<16xf32>
        %mul3A_1907 = arith.mulf %sub3A_1904, %sub3A_1904 : vector<16xf32>
        %add3A_1908 = arith.addf %broadcast_in_dim3A_1884, %mul3A_1907 : vector<16xf32>
        %mul3A_1909 = arith.mulf %get3A_1896, %sub3A_1903 : vector<16xf32>
        %add3A_1910 = arith.addf %broadcast_in_dim3A_1886, %mul3A_1909 : vector<16xf32>
        %mul3A_1911 = arith.mulf %get3A_1896, %sub3A_1904 : vector<16xf32>
        %add3A_1912 = arith.addf %broadcast_in_dim3A_1888, %mul3A_1911 : vector<16xf32>
        %mul3A_1913 = arith.mulf %get3A_1896, %get3A_1896 : vector<16xf32>
        %add3A_1914 = arith.addf %broadcast_in_dim3A_1890, %mul3A_1913 : vector<16xf32>
        %get3A_1915 = arith.index_cast %add3A_1880 : i32 to index
        %get3A_1916 = arith.constant 16 : index
        %get3A_1917 = tpu.vector_load %arg14[%get3A_1915, %get3A_1916] {strides = array<i32>} : memref<128x64xf32, #tpu.memory_space<vmem>>, vector<16xf32>,
        %get3A_1918 = arith.index_cast %add3A_1880 : i32 to index
        %get3A_1919 = arith.constant 16 : index
        %get3A_1920 = tpu.vector_load %arg15[%get3A_1918, %get3A_1919] {strides = array<i32>} : memref<128x64xf32, #tpu.memory_space<vmem>>, vector<16xf32>,
        %get3A_1921 = arith.index_cast %add3A_1880 : i32 to index
        %get3A_1922 = arith.constant 16 : index
        %get3A_1923 = tpu.vector_load %arg16[%get3A_1921, %get3A_1922] {strides = array<i32>} : memref<128x64xf32, #tpu.memory_space<vmem>>, vector<16xf32>,
        %get3A_1924 = arith.index_cast %add3A_1880 : i32 to index
        %get3A_1925 = arith.constant 16 : index
        %get3A_1926 = tpu.vector_load %arg17[%get3A_1924, %get3A_1925] {strides = array<i32>} : memref<128x64xf32, #tpu.memory_space<vmem>>, vector<16xf32>,
        %sub3A_1927 = arith.subf %get3A_1917, %get3A_1923 : vector<16xf32>
        %sub3A_1928 = arith.subf %get3A_1917, %get3A_1926 : vector<16xf32>
        %mul3A_1929 = arith.mulf %sub3A_1927, %sub3A_1927 : vector<16xf32>
        %add3A_1930 = arith.addf %add3A_1906, %mul3A_1929 : vector<16xf32>
        %mul3A_1931 = arith.mulf %sub3A_1928, %sub3A_1928 : vector<16xf32>
        %add3A_1932 = arith.addf %add3A_1908, %mul3A_1931 : vector<16xf32>
        %mul3A_1933 = arith.mulf %get3A_1920, %sub3A_1927 : vector<16xf32>
        %add3A_1934 = arith.addf %add3A_1910, %mul3A_1933 : vector<16xf32>
        %mul3A_1935 = arith.mulf %get3A_1920, %sub3A_1928 : vector<16xf32>
        %add3A_1936 = arith.addf %add3A_1912, %mul3A_1935 : vector<16xf32>
        %mul3A_1937 = arith.mulf %get3A_1920, %get3A_1920 : vector<16xf32>
        %add3A_1938 = arith.addf %add3A_1914, %mul3A_1937 : vector<16xf32>
        %get3A_1939 = arith.index_cast %add3A_1880 : i32 to index
        %get3A_1940 = arith.constant 32 : index
        %get3A_1941 = tpu.vector_load %arg14[%get3A_1939, %get3A_1940] {strides = array<i32>} : memref<128x64xf32, #tpu.memory_space<vmem>>, vector<16xf32>,
        %get3A_1942 = arith.index_cast %add3A_1880 : i32 to index
        %get3A_1943 = arith.constant 32 : index
        %get3A_1944 = tpu.vector_load %arg15[%get3A_1942, %get3A_1943] {strides = array<i32>} : memref<128x64xf32, #tpu.memory_space<vmem>>, vector<16xf32>,
        %get3A_1945 = arith.index_cast %add3A_1880 : i32 to index
        %get3A_1946 = arith.constant 32 : index
        %get3A_1947 = tpu.vector_load %arg16[%get3A_1945, %get3A_1946] {strides = array<i32>} : memref<128x64xf32, #tpu.memory_space<vmem>>, vector<16xf32>,
        %get3A_1948 = arith.index_cast %add3A_1880 : i32 to index
        %get3A_1949 = arith.constant 32 : index
        %get3A_1950 = tpu.vector_load %arg17[%get3A_1948, %get3A_1949] {strides = array<i32>} : memref<128x64xf32, #tpu.memory_space<vmem>>, vector<16xf32>,
        %sub3A_1951 = arith.subf %get3A_1941, %get3A_1947 : vector<16xf32>
        %sub3A_1952 = arith.subf %get3A_1941, %get3A_1950 : vector<16xf32>
        %mul3A_1953 = arith.mulf %sub3A_1951, %sub3A_1951 : vector<16xf32>
        %add3A_1954 = arith.addf %add3A_1930, %mul3A_1953 : vector<16xf32>
        %mul3A_1955 = arith.mulf %sub3A_1952, %sub3A_1952 : vector<16xf32>
        %add3A_1956 = arith.addf %add3A_1932, %mul3A_1955 : vector<16xf32>
        %mul3A_1957 = arith.mulf %get3A_1944, %sub3A_1951 : vector<16xf32>
        %add3A_1958 = arith.addf %add3A_1934, %mul3A_1957 : vector<16xf32>
        %mul3A_1959 = arith.mulf %get3A_1944, %sub3A_1952 : vector<16xf32>
        %add3A_1960 = arith.addf %add3A_1936, %mul3A_1959 : vector<16xf32>
        %mul3A_1961 = arith.mulf %get3A_1944, %get3A_1944 : vector<16xf32>
        %add3A_1962 = arith.addf %add3A_1938, %mul3A_1961 : vector<16xf32>
        %get3A_1963 = arith.index_cast %add3A_1880 : i32 to index
        %get3A_1964 = arith.constant 48 : index
        %get3A_1965 = tpu.vector_load %arg14[%get3A_1963, %get3A_1964] {strides = array<i32>} : memref<128x64xf32, #tpu.memory_space<vmem>>, vector<16xf32>,
        %get3A_1966 = arith.index_cast %add3A_1880 : i32 to index
        %get3A_1967 = arith.constant 48 : index
        %get3A_1968 = tpu.vector_load %arg15[%get3A_1966, %get3A_1967] {strides = array<i32>} : memref<128x64xf32, #tpu.memory_space<vmem>>, vector<16xf32>,
        %get3A_1969 = arith.index_cast %add3A_1880 : i32 to index
        %get3A_1970 = arith.constant 48 : index
        %get3A_1971 = tpu.vector_load %arg16[%get3A_1969, %get3A_1970] {strides = array<i32>} : memref<128x64xf32, #tpu.memory_space<vmem>>, vector<16xf32>,
        %get3A_1972 = arith.index_cast %add3A_1880 : i32 to index
        %get3A_1973 = arith.constant 48 : index
        %get3A_1974 = tpu.vector_load %arg17[%get3A_1972, %get3A_1973] {strides = array<i32>} : memref<128x64xf32, #tpu.memory_space<vmem>>, vector<16xf32>,
        %sub3A_1975 = arith.subf %get3A_1965, %get3A_1971 : vector<16xf32>
        %sub3A_1976 = arith.subf %get3A_1965, %get3A_1974 : vector<16xf32>
        %mul3A_1977 = arith.mulf %sub3A_1975, %sub3A_1975 : vector<16xf32>
        %add3A_1978 = arith.addf %add3A_1954, %mul3A_1977 : vector<16xf32>
        %mul3A_1979 = arith.mulf %sub3A_1976, %sub3A_1976 : vector<16xf32>
        %add3A_1980 = arith.addf %add3A_1956, %mul3A_1979 : vector<16xf32>
        %mul3A_1981 = arith.mulf %get3A_1968, %sub3A_1975 : vector<16xf32>
        %add3A_1982 = arith.addf %add3A_1958, %mul3A_1981 : vector<16xf32>
        %mul3A_1983 = arith.mulf %get3A_1968, %sub3A_1976 : vector<16xf32>
        %add3A_1984 = arith.addf %add3A_1960, %mul3A_1983 : vector<16xf32>
        %mul3A_1985 = arith.mulf %get3A_1968, %get3A_1968 : vector<16xf32>
        %add3A_1986 = arith.addf %add3A_1962, %mul3A_1985 : vector<16xf32>
        %eq3A_1987 = arith.constant 13 : i32
        %eq3A_1988 = vector.broadcast %eq3A_1987 : i32 to vector<16xi32>
        %eq3A_1989 = arith.cmpi eq, %iota3A, %eq3A_1988 : vector<16xi32>
        %reduce_sum3A_1990 = arith.constant true
        %reduce_sum3A_1991 = vector.broadcast %reduce_sum3A_1990 : i1 to vector<16xi1>
        %reduce_sum3A_1992 = tpu.scan <sum>, %add3A_1978 masked %reduce_sum3A_1991 : vector<16xf32>, vector<16xi1> -> vector<16xf32>
        %reduce_sum3A_1993 = vector.extract %reduce_sum3A_1992[15] : f32 from vector<16xf32>
        %broadcast_in_dim3A_1994 = vector.broadcast %reduce_sum3A_1993 : f32 to vector<16xf32>
        %select_n3A_1995 = arith.select %eq3A_1989, %broadcast_in_dim3A_1994, %select_n3A_1854 : vector<16xi1>, vector<16xf32>
        %reduce_sum3A_1996 = arith.constant true
        %reduce_sum3A_1997 = vector.broadcast %reduce_sum3A_1996 : i1 to vector<16xi1>
        %reduce_sum3A_1998 = tpu.scan <sum>, %add3A_1980 masked %reduce_sum3A_1997 : vector<16xf32>, vector<16xi1> -> vector<16xf32>
        %reduce_sum3A_1999 = vector.extract %reduce_sum3A_1998[15] : f32 from vector<16xf32>
        %broadcast_in_dim3A_2000 = vector.broadcast %reduce_sum3A_1999 : f32 to vector<16xf32>
        %select_n3A_2001 = arith.select %eq3A_1989, %broadcast_in_dim3A_2000, %select_n3A_1860 : vector<16xi1>, vector<16xf32>
        %reduce_sum3A_2002 = arith.constant true
        %reduce_sum3A_2003 = vector.broadcast %reduce_sum3A_2002 : i1 to vector<16xi1>
        %reduce_sum3A_2004 = tpu.scan <sum>, %add3A_1982 masked %reduce_sum3A_2003 : vector<16xf32>, vector<16xi1> -> vector<16xf32>
        %reduce_sum3A_2005 = vector.extract %reduce_sum3A_2004[15] : f32 from vector<16xf32>
        %broadcast_in_dim3A_2006 = vector.broadcast %reduce_sum3A_2005 : f32 to vector<16xf32>
        %select_n3A_2007 = arith.select %eq3A_1989, %broadcast_in_dim3A_2006, %select_n3A_1866 : vector<16xi1>, vector<16xf32>
        %reduce_sum3A_2008 = arith.constant true
        %reduce_sum3A_2009 = vector.broadcast %reduce_sum3A_2008 : i1 to vector<16xi1>
        %reduce_sum3A_2010 = tpu.scan <sum>, %add3A_1984 masked %reduce_sum3A_2009 : vector<16xf32>, vector<16xi1> -> vector<16xf32>
        %reduce_sum3A_2011 = vector.extract %reduce_sum3A_2010[15] : f32 from vector<16xf32>
        %broadcast_in_dim3A_2012 = vector.broadcast %reduce_sum3A_2011 : f32 to vector<16xf32>
        %select_n3A_2013 = arith.select %eq3A_1989, %broadcast_in_dim3A_2012, %select_n3A_1872 : vector<16xi1>, vector<16xf32>
        %reduce_sum3A_2014 = arith.constant true
        %reduce_sum3A_2015 = vector.broadcast %reduce_sum3A_2014 : i1 to vector<16xi1>
        %reduce_sum3A_2016 = tpu.scan <sum>, %add3A_1986 masked %reduce_sum3A_2015 : vector<16xf32>, vector<16xi1> -> vector<16xf32>
        %reduce_sum3A_2017 = vector.extract %reduce_sum3A_2016[15] : f32 from vector<16xf32>
        %broadcast_in_dim3A_2018 = vector.broadcast %reduce_sum3A_2017 : f32 to vector<16xf32>
        %select_n3A_2019 = arith.select %eq3A_1989, %broadcast_in_dim3A_2018, %select_n3A_1878 : vector<16xi1>, vector<16xf32>
        %add3A_2020 = arith.constant 14 : i32
        %add3A_2021 = arith.addi %mul3A_41, %add3A_2020 : i32
        %broadcast_in_dim3A_2022 = arith.constant 0.000000e+00 : f32
        %broadcast_in_dim3A_2023 = vector.broadcast %broadcast_in_dim3A_2022 : f32 to vector<16xf32>
        %broadcast_in_dim3A_2024 = arith.constant 0.000000e+00 : f32
        %broadcast_in_dim3A_2025 = vector.broadcast %broadcast_in_dim3A_2024 : f32 to vector<16xf32>
        %broadcast_in_dim3A_2026 = arith.constant 0.000000e+00 : f32
        %broadcast_in_dim3A_2027 = vector.broadcast %broadcast_in_dim3A_2026 : f32 to vector<16xf32>
        %broadcast_in_dim3A_2028 = arith.constant 0.000000e+00 : f32
        %broadcast_in_dim3A_2029 = vector.broadcast %broadcast_in_dim3A_2028 : f32 to vector<16xf32>
        %broadcast_in_dim3A_2030 = arith.constant 0.000000e+00 : f32
        %broadcast_in_dim3A_2031 = vector.broadcast %broadcast_in_dim3A_2030 : f32 to vector<16xf32>
        %get3A_2032 = arith.index_cast %add3A_2021 : i32 to index
        %get3A_2033 = arith.constant 0 : index
        %get3A_2034 = tpu.vector_load %arg14[%get3A_2032, %get3A_2033] {strides = array<i32>} : memref<128x64xf32, #tpu.memory_space<vmem>>, vector<16xf32>,
        %get3A_2035 = arith.index_cast %add3A_2021 : i32 to index
        %get3A_2036 = arith.constant 0 : index
        %get3A_2037 = tpu.vector_load %arg15[%get3A_2035, %get3A_2036] {strides = array<i32>} : memref<128x64xf32, #tpu.memory_space<vmem>>, vector<16xf32>,
        %get3A_2038 = arith.index_cast %add3A_2021 : i32 to index
        %get3A_2039 = arith.constant 0 : index
        %get3A_2040 = tpu.vector_load %arg16[%get3A_2038, %get3A_2039] {strides = array<i32>} : memref<128x64xf32, #tpu.memory_space<vmem>>, vector<16xf32>,
        %get3A_2041 = arith.index_cast %add3A_2021 : i32 to index
        %get3A_2042 = arith.constant 0 : index
        %get3A_2043 = tpu.vector_load %arg17[%get3A_2041, %get3A_2042] {strides = array<i32>} : memref<128x64xf32, #tpu.memory_space<vmem>>, vector<16xf32>,
        %sub3A_2044 = arith.subf %get3A_2034, %get3A_2040 : vector<16xf32>
        %sub3A_2045 = arith.subf %get3A_2034, %get3A_2043 : vector<16xf32>
        %mul3A_2046 = arith.mulf %sub3A_2044, %sub3A_2044 : vector<16xf32>
        %add3A_2047 = arith.addf %broadcast_in_dim3A_2023, %mul3A_2046 : vector<16xf32>
        %mul3A_2048 = arith.mulf %sub3A_2045, %sub3A_2045 : vector<16xf32>
        %add3A_2049 = arith.addf %broadcast_in_dim3A_2025, %mul3A_2048 : vector<16xf32>
        %mul3A_2050 = arith.mulf %get3A_2037, %sub3A_2044 : vector<16xf32>
        %add3A_2051 = arith.addf %broadcast_in_dim3A_2027, %mul3A_2050 : vector<16xf32>
        %mul3A_2052 = arith.mulf %get3A_2037, %sub3A_2045 : vector<16xf32>
        %add3A_2053 = arith.addf %broadcast_in_dim3A_2029, %mul3A_2052 : vector<16xf32>
        %mul3A_2054 = arith.mulf %get3A_2037, %get3A_2037 : vector<16xf32>
        %add3A_2055 = arith.addf %broadcast_in_dim3A_2031, %mul3A_2054 : vector<16xf32>
        %get3A_2056 = arith.index_cast %add3A_2021 : i32 to index
        %get3A_2057 = arith.constant 16 : index
        %get3A_2058 = tpu.vector_load %arg14[%get3A_2056, %get3A_2057] {strides = array<i32>} : memref<128x64xf32, #tpu.memory_space<vmem>>, vector<16xf32>,
        %get3A_2059 = arith.index_cast %add3A_2021 : i32 to index
        %get3A_2060 = arith.constant 16 : index
        %get3A_2061 = tpu.vector_load %arg15[%get3A_2059, %get3A_2060] {strides = array<i32>} : memref<128x64xf32, #tpu.memory_space<vmem>>, vector<16xf32>,
        %get3A_2062 = arith.index_cast %add3A_2021 : i32 to index
        %get3A_2063 = arith.constant 16 : index
        %get3A_2064 = tpu.vector_load %arg16[%get3A_2062, %get3A_2063] {strides = array<i32>} : memref<128x64xf32, #tpu.memory_space<vmem>>, vector<16xf32>,
        %get3A_2065 = arith.index_cast %add3A_2021 : i32 to index
        %get3A_2066 = arith.constant 16 : index
        %get3A_2067 = tpu.vector_load %arg17[%get3A_2065, %get3A_2066] {strides = array<i32>} : memref<128x64xf32, #tpu.memory_space<vmem>>, vector<16xf32>,
        %sub3A_2068 = arith.subf %get3A_2058, %get3A_2064 : vector<16xf32>
        %sub3A_2069 = arith.subf %get3A_2058, %get3A_2067 : vector<16xf32>
        %mul3A_2070 = arith.mulf %sub3A_2068, %sub3A_2068 : vector<16xf32>
        %add3A_2071 = arith.addf %add3A_2047, %mul3A_2070 : vector<16xf32>
        %mul3A_2072 = arith.mulf %sub3A_2069, %sub3A_2069 : vector<16xf32>
        %add3A_2073 = arith.addf %add3A_2049, %mul3A_2072 : vector<16xf32>
        %mul3A_2074 = arith.mulf %get3A_2061, %sub3A_2068 : vector<16xf32>
        %add3A_2075 = arith.addf %add3A_2051, %mul3A_2074 : vector<16xf32>
        %mul3A_2076 = arith.mulf %get3A_2061, %sub3A_2069 : vector<16xf32>
        %add3A_2077 = arith.addf %add3A_2053, %mul3A_2076 : vector<16xf32>
        %mul3A_2078 = arith.mulf %get3A_2061, %get3A_2061 : vector<16xf32>
        %add3A_2079 = arith.addf %add3A_2055, %mul3A_2078 : vector<16xf32>
        %get3A_2080 = arith.index_cast %add3A_2021 : i32 to index
        %get3A_2081 = arith.constant 32 : index
        %get3A_2082 = tpu.vector_load %arg14[%get3A_2080, %get3A_2081] {strides = array<i32>} : memref<128x64xf32, #tpu.memory_space<vmem>>, vector<16xf32>,
        %get3A_2083 = arith.index_cast %add3A_2021 : i32 to index
        %get3A_2084 = arith.constant 32 : index
        %get3A_2085 = tpu.vector_load %arg15[%get3A_2083, %get3A_2084] {strides = array<i32>} : memref<128x64xf32, #tpu.memory_space<vmem>>, vector<16xf32>,
        %get3A_2086 = arith.index_cast %add3A_2021 : i32 to index
        %get3A_2087 = arith.constant 32 : index
        %get3A_2088 = tpu.vector_load %arg16[%get3A_2086, %get3A_2087] {strides = array<i32>} : memref<128x64xf32, #tpu.memory_space<vmem>>, vector<16xf32>,
        %get3A_2089 = arith.index_cast %add3A_2021 : i32 to index
        %get3A_2090 = arith.constant 32 : index
        %get3A_2091 = tpu.vector_load %arg17[%get3A_2089, %get3A_2090] {strides = array<i32>} : memref<128x64xf32, #tpu.memory_space<vmem>>, vector<16xf32>,
        %sub3A_2092 = arith.subf %get3A_2082, %get3A_2088 : vector<16xf32>
        %sub3A_2093 = arith.subf %get3A_2082, %get3A_2091 : vector<16xf32>
        %mul3A_2094 = arith.mulf %sub3A_2092, %sub3A_2092 : vector<16xf32>
        %add3A_2095 = arith.addf %add3A_2071, %mul3A_2094 : vector<16xf32>
        %mul3A_2096 = arith.mulf %sub3A_2093, %sub3A_2093 : vector<16xf32>
        %add3A_2097 = arith.addf %add3A_2073, %mul3A_2096 : vector<16xf32>
        %mul3A_2098 = arith.mulf %get3A_2085, %sub3A_2092 : vector<16xf32>
        %add3A_2099 = arith.addf %add3A_2075, %mul3A_2098 : vector<16xf32>
        %mul3A_2100 = arith.mulf %get3A_2085, %sub3A_2093 : vector<16xf32>
        %add3A_2101 = arith.addf %add3A_2077, %mul3A_2100 : vector<16xf32>
        %mul3A_2102 = arith.mulf %get3A_2085, %get3A_2085 : vector<16xf32>
        %add3A_2103 = arith.addf %add3A_2079, %mul3A_2102 : vector<16xf32>
        %get3A_2104 = arith.index_cast %add3A_2021 : i32 to index
        %get3A_2105 = arith.constant 48 : index
        %get3A_2106 = tpu.vector_load %arg14[%get3A_2104, %get3A_2105] {strides = array<i32>} : memref<128x64xf32, #tpu.memory_space<vmem>>, vector<16xf32>,
        %get3A_2107 = arith.index_cast %add3A_2021 : i32 to index
        %get3A_2108 = arith.constant 48 : index
        %get3A_2109 = tpu.vector_load %arg15[%get3A_2107, %get3A_2108] {strides = array<i32>} : memref<128x64xf32, #tpu.memory_space<vmem>>, vector<16xf32>,
        %get3A_2110 = arith.index_cast %add3A_2021 : i32 to index
        %get3A_2111 = arith.constant 48 : index
        %get3A_2112 = tpu.vector_load %arg16[%get3A_2110, %get3A_2111] {strides = array<i32>} : memref<128x64xf32, #tpu.memory_space<vmem>>, vector<16xf32>,
        %get3A_2113 = arith.index_cast %add3A_2021 : i32 to index
        %get3A_2114 = arith.constant 48 : index
        %get3A_2115 = tpu.vector_load %arg17[%get3A_2113, %get3A_2114] {strides = array<i32>} : memref<128x64xf32, #tpu.memory_space<vmem>>, vector<16xf32>,
        %sub3A_2116 = arith.subf %get3A_2106, %get3A_2112 : vector<16xf32>
        %sub3A_2117 = arith.subf %get3A_2106, %get3A_2115 : vector<16xf32>
        %mul3A_2118 = arith.mulf %sub3A_2116, %sub3A_2116 : vector<16xf32>
        %add3A_2119 = arith.addf %add3A_2095, %mul3A_2118 : vector<16xf32>
        %mul3A_2120 = arith.mulf %sub3A_2117, %sub3A_2117 : vector<16xf32>
        %add3A_2121 = arith.addf %add3A_2097, %mul3A_2120 : vector<16xf32>
        %mul3A_2122 = arith.mulf %get3A_2109, %sub3A_2116 : vector<16xf32>
        %add3A_2123 = arith.addf %add3A_2099, %mul3A_2122 : vector<16xf32>
        %mul3A_2124 = arith.mulf %get3A_2109, %sub3A_2117 : vector<16xf32>
        %add3A_2125 = arith.addf %add3A_2101, %mul3A_2124 : vector<16xf32>
        %mul3A_2126 = arith.mulf %get3A_2109, %get3A_2109 : vector<16xf32>
        %add3A_2127 = arith.addf %add3A_2103, %mul3A_2126 : vector<16xf32>
        %eq3A_2128 = arith.constant 14 : i32
        %eq3A_2129 = vector.broadcast %eq3A_2128 : i32 to vector<16xi32>
        %eq3A_2130 = arith.cmpi eq, %iota3A, %eq3A_2129 : vector<16xi32>
        %reduce_sum3A_2131 = arith.constant true
        %reduce_sum3A_2132 = vector.broadcast %reduce_sum3A_2131 : i1 to vector<16xi1>
        %reduce_sum3A_2133 = tpu.scan <sum>, %add3A_2119 masked %reduce_sum3A_2132 : vector<16xf32>, vector<16xi1> -> vector<16xf32>
        %reduce_sum3A_2134 = vector.extract %reduce_sum3A_2133[15] : f32 from vector<16xf32>
        %broadcast_in_dim3A_2135 = vector.broadcast %reduce_sum3A_2134 : f32 to vector<16xf32>
        %select_n3A_2136 = arith.select %eq3A_2130, %broadcast_in_dim3A_2135, %select_n3A_1995 : vector<16xi1>, vector<16xf32>
        %reduce_sum3A_2137 = arith.constant true
        %reduce_sum3A_2138 = vector.broadcast %reduce_sum3A_2137 : i1 to vector<16xi1>
        %reduce_sum3A_2139 = tpu.scan <sum>, %add3A_2121 masked %reduce_sum3A_2138 : vector<16xf32>, vector<16xi1> -> vector<16xf32>
        %reduce_sum3A_2140 = vector.extract %reduce_sum3A_2139[15] : f32 from vector<16xf32>
        %broadcast_in_dim3A_2141 = vector.broadcast %reduce_sum3A_2140 : f32 to vector<16xf32>
        %select_n3A_2142 = arith.select %eq3A_2130, %broadcast_in_dim3A_2141, %select_n3A_2001 : vector<16xi1>, vector<16xf32>
        %reduce_sum3A_2143 = arith.constant true
        %reduce_sum3A_2144 = vector.broadcast %reduce_sum3A_2143 : i1 to vector<16xi1>
        %reduce_sum3A_2145 = tpu.scan <sum>, %add3A_2123 masked %reduce_sum3A_2144 : vector<16xf32>, vector<16xi1> -> vector<16xf32>
        %reduce_sum3A_2146 = vector.extract %reduce_sum3A_2145[15] : f32 from vector<16xf32>
        %broadcast_in_dim3A_2147 = vector.broadcast %reduce_sum3A_2146 : f32 to vector<16xf32>
        %select_n3A_2148 = arith.select %eq3A_2130, %broadcast_in_dim3A_2147, %select_n3A_2007 : vector<16xi1>, vector<16xf32>
        %reduce_sum3A_2149 = arith.constant true
        %reduce_sum3A_2150 = vector.broadcast %reduce_sum3A_2149 : i1 to vector<16xi1>
        %reduce_sum3A_2151 = tpu.scan <sum>, %add3A_2125 masked %reduce_sum3A_2150 : vector<16xf32>, vector<16xi1> -> vector<16xf32>
        %reduce_sum3A_2152 = vector.extract %reduce_sum3A_2151[15] : f32 from vector<16xf32>
        %broadcast_in_dim3A_2153 = vector.broadcast %reduce_sum3A_2152 : f32 to vector<16xf32>
        %select_n3A_2154 = arith.select %eq3A_2130, %broadcast_in_dim3A_2153, %select_n3A_2013 : vector<16xi1>, vector<16xf32>
        %reduce_sum3A_2155 = arith.constant true
        %reduce_sum3A_2156 = vector.broadcast %reduce_sum3A_2155 : i1 to vector<16xi1>
        %reduce_sum3A_2157 = tpu.scan <sum>, %add3A_2127 masked %reduce_sum3A_2156 : vector<16xf32>, vector<16xi1> -> vector<16xf32>
        %reduce_sum3A_2158 = vector.extract %reduce_sum3A_2157[15] : f32 from vector<16xf32>
        %broadcast_in_dim3A_2159 = vector.broadcast %reduce_sum3A_2158 : f32 to vector<16xf32>
        %select_n3A_2160 = arith.select %eq3A_2130, %broadcast_in_dim3A_2159, %select_n3A_2019 : vector<16xi1>, vector<16xf32>
        %add3A_2161 = arith.constant 15 : i32
        %add3A_2162 = arith.addi %mul3A_41, %add3A_2161 : i32
        %broadcast_in_dim3A_2163 = arith.constant 0.000000e+00 : f32
        %broadcast_in_dim3A_2164 = vector.broadcast %broadcast_in_dim3A_2163 : f32 to vector<16xf32>
        %broadcast_in_dim3A_2165 = arith.constant 0.000000e+00 : f32
        %broadcast_in_dim3A_2166 = vector.broadcast %broadcast_in_dim3A_2165 : f32 to vector<16xf32>
        %broadcast_in_dim3A_2167 = arith.constant 0.000000e+00 : f32
        %broadcast_in_dim3A_2168 = vector.broadcast %broadcast_in_dim3A_2167 : f32 to vector<16xf32>
        %broadcast_in_dim3A_2169 = arith.constant 0.000000e+00 : f32
        %broadcast_in_dim3A_2170 = vector.broadcast %broadcast_in_dim3A_2169 : f32 to vector<16xf32>
        %broadcast_in_dim3A_2171 = arith.constant 0.000000e+00 : f32
        %broadcast_in_dim3A_2172 = vector.broadcast %broadcast_in_dim3A_2171 : f32 to vector<16xf32>
        %get3A_2173 = arith.index_cast %add3A_2162 : i32 to index
        %get3A_2174 = arith.constant 0 : index
        %get3A_2175 = tpu.vector_load %arg14[%get3A_2173, %get3A_2174] {strides = array<i32>} : memref<128x64xf32, #tpu.memory_space<vmem>>, vector<16xf32>,
        %get3A_2176 = arith.index_cast %add3A_2162 : i32 to index
        %get3A_2177 = arith.constant 0 : index
        %get3A_2178 = tpu.vector_load %arg15[%get3A_2176, %get3A_2177] {strides = array<i32>} : memref<128x64xf32, #tpu.memory_space<vmem>>, vector<16xf32>,
        %get3A_2179 = arith.index_cast %add3A_2162 : i32 to index
        %get3A_2180 = arith.constant 0 : index
        %get3A_2181 = tpu.vector_load %arg16[%get3A_2179, %get3A_2180] {strides = array<i32>} : memref<128x64xf32, #tpu.memory_space<vmem>>, vector<16xf32>,
        %get3A_2182 = arith.index_cast %add3A_2162 : i32 to index
        %get3A_2183 = arith.constant 0 : index
        %get3A_2184 = tpu.vector_load %arg17[%get3A_2182, %get3A_2183] {strides = array<i32>} : memref<128x64xf32, #tpu.memory_space<vmem>>, vector<16xf32>,
        %sub3A_2185 = arith.subf %get3A_2175, %get3A_2181 : vector<16xf32>
        %sub3A_2186 = arith.subf %get3A_2175, %get3A_2184 : vector<16xf32>
        %mul3A_2187 = arith.mulf %sub3A_2185, %sub3A_2185 : vector<16xf32>
        %add3A_2188 = arith.addf %broadcast_in_dim3A_2164, %mul3A_2187 : vector<16xf32>
        %mul3A_2189 = arith.mulf %sub3A_2186, %sub3A_2186 : vector<16xf32>
        %add3A_2190 = arith.addf %broadcast_in_dim3A_2166, %mul3A_2189 : vector<16xf32>
        %mul3A_2191 = arith.mulf %get3A_2178, %sub3A_2185 : vector<16xf32>
        %add3A_2192 = arith.addf %broadcast_in_dim3A_2168, %mul3A_2191 : vector<16xf32>
        %mul3A_2193 = arith.mulf %get3A_2178, %sub3A_2186 : vector<16xf32>
        %add3A_2194 = arith.addf %broadcast_in_dim3A_2170, %mul3A_2193 : vector<16xf32>
        %mul3A_2195 = arith.mulf %get3A_2178, %get3A_2178 : vector<16xf32>
        %add3A_2196 = arith.addf %broadcast_in_dim3A_2172, %mul3A_2195 : vector<16xf32>
        %get3A_2197 = arith.index_cast %add3A_2162 : i32 to index
        %get3A_2198 = arith.constant 16 : index
        %get3A_2199 = tpu.vector_load %arg14[%get3A_2197, %get3A_2198] {strides = array<i32>} : memref<128x64xf32, #tpu.memory_space<vmem>>, vector<16xf32>,
        %get3A_2200 = arith.index_cast %add3A_2162 : i32 to index
        %get3A_2201 = arith.constant 16 : index
        %get3A_2202 = tpu.vector_load %arg15[%get3A_2200, %get3A_2201] {strides = array<i32>} : memref<128x64xf32, #tpu.memory_space<vmem>>, vector<16xf32>,
        %get3A_2203 = arith.index_cast %add3A_2162 : i32 to index
        %get3A_2204 = arith.constant 16 : index
        %get3A_2205 = tpu.vector_load %arg16[%get3A_2203, %get3A_2204] {strides = array<i32>} : memref<128x64xf32, #tpu.memory_space<vmem>>, vector<16xf32>,
        %get3A_2206 = arith.index_cast %add3A_2162 : i32 to index
        %get3A_2207 = arith.constant 16 : index
        %get3A_2208 = tpu.vector_load %arg17[%get3A_2206, %get3A_2207] {strides = array<i32>} : memref<128x64xf32, #tpu.memory_space<vmem>>, vector<16xf32>,
        %sub3A_2209 = arith.subf %get3A_2199, %get3A_2205 : vector<16xf32>
        %sub3A_2210 = arith.subf %get3A_2199, %get3A_2208 : vector<16xf32>
        %mul3A_2211 = arith.mulf %sub3A_2209, %sub3A_2209 : vector<16xf32>
        %add3A_2212 = arith.addf %add3A_2188, %mul3A_2211 : vector<16xf32>
        %mul3A_2213 = arith.mulf %sub3A_2210, %sub3A_2210 : vector<16xf32>
        %add3A_2214 = arith.addf %add3A_2190, %mul3A_2213 : vector<16xf32>
        %mul3A_2215 = arith.mulf %get3A_2202, %sub3A_2209 : vector<16xf32>
        %add3A_2216 = arith.addf %add3A_2192, %mul3A_2215 : vector<16xf32>
        %mul3A_2217 = arith.mulf %get3A_2202, %sub3A_2210 : vector<16xf32>
        %add3A_2218 = arith.addf %add3A_2194, %mul3A_2217 : vector<16xf32>
        %mul3A_2219 = arith.mulf %get3A_2202, %get3A_2202 : vector<16xf32>
        %add3A_2220 = arith.addf %add3A_2196, %mul3A_2219 : vector<16xf32>
        %get3A_2221 = arith.index_cast %add3A_2162 : i32 to index
        %get3A_2222 = arith.constant 32 : index
        %get3A_2223 = tpu.vector_load %arg14[%get3A_2221, %get3A_2222] {strides = array<i32>} : memref<128x64xf32, #tpu.memory_space<vmem>>, vector<16xf32>,
        %get3A_2224 = arith.index_cast %add3A_2162 : i32 to index
        %get3A_2225 = arith.constant 32 : index
        %get3A_2226 = tpu.vector_load %arg15[%get3A_2224, %get3A_2225] {strides = array<i32>} : memref<128x64xf32, #tpu.memory_space<vmem>>, vector<16xf32>,
        %get3A_2227 = arith.index_cast %add3A_2162 : i32 to index
        %get3A_2228 = arith.constant 32 : index
        %get3A_2229 = tpu.vector_load %arg16[%get3A_2227, %get3A_2228] {strides = array<i32>} : memref<128x64xf32, #tpu.memory_space<vmem>>, vector<16xf32>,
        %get3A_2230 = arith.index_cast %add3A_2162 : i32 to index
        %get3A_2231 = arith.constant 32 : index
        %get3A_2232 = tpu.vector_load %arg17[%get3A_2230, %get3A_2231] {strides = array<i32>} : memref<128x64xf32, #tpu.memory_space<vmem>>, vector<16xf32>,
        %sub3A_2233 = arith.subf %get3A_2223, %get3A_2229 : vector<16xf32>
        %sub3A_2234 = arith.subf %get3A_2223, %get3A_2232 : vector<16xf32>
        %mul3A_2235 = arith.mulf %sub3A_2233, %sub3A_2233 : vector<16xf32>
        %add3A_2236 = arith.addf %add3A_2212, %mul3A_2235 : vector<16xf32>
        %mul3A_2237 = arith.mulf %sub3A_2234, %sub3A_2234 : vector<16xf32>
        %add3A_2238 = arith.addf %add3A_2214, %mul3A_2237 : vector<16xf32>
        %mul3A_2239 = arith.mulf %get3A_2226, %sub3A_2233 : vector<16xf32>
        %add3A_2240 = arith.addf %add3A_2216, %mul3A_2239 : vector<16xf32>
        %mul3A_2241 = arith.mulf %get3A_2226, %sub3A_2234 : vector<16xf32>
        %add3A_2242 = arith.addf %add3A_2218, %mul3A_2241 : vector<16xf32>
        %mul3A_2243 = arith.mulf %get3A_2226, %get3A_2226 : vector<16xf32>
        %add3A_2244 = arith.addf %add3A_2220, %mul3A_2243 : vector<16xf32>
        %get3A_2245 = arith.index_cast %add3A_2162 : i32 to index
        %get3A_2246 = arith.constant 48 : index
        %get3A_2247 = tpu.vector_load %arg14[%get3A_2245, %get3A_2246] {strides = array<i32>} : memref<128x64xf32, #tpu.memory_space<vmem>>, vector<16xf32>,
        %get3A_2248 = arith.index_cast %add3A_2162 : i32 to index
        %get3A_2249 = arith.constant 48 : index
        %get3A_2250 = tpu.vector_load %arg15[%get3A_2248, %get3A_2249] {strides = array<i32>} : memref<128x64xf32, #tpu.memory_space<vmem>>, vector<16xf32>,
        %get3A_2251 = arith.index_cast %add3A_2162 : i32 to index
        %get3A_2252 = arith.constant 48 : index
        %get3A_2253 = tpu.vector_load %arg16[%get3A_2251, %get3A_2252] {strides = array<i32>} : memref<128x64xf32, #tpu.memory_space<vmem>>, vector<16xf32>,
        %get3A_2254 = arith.index_cast %add3A_2162 : i32 to index
        %get3A_2255 = arith.constant 48 : index
        %get3A_2256 = tpu.vector_load %arg17[%get3A_2254, %get3A_2255] {strides = array<i32>} : memref<128x64xf32, #tpu.memory_space<vmem>>, vector<16xf32>,
        %sub3A_2257 = arith.subf %get3A_2247, %get3A_2253 : vector<16xf32>
        %sub3A_2258 = arith.subf %get3A_2247, %get3A_2256 : vector<16xf32>
        %mul3A_2259 = arith.mulf %sub3A_2257, %sub3A_2257 : vector<16xf32>
        %add3A_2260 = arith.addf %add3A_2236, %mul3A_2259 : vector<16xf32>
        %mul3A_2261 = arith.mulf %sub3A_2258, %sub3A_2258 : vector<16xf32>
        %add3A_2262 = arith.addf %add3A_2238, %mul3A_2261 : vector<16xf32>
        %mul3A_2263 = arith.mulf %get3A_2250, %sub3A_2257 : vector<16xf32>
        %add3A_2264 = arith.addf %add3A_2240, %mul3A_2263 : vector<16xf32>
        %mul3A_2265 = arith.mulf %get3A_2250, %sub3A_2258 : vector<16xf32>
        %add3A_2266 = arith.addf %add3A_2242, %mul3A_2265 : vector<16xf32>
        %mul3A_2267 = arith.mulf %get3A_2250, %get3A_2250 : vector<16xf32>
        %add3A_2268 = arith.addf %add3A_2244, %mul3A_2267 : vector<16xf32>
        %eq3A_2269 = arith.constant 15 : i32
        %eq3A_2270 = vector.broadcast %eq3A_2269 : i32 to vector<16xi32>
        %eq3A_2271 = arith.cmpi eq, %iota3A, %eq3A_2270 : vector<16xi32>
        %reduce_sum3A_2272 = arith.constant true
        %reduce_sum3A_2273 = vector.broadcast %reduce_sum3A_2272 : i1 to vector<16xi1>
        %reduce_sum3A_2274 = tpu.scan <sum>, %add3A_2260 masked %reduce_sum3A_2273 : vector<16xf32>, vector<16xi1> -> vector<16xf32>
        %reduce_sum3A_2275 = vector.extract %reduce_sum3A_2274[15] : f32 from vector<16xf32>
        %broadcast_in_dim3A_2276 = vector.broadcast %reduce_sum3A_2275 : f32 to vector<16xf32>
        %select_n3A_2277 = arith.select %eq3A_2271, %broadcast_in_dim3A_2276, %select_n3A_2136 : vector<16xi1>, vector<16xf32>
        %reduce_sum3A_2278 = arith.constant true
        %reduce_sum3A_2279 = vector.broadcast %reduce_sum3A_2278 : i1 to vector<16xi1>
        %reduce_sum3A_2280 = tpu.scan <sum>, %add3A_2262 masked %reduce_sum3A_2279 : vector<16xf32>, vector<16xi1> -> vector<16xf32>
        %reduce_sum3A_2281 = vector.extract %reduce_sum3A_2280[15] : f32 from vector<16xf32>
        %broadcast_in_dim3A_2282 = vector.broadcast %reduce_sum3A_2281 : f32 to vector<16xf32>
        %select_n3A_2283 = arith.select %eq3A_2271, %broadcast_in_dim3A_2282, %select_n3A_2142 : vector<16xi1>, vector<16xf32>
        %reduce_sum3A_2284 = arith.constant true
        %reduce_sum3A_2285 = vector.broadcast %reduce_sum3A_2284 : i1 to vector<16xi1>
        %reduce_sum3A_2286 = tpu.scan <sum>, %add3A_2264 masked %reduce_sum3A_2285 : vector<16xf32>, vector<16xi1> -> vector<16xf32>
        %reduce_sum3A_2287 = vector.extract %reduce_sum3A_2286[15] : f32 from vector<16xf32>
        %broadcast_in_dim3A_2288 = vector.broadcast %reduce_sum3A_2287 : f32 to vector<16xf32>
        %select_n3A_2289 = arith.select %eq3A_2271, %broadcast_in_dim3A_2288, %select_n3A_2148 : vector<16xi1>, vector<16xf32>
        %reduce_sum3A_2290 = arith.constant true
        %reduce_sum3A_2291 = vector.broadcast %reduce_sum3A_2290 : i1 to vector<16xi1>
        %reduce_sum3A_2292 = tpu.scan <sum>, %add3A_2266 masked %reduce_sum3A_2291 : vector<16xf32>, vector<16xi1> -> vector<16xf32>
        %reduce_sum3A_2293 = vector.extract %reduce_sum3A_2292[15] : f32 from vector<16xf32>
        %broadcast_in_dim3A_2294 = vector.broadcast %reduce_sum3A_2293 : f32 to vector<16xf32>
        %select_n3A_2295 = arith.select %eq3A_2271, %broadcast_in_dim3A_2294, %select_n3A_2154 : vector<16xi1>, vector<16xf32>
        %reduce_sum3A_2296 = arith.constant true
        %reduce_sum3A_2297 = vector.broadcast %reduce_sum3A_2296 : i1 to vector<16xi1>
        %reduce_sum3A_2298 = tpu.scan <sum>, %add3A_2268 masked %reduce_sum3A_2297 : vector<16xf32>, vector<16xi1> -> vector<16xf32>
        %reduce_sum3A_2299 = vector.extract %reduce_sum3A_2298[15] : f32 from vector<16xf32>
        %broadcast_in_dim3A_2300 = vector.broadcast %reduce_sum3A_2299 : f32 to vector<16xf32>
        %select_n3A_2301 = arith.select %eq3A_2271, %broadcast_in_dim3A_2300, %select_n3A_2160 : vector<16xi1>, vector<16xf32>
        %bitcast_convert_type3A = tpu.bitcast %select_n3A_2301 : vector<16xf32> -> vector<16xi32>
        %shift_right_arithmetic3A = arith.constant 1 : i32
        %shift_right_arithmetic3A_2302 = vector.broadcast %shift_right_arithmetic3A : i32 to vector<16xi32>
        %shift_right_arithmetic3A_2303 = arith.shrsi %bitcast_convert_type3A, %shift_right_arithmetic3A_2302 : vector<16xi32>
        %sub3A_2304 = arith.constant 1597463007 : i32
        %sub3A_2305 = vector.broadcast %sub3A_2304 : i32 to vector<16xi32>
        %sub3A_2306 = arith.subi %sub3A_2305, %shift_right_arithmetic3A_2303 : vector<16xi32>
        %bitcast_convert_type3A_2307 = tpu.bitcast %sub3A_2306 : vector<16xi32> -> vector<16xf32>
        %mul3A_2308 = arith.constant 5.000000e-01 : f32
        %mul3A_2309 = vector.broadcast %mul3A_2308 : f32 to vector<16xf32>
        %mul3A_2310 = arith.mulf %mul3A_2309, %select_n3A_2301 : vector<16xf32>
        %mul3A_2311 = arith.mulf %mul3A_2310, %bitcast_convert_type3A_2307 : vector<16xf32>
        %mul3A_2312 = arith.mulf %mul3A_2311, %bitcast_convert_type3A_2307 : vector<16xf32>
        %sub3A_2313 = arith.constant 1.500000e+00 : f32
        %sub3A_2314 = vector.broadcast %sub3A_2313 : f32 to vector<16xf32>
        %sub3A_2315 = arith.subf %sub3A_2314, %mul3A_2312 : vector<16xf32>
        %mul3A_2316 = arith.mulf %bitcast_convert_type3A_2307, %sub3A_2315 : vector<16xf32>
        %mul3A_2317 = arith.constant 5.000000e-01 : f32
        %mul3A_2318 = vector.broadcast %mul3A_2317 : f32 to vector<16xf32>
        %mul3A_2319 = arith.mulf %mul3A_2318, %select_n3A_2301 : vector<16xf32>
        %mul3A_2320 = arith.mulf %mul3A_2319, %mul3A_2316 : vector<16xf32>
        %mul3A_2321 = arith.mulf %mul3A_2320, %mul3A_2316 : vector<16xf32>
        %sub3A_2322 = arith.constant 1.500000e+00 : f32
        %sub3A_2323 = vector.broadcast %sub3A_2322 : f32 to vector<16xf32>
        %sub3A_2324 = arith.subf %sub3A_2323, %mul3A_2321 : vector<16xf32>
        %mul3A_2325 = arith.mulf %mul3A_2316, %sub3A_2324 : vector<16xf32>
        %mul3A_2326 = arith.constant 5.000000e-01 : f32
        %mul3A_2327 = vector.broadcast %mul3A_2326 : f32 to vector<16xf32>
        %mul3A_2328 = arith.mulf %mul3A_2327, %select_n3A_2301 : vector<16xf32>
        %mul3A_2329 = arith.mulf %mul3A_2328, %mul3A_2325 : vector<16xf32>
        %mul3A_2330 = arith.mulf %mul3A_2329, %mul3A_2325 : vector<16xf32>
        %sub3A_2331 = arith.constant 1.500000e+00 : f32
        %sub3A_2332 = vector.broadcast %sub3A_2331 : f32 to vector<16xf32>
        %sub3A_2333 = arith.subf %sub3A_2332, %mul3A_2330 : vector<16xf32>
        %mul3A_2334 = arith.mulf %mul3A_2325, %sub3A_2333 : vector<16xf32>
        %min3A = arith.constant 1.000000e+00 : f32
        %min3A_2335 = vector.broadcast %min3A : f32 to vector<16xf32>
        %min3A_2336 = arith.minimumf %mul3A_2334, %min3A_2335 : vector<16xf32>
        %mul3A_2337 = arith.mulf %min3A_2336, %select_n3A_2301 : vector<16xf32>
        %mul3A_2338 = arith.constant 2.000000e+00 : f32
        %mul3A_2339 = vector.broadcast %mul3A_2338 : f32 to vector<16xf32>
        %mul3A_2340 = arith.mulf %mul3A_2339, %select_n3A_2289 : vector<16xf32>
        %add3A_2341 = arith.addf %mul3A_2340, %mul3A_2337 : vector<16xf32>
        %mul3A_2342 = arith.mulf %min3A_2336, %add3A_2341 : vector<16xf32>
        %add3A_2343 = arith.addf %select_n3A_2277, %mul3A_2342 : vector<16xf32>
        %max3A = arith.constant 0.000000e+00 : f32
        %max3A_2344 = vector.broadcast %max3A : f32 to vector<16xf32>
        %max3A_2345 = arith.maximumf %add3A_2343, %max3A_2344 : vector<16xf32>
        %mul3A_2346 = arith.constant 2.000000e+00 : f32
        %mul3A_2347 = vector.broadcast %mul3A_2346 : f32 to vector<16xf32>
        %mul3A_2348 = arith.mulf %mul3A_2347, %select_n3A_2295 : vector<16xf32>
        %add3A_2349 = arith.addf %mul3A_2348, %mul3A_2337 : vector<16xf32>
        %mul3A_2350 = arith.mulf %min3A_2336, %add3A_2349 : vector<16xf32>
        %add3A_2351 = arith.addf %select_n3A_2283, %mul3A_2350 : vector<16xf32>
        %max3A_2352 = arith.constant 0.000000e+00 : f32
        %max3A_2353 = vector.broadcast %max3A_2352 : f32 to vector<16xf32>
        %max3A_2354 = arith.maximumf %add3A_2351, %max3A_2353 : vector<16xf32>
        %mul3A_2355 = arith.constant 128 : i32
        %mul3A_2356 = arith.muli %scan3A_8, %mul3A_2355 : i32
        %add3A_2357 = arith.addi %mul3A_2356, %mul3A_41 : i32
        %bitcast_convert_type3A_2358 = tpu.bitcast %max3A_2345 : vector<16xf32> -> vector<16xi32>
        %shift_right_arithmetic3A_2359 = arith.constant 1 : i32
        %shift_right_arithmetic3A_2360 = vector.broadcast %shift_right_arithmetic3A_2359 : i32 to vector<16xi32>
        %shift_right_arithmetic3A_2361 = arith.shrsi %bitcast_convert_type3A_2358, %shift_right_arithmetic3A_2360 : vector<16xi32>
        %sub3A_2362 = arith.constant 1597463007 : i32
        %sub3A_2363 = vector.broadcast %sub3A_2362 : i32 to vector<16xi32>
        %sub3A_2364 = arith.subi %sub3A_2363, %shift_right_arithmetic3A_2361 : vector<16xi32>
        %bitcast_convert_type3A_2365 = tpu.bitcast %sub3A_2364 : vector<16xi32> -> vector<16xf32>
        %mul3A_2366 = arith.constant 5.000000e-01 : f32
        %mul3A_2367 = vector.broadcast %mul3A_2366 : f32 to vector<16xf32>
        %mul3A_2368 = arith.mulf %mul3A_2367, %max3A_2345 : vector<16xf32>
        %mul3A_2369 = arith.mulf %mul3A_2368, %bitcast_convert_type3A_2365 : vector<16xf32>
        %mul3A_2370 = arith.mulf %mul3A_2369, %bitcast_convert_type3A_2365 : vector<16xf32>
        %sub3A_2371 = arith.constant 1.500000e+00 : f32
        %sub3A_2372 = vector.broadcast %sub3A_2371 : f32 to vector<16xf32>
        %sub3A_2373 = arith.subf %sub3A_2372, %mul3A_2370 : vector<16xf32>
        %mul3A_2374 = arith.mulf %bitcast_convert_type3A_2365, %sub3A_2373 : vector<16xf32>
        %mul3A_2375 = arith.constant 5.000000e-01 : f32
        %mul3A_2376 = vector.broadcast %mul3A_2375 : f32 to vector<16xf32>
        %mul3A_2377 = arith.mulf %mul3A_2376, %max3A_2345 : vector<16xf32>
        %mul3A_2378 = arith.mulf %mul3A_2377, %mul3A_2374 : vector<16xf32>
        %mul3A_2379 = arith.mulf %mul3A_2378, %mul3A_2374 : vector<16xf32>
        %sub3A_2380 = arith.constant 1.500000e+00 : f32
        %sub3A_2381 = vector.broadcast %sub3A_2380 : f32 to vector<16xf32>
        %sub3A_2382 = arith.subf %sub3A_2381, %mul3A_2379 : vector<16xf32>
        %mul3A_2383 = arith.mulf %mul3A_2374, %sub3A_2382 : vector<16xf32>
        %mul3A_2384 = arith.constant 5.000000e-01 : f32
        %mul3A_2385 = vector.broadcast %mul3A_2384 : f32 to vector<16xf32>
        %mul3A_2386 = arith.mulf %mul3A_2385, %max3A_2345 : vector<16xf32>
        %mul3A_2387 = arith.mulf %mul3A_2386, %mul3A_2383 : vector<16xf32>
        %mul3A_2388 = arith.mulf %mul3A_2387, %mul3A_2383 : vector<16xf32>
        %sub3A_2389 = arith.constant 1.500000e+00 : f32
        %sub3A_2390 = vector.broadcast %sub3A_2389 : f32 to vector<16xf32>
        %sub3A_2391 = arith.subf %sub3A_2390, %mul3A_2388 : vector<16xf32>
        %mul3A_2392 = arith.mulf %mul3A_2383, %sub3A_2391 : vector<16xf32>
        %mul3A_2393 = arith.mulf %max3A_2345, %mul3A_2392 : vector<16xf32>
        %swap3A = arith.index_cast %add3A_2357 : i32 to index
        %swap3A_2394 = tpu.vector_load %arg18[%swap3A] {strides = array<i32>} : memref<512xf32, #tpu.memory_space<vmem>>, vector<16xf32>,
        tpu.vector_store %arg18[%swap3A], %mul3A_2393 {strides = array<i32>} : memref<512xf32, #tpu.memory_space<vmem>>, vector<16xf32>,
        %bitcast_convert_type3A_2395 = tpu.bitcast %max3A_2354 : vector<16xf32> -> vector<16xi32>
        %shift_right_arithmetic3A_2396 = arith.constant 1 : i32
        %shift_right_arithmetic3A_2397 = vector.broadcast %shift_right_arithmetic3A_2396 : i32 to vector<16xi32>
        %shift_right_arithmetic3A_2398 = arith.shrsi %bitcast_convert_type3A_2395, %shift_right_arithmetic3A_2397 : vector<16xi32>
        %sub3A_2399 = arith.constant 1597463007 : i32
        %sub3A_2400 = vector.broadcast %sub3A_2399 : i32 to vector<16xi32>
        %sub3A_2401 = arith.subi %sub3A_2400, %shift_right_arithmetic3A_2398 : vector<16xi32>
        %bitcast_convert_type3A_2402 = tpu.bitcast %sub3A_2401 : vector<16xi32> -> vector<16xf32>
        %mul3A_2403 = arith.constant 5.000000e-01 : f32
        %mul3A_2404 = vector.broadcast %mul3A_2403 : f32 to vector<16xf32>
        %mul3A_2405 = arith.mulf %mul3A_2404, %max3A_2354 : vector<16xf32>
        %mul3A_2406 = arith.mulf %mul3A_2405, %bitcast_convert_type3A_2402 : vector<16xf32>
        %mul3A_2407 = arith.mulf %mul3A_2406, %bitcast_convert_type3A_2402 : vector<16xf32>
        %sub3A_2408 = arith.constant 1.500000e+00 : f32
        %sub3A_2409 = vector.broadcast %sub3A_2408 : f32 to vector<16xf32>
        %sub3A_2410 = arith.subf %sub3A_2409, %mul3A_2407 : vector<16xf32>
        %mul3A_2411 = arith.mulf %bitcast_convert_type3A_2402, %sub3A_2410 : vector<16xf32>
        %mul3A_2412 = arith.constant 5.000000e-01 : f32
        %mul3A_2413 = vector.broadcast %mul3A_2412 : f32 to vector<16xf32>
        %mul3A_2414 = arith.mulf %mul3A_2413, %max3A_2354 : vector<16xf32>
        %mul3A_2415 = arith.mulf %mul3A_2414, %mul3A_2411 : vector<16xf32>
        %mul3A_2416 = arith.mulf %mul3A_2415, %mul3A_2411 : vector<16xf32>
        %sub3A_2417 = arith.constant 1.500000e+00 : f32
        %sub3A_2418 = vector.broadcast %sub3A_2417 : f32 to vector<16xf32>
        %sub3A_2419 = arith.subf %sub3A_2418, %mul3A_2416 : vector<16xf32>
        %mul3A_2420 = arith.mulf %mul3A_2411, %sub3A_2419 : vector<16xf32>
        %mul3A_2421 = arith.constant 5.000000e-01 : f32
        %mul3A_2422 = vector.broadcast %mul3A_2421 : f32 to vector<16xf32>
        %mul3A_2423 = arith.mulf %mul3A_2422, %max3A_2354 : vector<16xf32>
        %mul3A_2424 = arith.mulf %mul3A_2423, %mul3A_2420 : vector<16xf32>
        %mul3A_2425 = arith.mulf %mul3A_2424, %mul3A_2420 : vector<16xf32>
        %sub3A_2426 = arith.constant 1.500000e+00 : f32
        %sub3A_2427 = vector.broadcast %sub3A_2426 : f32 to vector<16xf32>
        %sub3A_2428 = arith.subf %sub3A_2427, %mul3A_2425 : vector<16xf32>
        %mul3A_2429 = arith.mulf %mul3A_2420, %sub3A_2428 : vector<16xf32>
        %mul3A_2430 = arith.mulf %max3A_2354, %mul3A_2429 : vector<16xf32>
        %swap3A_2431 = arith.index_cast %add3A_2357 : i32 to index
        %swap3A_2432 = tpu.vector_load %arg19[%swap3A_2431] {strides = array<i32>} : memref<512xf32, #tpu.memory_space<vmem>>, vector<16xf32>,
        tpu.vector_store %arg19[%swap3A_2431], %mul3A_2430 {strides = array<i32>} : memref<512xf32, #tpu.memory_space<vmem>>, vector<16xf32>,
      }
      %scan3A_38 = arith.constant 8 : i32
    }
    %scan3A_7 = arith.constant 4 : i32
    "tpu.region"() ({
      %run_scoped3A = tpu.sem_alloc : memref<!tpu.dma_semaphore, #tpu.memory_space<semaphore_mem>>
      %dma_start3A = tpu.memref_slice %arg8[%mul3A_2] : memref<16384xf32, #tpu.memory_space<hbm>> -> memref<512xf32, #tpu.memory_space<hbm>>
      %dma_start3A_8 = tpu.memref_slice %arg8[%mul3A_2] : memref<16384xf32, #tpu.memory_space<hbm>> -> memref<512xf32, #tpu.memory_space<hbm>>
      tpu.enqueue_dma source(%arg18 : memref<512xf32, #tpu.memory_space<vmem>>) target(%dma_start3A_8 : memref<512xf32, #tpu.memory_space<hbm>>) target_semaphore(%run_scoped3A : memref<!tpu.dma_semaphore, #tpu.memory_space<semaphore_mem>>)
      %dma_wait3A = tpu.memref_slice %arg8[%mul3A_2] : memref<16384xf32, #tpu.memory_space<hbm>> -> memref<512xf32, #tpu.memory_space<hbm>>
      %dma_wait3A_9 = tpu.memref_slice %arg8[%mul3A_2] : memref<16384xf32, #tpu.memory_space<hbm>> -> memref<512xf32, #tpu.memory_space<hbm>>
      tpu.wait_dma2 semaphore(%run_scoped3A : memref<!tpu.dma_semaphore, #tpu.memory_space<semaphore_mem>>) src(%arg18 : memref<512xf32, #tpu.memory_space<vmem>>) dst(%dma_wait3A_9 : memref<512xf32, #tpu.memory_space<hbm>>)
      tpu.yield
    }) : () -> ()
    "tpu.region"() ({
      %run_scoped3A = tpu.sem_alloc : memref<!tpu.dma_semaphore, #tpu.memory_space<semaphore_mem>>
      %dma_start3A = tpu.memref_slice %arg9[%mul3A_2] : memref<16384xf32, #tpu.memory_space<hbm>> -> memref<512xf32, #tpu.memory_space<hbm>>
      %dma_start3A_8 = tpu.memref_slice %arg9[%mul3A_2] : memref<16384xf32, #tpu.memory_space<hbm>> -> memref<512xf32, #tpu.memory_space<hbm>>
      tpu.enqueue_dma source(%arg19 : memref<512xf32, #tpu.memory_space<vmem>>) target(%dma_start3A_8 : memref<512xf32, #tpu.memory_space<hbm>>) target_semaphore(%run_scoped3A : memref<!tpu.dma_semaphore, #tpu.memory_space<semaphore_mem>>)
      %dma_wait3A = tpu.memref_slice %arg9[%mul3A_2] : memref<16384xf32, #tpu.memory_space<hbm>> -> memref<512xf32, #tpu.memory_space<hbm>>
      %dma_wait3A_9 = tpu.memref_slice %arg9[%mul3A_2] : memref<16384xf32, #tpu.memory_space<hbm>> -> memref<512xf32, #tpu.memory_space<hbm>>
      tpu.wait_dma2 semaphore(%run_scoped3A : memref<!tpu.dma_semaphore, #tpu.memory_space<semaphore_mem>>) src(%arg19 : memref<512xf32, #tpu.memory_space<vmem>>) dst(%dma_wait3A_9 : memref<512xf32, #tpu.memory_space<hbm>>)
      tpu.yield
    }) : () -> ()
    return
  }
}

</mosaic_0001>

<sc_bundles>
// kernel: kernel.3.cloned.1.call-start
scs
__scs_entry_jumppad:
0x0: {  	(pc) =	sbr.rel $0x88, $3  }
0x1: {  	(tag) =	ssettag $0x0;
	lr =	simm.s32 $0x1  }
0x2: {  	[smem:$0x3F9B] =	sst lr;
	_ =	strace $0xD0000000  }
0x3: {  	_ = 	snop  }
0x4: {  	_ = 	snop  }
0x5: {  	_ = 	snop  }
0x6: {  	_ = 	snop  }
0x7: {  	_ = 	snop  }
__scs_overlays_trampoline_lowered:
0x8: {  	[smem:$0x3FAA] =	sst s0  }
0x9: {  	[smem:$0x3FAB] =	sst s1  }
0xa: {  	[smem:$0x3FAC] =	sst s2  }
0xb: {  	[smem:$0x3FAD] =	sst s3  }
0xc: {  	[smem:$0x3FAE] =	sst s4  }
0xd: {  	[smem:$0x3FAF] =	sst s5  }
0xe: {  	[smem:$0x3FB0] =	sst s6  }
0xf: {  	[smem:$0x3FB1] =	sst s7  }
0x10: {  	[smem:$0x3FB2] =	sst s8  }
0x11: {  	[smem:$0x3FB3] =	sst s9;
	s0 =	simm.s32 @!p0 $0x0  }
0x12: {  	s1 =	sld [smem:$0x3F99];
	s0 =	simm.s32 @p0 $0x1  }
0x13: {  	[smem:$0x3FB4] =	sst s0;
	s0 =	simm.s32 @!p1 $0x0  }
0x14: {  	s2 =	sld [smem:$0x3F98];
	s0 =	simm.s32 @p1 $0x1  }
0x15: {  	[smem:$0x3FB5] =	sst s0;
	s0 =	simm.s32 @!p2 $0x0  }
0x16: {  	s3 =	sld [smem:$0x3FDB];
	s0 =	simm.s32 @p2 $0x1  }
0x17: {  	s4 =	simm.s32 $0x1BF5;
	[smem:$0x3FB7] =	sst s0  }
0x18: {  	s0 =	sld [smem:$0x3F9A];
	_ =	swait.ge [sflag:s4], $0x0  }
0x19: {  	s7 =	sld [smem:$0x3F9B]  }
0x1a: {  	s8 =	sadd.s32 $0xFFFFE003, lr  }
0x1b: {  	s9 =	sadd.s32 $0xFFFFFEF7, lr;
	s5 =	simm.s32 $0xFFFFFFFF;
	p2 =	slt.u32 s8, $0xFFFFF086  }
0x1c: {  	p1 =	slt.u32 s9, $0xF7A;
	s5 =	simm.s32 @!p2 $0x0  }
0x1d: {  	s5 =	simm.s32 @p1 $0x1;
	p0 =	seq.s32 s7, s2  }
0x1e: {  	s7 =	smul.u32 @!p0 $0xF7A, s2;
	p2 =	seq.s32 @!p0 s5, $0x0  }
0x1f: {  	s9 =	smul.u32 $0xF7A, s1;
	s8 =	simm.s32 @!p0 $0x1BF5;
	p2 =	por !p2, p0  }
0x20: {  	[sflag:s8] =	ssyncset.s32 @!p0 $0xFFFFF086;
	s6 =	sadd.s32 @!p0 s3, s7;
	s7 =	simm.s32 @!p0 $0x108  }
0x21: {  	s3 =	sadd.s32 s3, s9;
	s6 =	sadd.s32 @!p0 $0x88, s6;
	s7 =	simm.s32 @p2 $0x1082  }
0x22: {  	[simem:s7], [sflag:s8] =	dma.local @!p0 [hbm:s6], $0xF7A  }
0x23: {  	s9 =	sor.u32 $0xD0000000, s2;
	s6 =	simm.s32 $0x108;
	_ =	swait.ge @!p0 [sflag:s8], $0x0  }
0x24: {  	s3 =	sadd.s32 $0x88, s3;
	s6 =	simm.s32 @!p1 $0x1082;
	[sflag:s4] =	ssyncset.s32 $0xFFFFF086  }
0x25: {  	[simem:s6], [sflag:s4] =	dma.local [hbm:s3], $0xF7A  }
0x26: {  	[smem:$0x3F9B] =	sst s1;
	(tag) =	ssettag s2;
	_ =	strace s9  }
0x27: {  	s1 =	sld [smem:$0x3FAB]  }
0x28: {  	s2 =	sld [smem:$0x3FAC]  }
0x29: {  	s4 =	sld [smem:$0x3FAE]  }
0x2a: {  	p0 =	seq.s32 s5, $0x0;
	s5 =	sld [smem:$0x3FAF]  }
0x2b: {  	s6 =	sld [smem:$0x3FB0]  }
0x2c: {  	s7 =	sld [smem:$0x3FB1]  }
0x2d: {  	s3 =	simm.s32 $0x108;
	s8 =	sld [smem:$0x3FB2]  }
0x2e: {  	s3 =	simm.s32 @!p0 $0x1082;
	s9 =	sld [smem:$0x3FB3]  }
0x2f: {  	lr =	sadd.s32 s0, s3;
	s0 =	sld [smem:$0x3FAA]  }
0x30: {  	s3 =	sld [smem:$0x3FAD]  }
0x31: {  	[smem:$0x3FB6] =	sst s10  }
0x32: {  	s10 =	sld [smem:$0x3FB4];
	_ =	sdelay $0x3  }
0x33: {  	p0 =	seq.s32 s10, $0x1;
	s10 =	sld [smem:$0x3FB6];
	_ =	sdelay $0x3  }
0x34: {  	[smem:$0x3FB6] =	sst s10  }
0x35: {  	s10 =	sld [smem:$0x3FB5];
	_ =	sdelay $0x3  }
0x36: {  	p1 =	seq.s32 s10, $0x1;
	s10 =	sld [smem:$0x3FB6];
	_ =	sdelay $0x3  }
0x37: {  	[smem:$0x3FB6] =	sst s10  }
0x38: {  	s10 =	sld [smem:$0x3FB7]  }
0x39: {  	_ = 	snop;
	(pc) =	sbr.ind lr, $3  }
0x3a: {  	_ = 	snop  }
0x3b: {  	_ = 	snop  }
0x3c: {  	p2 =	seq.s32 s10, $0x1;
	s10 =	sld [smem:$0x3FB6]  }
0x3d: {  	_ =	shalt  }
0x3e: {  	_ =	shalt  }
0x3f: {  	_ =	shalt  }
0x40: {  	_ =	shalt  }
0x41: {  	_ =	shalt  }
0x42: {  	_ =	shalt  }
0x43: {  	_ =	shalt  }
0x44: {  	_ =	shalt  }
0x45: {  	_ =	shalt  }
0x46: {  	_ =	shalt  }
0x47: {  	_ =	shalt  }
0x48: {  	_ =	shalt  }
0x49: {  	_ =	shalt  }
0x4a: {  	_ =	shalt  }
0x4b: {  	_ =	shalt  }
0x4c: {  	_ =	shalt  }
0x4d: {  	_ =	shalt  }
0x4e: {  	_ =	shalt  }
0x4f: {  	_ =	shalt  }
0x50: {  	_ =	shalt  }
0x51: {  	_ =	shalt  }
0x52: {  	_ =	shalt  }
0x53: {  	_ =	shalt  }
0x54: {  	_ =	shalt  }
0x55: {  	_ =	shalt  }
0x56: {  	_ =	shalt  }
0x57: {  	_ =	shalt  }
0x58: {  	_ =	shalt  }
0x59: {  	_ =	shalt  }
0x5a: {  	_ =	shalt  }
0x5b: {  	_ =	shalt  }
0x5c: {  	_ =	shalt  }
0x5d: {  	_ =	shalt  }
0x5e: {  	_ =	shalt  }
0x5f: {  	_ =	shalt  }
0x60: {  	_ =	shalt  }
0x61: {  	_ =	shalt  }
0x62: {  	_ =	shalt  }
0x63: {  	_ =	shalt  }
0x64: {  	_ =	shalt  }
0x65: {  	_ =	shalt  }
0x66: {  	_ =	shalt  }
0x67: {  	_ =	shalt  }
0x68: {  	_ =	shalt  }
0x69: {  	_ =	shalt  }
0x6a: {  	_ =	shalt  }
0x6b: {  	_ =	shalt  }
0x6c: {  	_ =	shalt  }
0x6d: {  	_ =	shalt  }
0x6e: {  	_ =	shalt  }
0x6f: {  	_ =	shalt  }
0x70: {  	_ =	shalt  }
0x71: {  	_ =	shalt  }
0x72: {  	_ =	shalt  }
0x73: {  	_ =	shalt  }
0x74: {  	_ =	shalt  }
0x75: {  	_ =	shalt  }
0x76: {  	_ =	shalt  }
0x77: {  	_ =	shalt  }
0x78: {  	_ =	shalt  }
0x79: {  	_ =	shalt  }
0x7a: {  	_ =	shalt  }
0x7b: {  	_ =	shalt  }
0x7c: {  	_ =	shalt  }
0x7d: {  	_ =	shalt  }
0x7e: {  	_ =	shalt  }
0x7f: {  	_ =	shalt  }
0x80: {  	_ =	shalt  }
0x81: {  	_ =	shalt  }
0x82: {  	_ =	shalt  }
0x83: {  	_ =	shalt  }
0x84: {  	_ =	shalt  }
0x85: {  	_ =	shalt  }
0x86: {  	_ =	shalt  }
0x87: {  	_ =	shalt  }
.Lfunc_end0:
.L_simem_size_0:
called_computation_lowered:
.L_overlay_start_0:
0x88: {  	s2 =	sld [smem:$0x3FD9]  }
0x89: {  	s3 =	sld [smem:$0x3FFE];
	_ =	sdelay $0x1  }
0x8a: {  	s1 =	srdreg.scid  }
0x8b: {  	s0 =	sand.u32 $0x1, s1  }
0x8c: {  	s14 =	sshll.u32 s0, $0xA;
	s2 =	sadd.s32 s3, s2  }
0x8d: {  	s2 =	sadd.s32 s2, s14  }
0x8e: {  	[smem:$0x3FC2] =	sst s2  }
0x8f: {  	_ = 	snop  }
0x90: {  	s2 =	sld [smem:$0x3FC9]  }
0x91: {  	s15 =	sld [smem:$0x3FD0]  }
0x92: {  	s4 =	sld [smem:$0x3FC8]  }
0x93: {  	s5 =	sld [smem:$0x3FC7]  }
0x94: {  	s7 =	simm.s32 $0xA;
	s8 =	simm.s32 $0x10;
	s6 =	sld [smem:$0x3FC6]  }
0x95: {  	[smem:s8], [sflag:s7] =	dma.local [hbm:s15], $0x1  }
0x96: {  	_ =	swait.eq [sflag:s7], $0x1  }
0x97: {  	[sflag:s7] =	ssyncset.done $0x0  }
0x98: {  	s16 =	sld [smem:$0x10];
	[sflag:s7] =	ssyncadd.s32 $0xFFFFFFFF  }
0x99: {  	s17 =	sld [smem:$0x11];
	(tm) =	ssettm $0x1  }
0x9a: {  	s18 =	sld [smem:$0x3FFB];
	_ =	sdelay $0x3  }
0x9b: {  	_ =	strace s18  }
0x9c: {  	s8 =	sld [smem:$0x3FFC];
	_ =	sdelay $0x3  }
0x9d: {  	_ =	strace s8  }
0x9e: {  	s8 =	sld [smem:$0x3FFD];
	_ =	sdelay $0x3  }
0x9f: {  	_ =	strace s8  }
0xa0: {  	_ =	strace $0x8FFFFFFF  }
0xa1: {  	s19 =	sld [smem:$0x3FDB];
	_ =	sdelay $0x1  }
0xa2: {  	s9 =	simm.s32 $_scs_section_size  }
0xa3: {  	s10 =	simm.s32 $_size__tile_overlayer_lowered;
	s11 =	simm.s32 $_tile_overlayer_lowered  }
0xa4: {  	s22 =	simm.s32 $0x1BFF;
	s21 =	sshll.u32 s11, $0x1;
	s8 =	sadd.s32 s9, s19  }
0xa5: {  	s12 =	simm.s32 $0x0;
	s20 =	sshll.u32 s10, $0x1;
	s10 =	sadd.s32 s21, s8  }
0xa6: {  	[timem:s12], [sflag:s22] =	dma.local [hbm:s10], s20  }
0xa7: {  	_ =	swait.ge [sflag:s22], s20  }
0xa8: {  	s9 =	ssub.s32 $0x0, s20;
	[sflag:s22] =	ssyncset.done $0x0  }
0xa9: {  	[sflag:s22] =	ssyncadd.s32 s9;
	_ =	sdelay $0x1  }
0xaa: {  	s23 =	simm.s32 $0x1B8B  }
0xab: {  	_ =	swait.ge [sflag:s23], $0x1  }
0xac: {  	[sflag:s23] =	ssyncset.done $0x0  }
0xad: {  	s25 =	simm.s32 $0x1B8E;
	s24 =	sld [smem:$0x3FFE];
	[sflag:s23] =	ssyncadd.s32 $0xFFFFFFFF  }
0xae: {  	s26 =	simm.s32 $execute0_lowered;
	[smem:$0x3FD2] =	sst s25  }
0xaf: {  	s10 =	sshll.u32 s26, $0x1;
	_ =	strace $0x80000046;
	[dreg:$0x1] =	wrdreg $0xFFFFFFFF  }
0xb0: {  	s28 =	simm.s32 $_size_execute0_lowered;
	s8 =	sadd.s32 s8, s10;
	[dreg:$0x0] =	wrdreg $0x0  }
0xb1: {  	s10 =	sshll.u32 s28, $0x1;
	[dreg:$0x2] =	wrdreg s8  }
0xb2: {  	[dreg:$0x3] =	wrdreg s10  }
0xb3: {  	[dreg:$0x4] =	wrdreg $0xC0  }
0xb4: {  	_ =	task [dreg:s12], $0x5FFFF  }
0xb5: {  	[dreg:$0x1] =	wrdreg $0xFFFFFFFF  }
0xb6: {  	[dreg:$0x0] =	wrdreg $0x60  }
0xb7: {  	[dreg:$0x2] =	wrdreg s2  }
0xb8: {  	[dreg:$0x3] =	wrdreg s4  }
0xb9: {  	[dreg:$0x4] =	wrdreg s5  }
0xba: {  	[dreg:$0x5] =	wrdreg s6  }
0xbb: {  	[dreg:$0x6] =	wrdreg s24  }
0xbc: {  	[dreg:$0x7] =	wrdreg s16  }
0xbd: {  	[dreg:$0x8] =	wrdreg s17  }
0xbe: {  	[dreg:$0x9] =	wrdreg $0x9  }
0xbf: {  	_ =	task.clear_ibuf [dreg:s12], $0xAFFFF;
	_ =	strace $0x90000046  }
0xc0: {  	s29 =	simm.s32 $0x9;
	_ =	strace $0x80000048  }
0xc1: {  	_ =	swait.ge [sflag:s29], $0x1  }
0xc2: {  	[sflag:s29] =	ssyncadd.s32 $0xFFFFFFFF  }
0xc3: {  	_ =	strace $0x90000048  }
0xc4: {  	_ =	sfence  }
0xc5: {  	s30 =	sld [smem:$0x0];
	_ =	sdelay $0x2  }
0xc6: {  	s31 =	sshll.u32 s1, $0xD;
	s1 =	sshrl.u32 s1, $0x2  }
0xc7: {  	s3 =	sand.u32 $0x4000, s31;
	s1 =	sadd.s32 s1, s30  }
0xc8: {  	s0 =	sor.u32 s3, s0;
	s1 =	sshll.u32 s1, $0x11  }
0xc9: {  	s0 =	sor.u32 s1, s0  }
0xca: {  	s0 =	sadd.s32 $0x8F2B, s0  }
0xcb: {  	[sflag:s0] =	ssyncadd.remote.s32 $0x1  }
0xcc: {  	_ =	sfence.sel $0xFFFF  }
0xcd: {  	[dreg:$0x0] =	wrdreg $0xFFFFFFFF;
	(pc) =	sbr.abs _section_cstart, $3  }
0xce: {  	[dreg:$0x1] =	wrdreg $0xFFFFFFFF  }
0xcf: {  	_ =	task.clear_ibuf [dreg:s12], $0x2FFFF;
	_ =	strace $0x9FFFFFFF  }
0xd0: {  	(tm) =	ssettm $0x7FFFFFFF  }
0xd1: {  	_ =	shalt  }
tec
execute0_lowered:
.L_overlay_start_1:
0x0: {  	(tag) =	ssettag $0x1  }
0x1: {  	s0 =	rddreg [dreg:$0x0]  }
0x2: {  	s2 =	rddreg [dreg:$0x1]  }
0x3: {  	s3 =	rddreg [dreg:$0x2]  }
0x4: {  	s4 =	rddreg [dreg:$0x3]  }
0x5: {  	s9 =	rddreg [dreg:$0x4]  }
0x6: {  	s10 =	rddreg [dreg:$0x5]  }
0x7: {  	s11 =	rddreg [dreg:$0x6]  }
0x8: {  	s1 =	rddreg [dreg:$0x7]  }
0x9: {  	s6 =	simm.s32 $0x0;
	s7 =	srdreg.scid;
	s5 =	stileid.u32  }
0xa: {  	s15 =	simm.s32 $0x100;
	s16 =	simm.s32 $0x180;
	s17 =	simm.s32 $0x200  }
0xb: {  	s18 =	simm.s32 $0x2200;
	s19 =	simm.s32 $0x4200;
	s20 =	simm.s32 $0x6200  }
0xc: {  	s21 =	simm.s32 $0x1;
	s22 =	simm.s32 $0x8200;
	s23 =	simm.s32 $0x8400  }
0xd: {  	s24 =	simm.s32 $0x0;
	[smem:$0x7FF] =	sst s6;
	s7 =	sand.u32 $0x1, s7  }
0xe: {  	vm0 =	vmmov $0x1;
	vm1 =	vmmov $0x3;
	vm2 =	vmmov $0x7;
	s8 =	sshll.u32 s5, $0xA;
	_ =	strace $0x80000047;
	s13 =	sshll.u32 s7, $0x9  }
0xf: {  	vm3 =	vmmov $0xf;
	vm4 =	vmmov $0x1f;
	vm5 =	vmmov $0x3f;
	s12 =	ssub.s32 $0x2, s7;
	s7 =	sadd.s32 $0xF42E00, s9;
	s8 =	sor.u32 s13, s8  }
0x10: {  	vm6 =	vmmov $0x7f;
	vm7 =	vmmov $0xff;
	vm8 =	vmmov $0x1ff;
	s9 =	sadd.s32 $0xA00, s9;
	s14 =	sshrl.u32 s12, $0x1;
	s13 =	sshrl.u32 s8, $0x3  }
0x11: {  	vm9 =	vmmov $0x3ff;
	vm10 =	vmmov $0x7ff;
	vm11 =	vmmov $0xfff;
	s12 =	ssub.s32 s12, s14;
	s14 =	simm.s32 $0x80;
	s10 =	sadd.s32 s10, s13  }
0x12: {  	vm12 =	vmmov $0x1fff;
	vm13 =	vmmov $0x3fff;
	vm14 =	vmmov $0x7fff;
	s11 =	sadd.s32 s11, s13;
	s12 =	smax.u32 s12, $0x1;
	s13 =	simm.s32 $0x2  }
.LBB2_1:
0x13: {  	s25 =	simm.s32 $0x0  }
.LBB2_2:
0x14: {  	s28 =	sshll.u32 s25, $0x7  }
0x15: {  	s26 =	sor.u32 s8, s28  }
0x16: {  	s29 =	sshrl.u32 s26, $0x3  }
0x17: {  	s26 =	simm.s32 $0x0;
	s30 =	sadd.s32 s0, s29  }
0x18: {  	[tilespmem:s26], [sflag:$0x2] =	stream.linear.gather [hbm4b:s30+s26], $0x80, $0x38;
	[tilespmem:$0x8600] =	vst v63  }
0x19: {  	_ =	swait.ge [sflag:s13], $0x80  }
0x1a: {  	[sflag:s13] =	ssyncset.done $0x0  }
0x1b: {  	s31 =	sadd.s32 s2, s29;
	[sflag:s13] =	ssyncadd.s32 $0xFFFFFF80  }
0x1c: {  	[tilespmem:s14], [sflag:$0x2] =	stream.linear.gather [hbm4b:s31+s26], $0x80, $0x38;
	[tilespmem:$0x8600] =	vst v63  }
0x1d: {  	_ =	swait.ge [sflag:s13], $0x80  }
0x1e: {  	[sflag:s13] =	ssyncset.done $0x0  }
0x1f: {  	s31 =	sadd.s32 s3, s29;
	[sflag:s13] =	ssyncadd.s32 $0xFFFFFF80  }
0x20: {  	[tilespmem:s15], [sflag:$0x2] =	stream.linear.gather [hbm4b:s31+s26], $0x80, $0x38;
	[tilespmem:$0x8600] =	vst v63  }
0x21: {  	_ =	swait.ge [sflag:s13], $0x80  }
0x22: {  	[sflag:s13] =	ssyncset.done $0x0  }
0x23: {  	s29 =	sadd.s32 s4, s29;
	[sflag:s13] =	ssyncadd.s32 $0xFFFFFF80  }
0x24: {  	[tilespmem:s16], [sflag:$0x2] =	stream.linear.gather [hbm4b:s29+s26], $0x80, $0x38;
	[tilespmem:$0x8600] =	vst v63  }
0x25: {  	_ =	swait.ge [sflag:s13], $0x80  }
0x26: {  	[sflag:s13] =	ssyncset.done $0x0  }
0x27: {  	[sflag:s13] =	ssyncadd.s32 $0xFFFFFF80  }
0x28: {  	[tilespmem:s17], [sflag:$0x1] =	stream.indirect.gather [hbm4b:s7+s14], $0x40, s26, s14, $0xb8;
	[tilespmem:$0x8600] =	vst v63  }
0x29: {  	_ = 	snop  }
0x2a: {  	[tilespmem:s18], [sflag:$0x1] =	stream.indirect.gather [hbm4b:s9+s14], $0x40, s14, s14, $0xb8;
	[tilespmem:$0x8600] =	vst v63  }
0x2b: {  	_ = 	snop  }
0x2c: {  	[tilespmem:s19], [sflag:$0x1] =	stream.indirect.gather [hbm4b:s7+s14], $0x40, s15, s14, $0xb8;
	[tilespmem:$0x8600] =	vst v63  }
0x2d: {  	_ = 	snop  }
0x2e: {  	[tilespmem:s20], [sflag:$0x1] =	stream.indirect.gather [hbm4b:s7+s14], $0x40, s16, s14, $0xb8;
	[tilespmem:$0x8600] =	vst v63  }
0x2f: {  	_ =	swait.ge [sflag:s21], $0x2000  }
0x30: {  	[sflag:s21] =	ssyncset.done $0x0  }
0x31: {  	[sflag:s21] =	ssyncadd.s32 $0xFFFFE000  }
0x32: {  	_ =	swait.ge [sflag:s21], $0x2000  }
0x33: {  	[sflag:s21] =	ssyncset.done $0x0  }
0x34: {  	[sflag:s21] =	ssyncadd.s32 $0xFFFFE000  }
0x35: {  	_ =	swait.ge [sflag:s21], $0x2000  }
0x36: {  	[sflag:s21] =	ssyncset.done $0x0  }
0x37: {  	[sflag:s21] =	ssyncadd.s32 $0xFFFFE000  }
0x38: {  	_ =	swait.ge [sflag:s21], $0x2000  }
0x39: {  	v0 =	vmov s28;
	[sflag:s21] =	ssyncset.done $0x0  }
0x3a: {  	[tilespmem:$0x1FFF0] =	vst v0;
	[sflag:s21] =	ssyncadd.s32 $0xFFFFE000  }
.LBB2_3:
0x3b: {  	s28 =	sshll.u32 s26, $0xA  }
0x3c: {  	v0 =	vld [tilespmem:s28+$0x200]  }
0x3d: {  	v1 =	vld [tilespmem:s28+$0x2200]  }
0x3e: {  	v2 =	vld [tilespmem:s28+$0x4200]  }
0x3f: {  	v3 =	vld [tilespmem:s28+$0x6200]  }
0x40: {  	v4 =	vld [tilespmem:s28+$0x210]  }
0x41: {  	v5 =	vld [tilespmem:s28+$0x2210]  }
0x42: {  	v6 =	vld [tilespmem:s28+$0x4210]  }
0x43: {  	v7 =	vld [tilespmem:s28+$0x6210]  }
0x44: {  	v8 =	vld [tilespmem:s28+$0x220]  }
0x45: {  	v9 =	vld [tilespmem:s28+$0x2220]  }
0x46: {  	v10 =	vld [tilespmem:s28+$0x4220]  }
0x47: {  	v53 =	vld [tilespmem:s28+$0x6220]  }
0x48: {  	v12 =	vld [tilespmem:s28+$0x230]  }
0x49: {  	v54 =	vld [tilespmem:s28+$0x2230]  }
0x4a: {  	v15 =	vld [tilespmem:s28+$0x4230]  }
0x4b: {  	v17 =	vld [tilespmem:s28+$0x6230]  }
0x4c: {  	v55 =	vld [tilespmem:s28+$0x240]  }
0x4d: {  	v56 =	vld [tilespmem:s28+$0x2240]  }
0x4e: {  	v18 =	vld [tilespmem:s28+$0x4240]  }
0x4f: {  	v63 =	vld [tilespmem:s28+$0x2250]  }
0x50: {  	v58 =	vld [tilespmem:s28+$0x6240]  }
0x51: {  	v61 =	vld [tilespmem:s28+$0x250]  }
0x52: {  	v25 =	vld [tilespmem:s28+$0x4250];
	v2 =	vsub.f32 v0, v2;
	v0 =	vsub.f32 v0, v3  }
0x53: {  	v19 =	vld [tilespmem:s28+$0x6250];
	v6 =	vsub.f32 v4, v6;
	v4 =	vsub.f32 v4, v7;
	v24 =	vmul.f32 v9, v9  }
0x54: {  	v28 =	vld [tilespmem:s28+$0x260];
	v62 =	vsub.f32 v12, v15;
	v7 =	vmul.f32 v54, v54;
	v15 =	vmul.f32 v63, v63  }
0x55: {  	v31 =	vld [tilespmem:s28+$0x2260];
	v11 =	vmul.f32 v2, v2;
	v2 =	vmul.f32 v2, v1  }
0x56: {  	v43 =	vld [tilespmem:s28+$0x280];
	v13 =	vmul.f32 v0, v1;
	v0 =	vmul.f32 v0, v0  }
0x57: {  	v23 =	vld [tilespmem:s28+$0x4280];
	v10 =	vsub.f32 v8, v10;
	v14 =	vmul.f32 v6, v6;
	v16 =	vmul.f32 v4, v4  }
0x58: {  	v33 =	vld [tilespmem:s28+$0x4260];
	v3 =	vsub.f32 v8, v53;
	v1 =	vmul.f32 v1, v1;
	v6 =	vmul.f32 v6, v5  }
0x59: {  	v35 =	vld [tilespmem:s28+$0x6260];
	v12 =	vsub.f32 v12, v17;
	v4 =	vmul.f32 v4, v5;
	v5 =	vmul.f32 v5, v5  }
0x5a: {  	v37 =	vld [tilespmem:s28+$0x270];
	v32 =	vsub.f32 v55, v18;
	v57 =	vmul.f32 v10, v10;
	v60 =	vmul.f32 v3, v3  }
0x5b: {  	v39 =	vld [tilespmem:s28+$0x2270];
	v34 =	vsub.f32 v55, v58;
	v10 =	vmul.f32 v10, v9;
	v3 =	vmul.f32 v3, v9  }
0x5c: {  	v42 =	vld [tilespmem:s28+$0x4270];
	v58 =	vsub.f32 v43, v23;
	v26 =	vmul.f32 v62, v62;
	v17 =	vmul.f32 v12, v12  }
0x5d: {  	v22 =	vld [tilespmem:s28+$0x6270];
	v30 =	vmul.f32 v12, v54;
	v9 =	vsub.f32 v61, v25;
	v12 =	vsub.f32 v28, v33  }
0x5e: {  	v44 =	vld [tilespmem:s28+$0x2280];
	v18 =	vmul.f32 v32, v56;
	v2 =	vadd.f32 $0.0e+00, v2;
	v13 =	vadd.f32 $0.0e+00, v13  }
0x5f: {  	v46 =	vld [tilespmem:s28+$0x6280];
	v27 =	vmul.f32 v62, v54;
	v11 =	vadd.f32 v14, v11;
	v0 =	vadd.f32 v16, v0  }
0x60: {  	v48 =	vld [tilespmem:s28+$0x290];
	v36 =	vmul.f32 v32, v32;
	v1 =	vadd.f32 v5, v1;
	v18 =	vadd.f32 $0.0e+00, v18  }
0x61: {  	v50 =	vld [tilespmem:s28+$0x4290];
	v41 =	vmul.f32 v9, v9;
	v2 =	vadd.f32 v6, v2;
	v4 =	vadd.f32 v4, v13  }
0x62: {  	v49 =	vld [tilespmem:s28+$0x2290];
	v9 =	vmul.f32 v9, v63;
	v59 =	vadd.f32 v57, v11;
	v0 =	vadd.f32 v60, v0  }
0x63: {  	v25 =	vld [tilespmem:s28+$0x2A0];
	v16 =	vmul.f32 v56, v56;
	v8 =	vadd.f32 v24, v1;
	v11 =	vsub.f32 v61, v19  }
0x64: {  	v38 =	vmul.f32 v34, v56;
	v56 =	vld [tilespmem:s28+$0x22A0];
	v6 =	vsub.f32 v28, v35;
	v9 =	vadd.f32 v9, v18  }
0x65: {  	v62 =	vmul.f32 v39, v39;
	v15 =	vadd.f32 v15, v16;
	v24 =	vld [tilespmem:s28+$0x6290];
	v60 =	vsub.f32 v43, v46  }
0x66: {  	v45 =	vmul.f32 v12, v12;
	v61 =	vld [tilespmem:s28+$0x62A0];
	v13 =	vsub.f32 v48, v50;
	v2 =	vadd.f32 v10, v2  }
0x67: {  	v12 =	vmul.f32 v12, v31;
	v35 =	vld [tilespmem:s28+$0x2C0];
	v20 =	vadd.f32 v3, v4;
	v29 =	vadd.f32 v26, v59  }
0x68: {  	v5 =	vmul.f32 v58, v44;
	v28 =	vld [tilespmem:s28+$0x42C0];
	v0 =	vadd.f32 v17, v0;
	v40 =	vadd.f32 v7, v8  }
0x69: {  	v21 =	vmul.f32 v11, v11;
	v7 =	vadd.f32 v41, v36;
	v11 =	vmul.f32 v11, v63;
	v59 =	vld [tilespmem:s28+$0x42A0]  }
0x6a: {  	v47 =	vmul.f32 v6, v6;
	v8 =	vsub.f32 v37, v42;
	v6 =	vmul.f32 v6, v31;
	v4 =	vld [tilespmem:s28+$0x2B0]  }
0x6b: {  	v17 =	vsub.f32 v37, v22;
	v10 =	vmul.f32 v31, v31;
	v63 =	vmul.f32 v58, v58;
	v36 =	vld [tilespmem:s28+$0x22C0]  }
0x6c: {  	v9 =	vadd.f32 v12, v9;
	v33 =	vmul.f32 v13, v13;
	v13 =	vmul.f32 v13, v49;
	v41 =	vld [tilespmem:s28+$0x22D0]  }
0x6d: {  	v42 =	vld [tilespmem:s28+$0x42D0];
	v12 =	vmul.f32 v56, v56;
	[tilespmem:$0x1FDB0] =	vst v0;
	v1 =	vadd.f32 v27, v2;
	v0 =	vadd.f32 v30, v20  }
0x6e: {  	v58 =	vld [tilespmem:s28+$0x22F0];
	v20 =	vadd.f32 $0.0e+00, v38;
	v7 =	vadd.f32 v45, v7;
	v51 =	vmul.f32 v8, v8  }
0x6f: {  	v22 =	vmul.f32 v17, v17;
	v52 =	vadd.f32 v10, v15;
	v53 =	vmul.f32 v8, v39;
	v27 =	vld [tilespmem:s28+$0x62B0]  }
0x70: {  	[tilespmem:$0x1FDE0] =	vst v40;
	v55 =	vmul.f32 v17, v39;
	v38 =	vld [tilespmem:s28+$0x62C0];
	v16 =	vsub.f32 v48, v24;
	v14 =	vsub.f32 v25, v61  }
0x71: {  	v40 =	vld [tilespmem:s28+$0x2D0];
	v50 =	vsub.f32 v35, v28;
	[tilespmem:$0x1FDD0] =	vst v0;
	v0 =	vmul.f32 v34, v34;
	v11 =	vadd.f32 v11, v20  }
0x72: {  	v30 =	vld [tilespmem:s28+$0x62D0];
	v54 =	vadd.f32 v51, v7;
	v57 =	vadd.f32 v53, v9;
	v20 =	vmul.f32 v49, v49  }
0x73: {  	v61 =	vld [tilespmem:s28+$0x42F0];
	v32 =	vadd.f32 v62, v52;
	v26 =	vmul.f32 v16, v16;
	v16 =	vmul.f32 v16, v49  }
0x74: {  	v7 =	vld [tilespmem:s28+$0x22B0];
	v15 =	vsub.f32 v25, v59;
	v39 =	vmul.f32 v14, v14;
	v14 =	vmul.f32 v14, v56  }
0x75: {  	v34 =	vld [tilespmem:s28+$0x42B0];
	v25 =	vmul.f32 v41, v41;
	v0 =	vadd.f32 v21, v0;
	v6 =	vadd.f32 v6, v11  }
0x76: {  	v51 =	vld [tilespmem:s28+$0x42E0];
	v21 =	vmul.f32 v44, v44;
	v11 =	vadd.f32 v33, v63;
	v19 =	vsub.f32 v4, v27  }
0x77: {  	[tilespmem:$0x1FDA0] =	vst v29;
	v49 =	vld [tilespmem:s28+$0x22E0];
	v37 =	vmul.f32 v15, v15;
	v52 =	vsub.f32 v35, v38;
	v0 =	vadd.f32 v47, v0  }
0x78: {  	v53 =	vld [tilespmem:s28+$0x62E0];
	[tilespmem:$0x1FDF0] =	vst v54;
	v15 =	vmul.f32 v15, v56;
	v20 =	vadd.f32 v20, v21;
	v21 =	vsub.f32 v40, v42  }
0x79: {  	[tilespmem:$0x1FE30] =	vst v32;
	v32 =	vld [tilespmem:s28+$0x62F0];
	v11 =	vadd.f32 v37, v11;
	v29 =	vmul.f32 v19, v19;
	v48 =	vmul.f32 v19, v7  }
0x7a: {  	[tilespmem:$0x1FE10] =	vst v57;
	v56 =	vld [tilespmem:s28+$0x2F0];
	v17 =	vsub.f32 v4, v34;
	v54 =	vmul.f32 v7, v7;
	v57 =	vmul.f32 v52, v36  }
0x7b: {  	v47 =	vld [tilespmem:s28+$0x2E0];
	v0 =	vadd.f32 v22, v0;
	v45 =	vadd.f32 v12, v20;
	v20 =	vmul.f32 v50, v36  }
0x7c: {  	v9 =	vld [tilespmem:s28+$0x310];
	v22 =	vadd.f32 $0.0e+00, v5;
	v38 =	vmul.f32 v49, v49;
	v46 =	vmul.f32 v17, v7  }
0x7d: {  	v63 =	vld [tilespmem:s28+$0x300];
	v28 =	vadd.f32 $0.0e+00, v57;
	[tilespmem:$0x1FE00] =	vst v0;
	v0 =	vadd.f32 v55, v6;
	v6 =	vmul.f32 v60, v44  }
0x7e: {  	v33 =	vld [tilespmem:s28+$0x4300];
	v13 =	vadd.f32 v13, v22;
	v44 =	vmul.f32 v17, v17;
	v59 =	vadd.f32 v54, v45  }
0x7f: {  	v35 =	vld [tilespmem:s28+$0x6310];
	v55 =	vmul.f32 v50, v50;
	v20 =	vadd.f32 $0.0e+00, v20;
	v10 =	vsub.f32 v56, v61  }
0x80: {  	v42 =	vld [tilespmem:s28+$0x320];
	v24 =	vsub.f32 v56, v32;
	v50 =	vmul.f32 v58, v58;
	v62 =	vsub.f32 v47, v51  }
0x81: {  	v4 =	vld [tilespmem:s28+$0x2300];
	v17 =	vsub.f32 v47, v53;
	[tilespmem:$0x1FE20] =	vst v0;
	v0 =	vmul.f32 v60, v60;
	v23 =	vadd.f32 $0.0e+00, v6  }
0x82: {  	v37 =	vld [tilespmem:s28+$0x6330];
	v43 =	vadd.f32 v15, v13;
	v60 =	vmul.f32 v21, v21;
	v21 =	vmul.f32 v21, v41  }
0x83: {  	v7 =	vld [tilespmem:s28+$0x6300];
	v11 =	vadd.f32 v44, v11;
	v34 =	vmul.f32 v24, v24;
	v5 =	vmul.f32 v62, v62  }
0x84: {  	v61 =	vld [tilespmem:s28+$0x2340];
	v8 =	vmul.f32 v17, v17;
	v22 =	vmul.f32 v62, v49;
	v0 =	vadd.f32 v26, v0  }
0x85: {  	v47 =	vld [tilespmem:s28+$0x4320];
	v17 =	vmul.f32 v17, v49;
	v16 =	vadd.f32 v16, v23;
	v12 =	vadd.f32 v46, v43  }
0x86: {  	v53 =	vld [tilespmem:s28+$0x330];
	v23 =	vsub.f32 v40, v30;
	v26 =	vmul.f32 v36, v36;
	v20 =	vadd.f32 v21, v20  }
0x87: {  	v44 =	vld [tilespmem:s28+$0x2320];
	v40 =	vmul.f32 v10, v10;
	v43 =	vmul.f32 v24, v58;
	v46 =	vsub.f32 v63, v33  }
0x88: {  	v49 =	vld [tilespmem:s28+$0x6320];
	v0 =	vadd.f32 v39, v0;
	v14 =	vadd.f32 v14, v16;
	v31 =	vmul.f32 v23, v23  }
0x89: {  	v16 =	vadd.f32 v60, v55;
	v23 =	vmul.f32 v23, v41;
	v25 =	vadd.f32 v25, v26;
	v39 =	vld [tilespmem:s28+$0x4310]  }
0x8a: {  	v22 =	vadd.f32 v22, v20;
	v41 =	vmul.f32 v10, v58;
	v26 =	vsub.f32 v9, v35;
	v55 =	vld [tilespmem:s28+$0x2330]  }
0x8b: {  	[tilespmem:$0x1FE40] =	vst v59;
	v51 =	vmul.f32 v46, v46;
	v58 =	vld [tilespmem:s28+$0x4330];
	v59 =	vsub.f32 v42, v47;
	v32 =	vsub.f32 v53, v37  }
0x8c: {  	v60 =	vld [tilespmem:s28+$0x340];
	v24 =	vmul.f32 v44, v44;
	v15 =	vadd.f32 v29, v0;
	v13 =	vadd.f32 v48, v14  }
0x8d: {  	v47 =	vld [tilespmem:s28+$0x6360];
	v0 =	vmul.f32 v52, v52;
	v6 =	vadd.f32 v23, v28;
	v16 =	vadd.f32 v5, v16  }
0x8e: {  	v14 =	vld [tilespmem:s28+$0x2310];
	v18 =	vadd.f32 v38, v25;
	v45 =	vadd.f32 v41, v22;
	v22 =	vmul.f32 v46, v4  }
0x8f: {  	v48 =	vsub.f32 v63, v7;
	v36 =	vmul.f32 v26, v26;
	v62 =	vmul.f32 v59, v59;
	v38 =	vld [tilespmem:s28+$0x4340]  }
0x90: {  	v63 =	vld [tilespmem:s28+$0x6340];
	v27 =	vmul.f32 v59, v44;
	v0 =	vadd.f32 v31, v0;
	v21 =	vadd.f32 v17, v6  }
0x91: {  	v7 =	vld [tilespmem:s28+$0x4350];
	v20 =	vadd.f32 v40, v16;
	v54 =	vmul.f32 v48, v4;
	v56 =	vadd.f32 v50, v18  }
0x92: {  	v22 =	vadd.f32 $0.0e+00, v22;
	v31 =	vmul.f32 v4, v4;
	v4 =	vld [tilespmem:s28+$0x350];
	v52 =	vsub.f32 v9, v39  }
0x93: {  	v6 =	vld [tilespmem:s28+$0x2350];
	v5 =	vsub.f32 v53, v58;
	v9 =	vmul.f32 v32, v32;
	v16 =	vmul.f32 v32, v55  }
0x94: {  	v18 =	vld [tilespmem:s28+$0x2360];
	v0 =	vadd.f32 v8, v0;
	v17 =	vadd.f32 v43, v21;
	v57 =	vmul.f32 v52, v52  }
0x95: {  	[tilespmem:$0x1FE50] =	vst v45;
	v45 =	vld [tilespmem:s28+$0x4360];
	v33 =	vadd.f32 $0.0e+00, v54;
	v29 =	vmul.f32 v52, v14;
	v26 =	vmul.f32 v26, v14  }
0x96: {  	v40 =	vld [tilespmem:s28+$0x4370];
	v21 =	vsub.f32 v42, v49;
	v30 =	vmul.f32 v14, v14;
	v8 =	vmul.f32 v5, v5  }
0x97: {  	v39 =	vld [tilespmem:s28+$0x6350];
	v10 =	vmul.f32 v5, v55;
	v46 =	vsub.f32 v60, v63;
	v19 =	vadd.f32 v34, v0  }
0x98: {  	v42 =	vld [tilespmem:s28+$0x6370];
	v3 =	vmul.f32 v21, v21;
	v21 =	vmul.f32 v21, v44;
	v44 =	vsub.f32 v60, v38  }
0x99: {  	v43 =	vld [tilespmem:s28+$0x4380];
	v0 =	vmul.f32 v48, v48;
	v23 =	vadd.f32 v57, v51;
	v22 =	vadd.f32 v29, v22  }
0x9a: {  	v14 =	vld [tilespmem:s28+$0x360];
	v48 =	vmul.f32 v55, v55;
	v26 =	vadd.f32 v26, v33;
	v30 =	vadd.f32 v30, v31  }
0x9b: {  	v5 =	vld [tilespmem:s28+$0x6380];
	v50 =	vsub.f32 v4, v7;
	v52 =	vmul.f32 v46, v61;
	v35 =	vmul.f32 v6, v6  }
0x9c: {  	v55 =	vld [tilespmem:s28+$0x380];
	v0 =	vadd.f32 v36, v0;
	v49 =	vmul.f32 v44, v44;
	v31 =	vsub.f32 v4, v39  }
0x9d: {  	v51 =	vld [tilespmem:s28+$0x370];
	v36 =	vmul.f32 v61, v61;
	v23 =	vadd.f32 v62, v23;
	v22 =	vadd.f32 v27, v22  }
0x9e: {  	v7 =	vld [tilespmem:s28+$0x390];
	v21 =	vadd.f32 v21, v26;
	v24 =	vadd.f32 v24, v30;
	v26 =	vmul.f32 v44, v61  }
0x9f: {  	v57 =	vld [tilespmem:s28+$0x3B0];
	v54 =	vmul.f32 v50, v50;
	v38 =	vadd.f32 $0.0e+00, v52;
	v0 =	vadd.f32 v3, v0  }
0xa0: {  	v39 =	vld [tilespmem:s28+$0x2370];
	v34 =	vmul.f32 v50, v6;
	v32 =	vsub.f32 v14, v45;
	v28 =	vsub.f32 v14, v47  }
0xa1: {  	v27 =	vmul.f32 v18, v18;
	v44 =	vld [tilespmem:s28+$0x6390];
	v35 =	vadd.f32 v35, v36;
	v25 =	vadd.f32 v8, v23  }
0xa2: {  	v52 =	vld [tilespmem:s28+$0x43A0];
	v41 =	vmul.f32 v31, v31;
	v23 =	vadd.f32 v10, v22;
	v22 =	vadd.f32 v16, v21  }
0xa3: {  	v61 =	vld [tilespmem:s28+$0x23B0];
	v31 =	vmul.f32 v31, v6;
	v53 =	vadd.f32 v48, v24;
	v26 =	vadd.f32 $0.0e+00, v26  }
0xa4: {  	v45 =	vld [tilespmem:s28+$0x63B0];
	v29 =	vadd.f32 v54, v49;
	v0 =	vadd.f32 v9, v0;
	v4 =	vmul.f32 v32, v32  }
0xa5: {  	v10 =	vld [tilespmem:s28+$0x4390];
	v31 =	vadd.f32 v31, v38;
	v6 =	vmul.f32 v28, v28;
	v8 =	vsub.f32 v51, v40  }
0xa6: {  	v21 =	vld [tilespmem:s28+$0x3A0];
	v32 =	vmul.f32 v32, v18;
	v37 =	vsub.f32 v51, v42;
	v16 =	vadd.f32 v27, v35  }
0xa7: {  	v49 =	vld [tilespmem:s28+$0x23A0];
	v28 =	vmul.f32 v28, v18;
	v51 =	vsub.f32 v55, v43;
	[tilespmem:$0x1FE80] =	vst v53;
	v26 =	vadd.f32 v34, v26  }
0xa8: {  	v54 =	vld [tilespmem:s28+$0x63A0];
	v53 =	vsub.f32 v55, v5;
	v55 =	vmul.f32 v39, v39;
	[tilespmem:$0x1FE70] =	vst v0;
	v0 =	vmul.f32 v46, v46  }
0xa9: {  	v9 =	vld [tilespmem:s28+$0x2390];
	v29 =	vadd.f32 v4, v29;
	v14 =	vmul.f32 v8, v8;
	v42 =	vmul.f32 v37, v37  }
0xaa: {  	v28 =	vadd.f32 v28, v31;
	v18 =	vmul.f32 v8, v39;
	v36 =	vsub.f32 v7, v44;
	v4 =	vld [tilespmem:s28+$0x43B0]  }
0xab: {  	v48 =	vmul.f32 v37, v39;
	v46 =	vld [tilespmem:s28+$0x43C0];
	v26 =	vadd.f32 v32, v26;
	v63 =	vadd.f32 v55, v16  }
0xac: {  	[tilespmem:$0x1FE60] =	vst v56;
	v56 =	vmul.f32 v51, v51;
	v38 =	vsub.f32 v57, v45;
	v16 =	vld [tilespmem:s28+$0x23D0];
	v0 =	vadd.f32 v41, v0  }
0xad: {  	v41 =	vld [tilespmem:s28+$0x2380];
	v59 =	vadd.f32 v14, v29;
	v30 =	vsub.f32 v7, v10;
	v44 =	vmul.f32 v36, v36  }
0xae: {  	v5 =	vsub.f32 v21, v52;
	v7 =	vld [tilespmem:s28+$0x23C0];
	v32 =	vmul.f32 v49, v49;
	v50 =	vadd.f32 v18, v26  }
0xaf: {  	v14 =	vld [tilespmem:s28+$0x3D0];
	v26 =	vadd.f32 v48, v28;
	v36 =	vmul.f32 v36, v9;
	v40 =	vmul.f32 v9, v9  }
0xb0: {  	v52 =	vld [tilespmem:s28+$0x3E0];
	v28 =	vsub.f32 v21, v54;
	v47 =	vmul.f32 v38, v38;
	v3 =	vmul.f32 v30, v30  }
0xb1: {  	v21 =	vld [tilespmem:s28+$0x43D0];
	v0 =	vadd.f32 v6, v0;
	v30 =	vmul.f32 v30, v9;
	v8 =	vmul.f32 v5, v5  }
0xb2: {  	v48 =	vld [tilespmem:s28+$0x63D0];
	v34 =	vmul.f32 v5, v49;
	v10 =	vmul.f32 v28, v28  }
0xb3: {  	v6 =	vld [tilespmem:s28+$0x3C0];
	v33 =	vsub.f32 v57, v4;
	v62 =	vadd.f32 v42, v0;
	v0 =	vmul.f32 v53, v53  }
0xb4: {  	v9 =	vld [tilespmem:s28+$0x63C0];
	v28 =	vmul.f32 v28, v49;
	v31 =	vadd.f32 v3, v56;
	v58 =	vmul.f32 v51, v41  }
0xb5: {  	v54 =	vld [tilespmem:s28+$0x23E0];
	v60 =	vmul.f32 v53, v41;
	v41 =	vmul.f32 v41, v41;
	v0 =	vadd.f32 v44, v0  }
0xb6: {  	[tilespmem:$0x1FEA0] =	vst v63;
	v4 =	vld [tilespmem:s28+$0x3F0];
	v24 =	vmul.f32 v33, v33;
	v31 =	vadd.f32 v8, v31;
	v63 =	vsub.f32 v14, v21  }
0xb7: {  	v56 =	vld [tilespmem:s28+$0x43E0];
	v51 =	vmul.f32 v33, v61;
	v39 =	vadd.f32 $0.0e+00, v58;
	v42 =	vadd.f32 $0.0e+00, v60  }
0xb8: {  	v3 =	vld [tilespmem:s28+$0x4460];
	v53 =	vmul.f32 v38, v61;
	v40 =	vadd.f32 v40, v41;
	v55 =	vsub.f32 v6, v46  }
0xb9: {  	v8 =	vld [tilespmem:s28+$0x2410];
	v57 =	vsub.f32 v6, v9;
	v60 =	vmul.f32 v61, v61;
	v41 =	vsub.f32 v14, v48  }
0xba: {  	v58 =	vld [tilespmem:s28+$0x63E0];
	v0 =	vadd.f32 v10, v0;
	v35 =	vadd.f32 v24, v31;
	v21 =	vmul.f32 v63, v63  }
0xbb: {  	v6 =	vld [tilespmem:s28+$0x23F0];
	v30 =	vadd.f32 v30, v39;
	v36 =	vadd.f32 v36, v42;
	v61 =	vmul.f32 v55, v55  }
0xbc: {  	[tilespmem:$0x1FE90] =	vst v50;
	v9 =	vld [tilespmem:s28+$0x4410];
	v50 =	vadd.f32 v32, v40;
	v5 =	vmul.f32 v57, v7;
	v49 =	vmul.f32 v41, v41  }
0xbd: {  	v24 =	vld [tilespmem:s28+$0x43F0];
	v33 =	vsub.f32 v52, v56;
	v39 =	vmul.f32 v63, v16;
	v41 =	vmul.f32 v41, v16  }
0xbe: {  	v42 =	vmul.f32 v16, v16;
	v16 =	vld [tilespmem:s28+$0x420];
	v0 =	vadd.f32 v47, v0;
	v30 =	vadd.f32 v34, v30  }
0xbf: {  	v44 =	vmul.f32 v7, v7;
	v28 =	vadd.f32 v28, v36;
	v18 =	vadd.f32 v60, v50;
	v50 =	vld [tilespmem:s28+$0x63F0]  }
0xc0: {  	v38 =	vmul.f32 v54, v54;
	v45 =	vadd.f32 $0.0e+00, v5;
	v36 =	vadd.f32 v21, v61;
	v34 =	vld [tilespmem:s28+$0x400]  }
0xc1: {  	v42 =	vadd.f32 v42, v44;
	v60 =	vld [tilespmem:s28+$0x410];
	v37 =	vmul.f32 v33, v54;
	v48 =	vmul.f32 v8, v8  }
0xc2: {  	v21 =	vld [tilespmem:s28+$0x2420];
	[tilespmem:$0x1FEB0] =	vst v0;
	v32 =	vadd.f32 v51, v30;
	v0 =	vadd.f32 v53, v28;
	v30 =	vmul.f32 v55, v7  }
0xc3: {  	v5 =	vld [tilespmem:s28+$0x430];
	v28 =	vsub.f32 v52, v58;
	v55 =	vmul.f32 v33, v33;
	v56 =	vadd.f32 v41, v45  }
0xc4: {  	v61 =	vmul.f32 v6, v6;
	v51 =	vld [tilespmem:s28+$0x4400];
	v7 =	vsub.f32 v4, v24;
	v38 =	vadd.f32 v38, v42  }
0xc5: {  	v53 =	vld [tilespmem:s28+$0x6410];
	[tilespmem:$0x1FEC0] =	vst v0;
	v0 =	vmul.f32 v57, v57;
	v30 =	vadd.f32 $0.0e+00, v30;
	v36 =	vadd.f32 v55, v36  }
0xc6: {  	v33 =	vld [tilespmem:s28+$0x4420];
	v58 =	vmul.f32 v28, v28;
	v28 =	vmul.f32 v28, v54;
	v38 =	vadd.f32 v61, v38  }
0xc7: {  	v57 =	vld [tilespmem:s28+$0x6400];
	v10 =	vmul.f32 v7, v7;
	v43 =	vsub.f32 v4, v50;
	v4 =	vsub.f32 v60, v9  }
0xc8: {  	v14 =	vmul.f32 v7, v6;
	v7 =	vld [tilespmem:s28+$0x2430];
	v0 =	vadd.f32 v49, v0;
	v30 =	vadd.f32 v39, v30  }
0xc9: {  	v55 =	vld [tilespmem:s28+$0x6430];
	v28 =	vadd.f32 v28, v56;
	v29 =	vadd.f32 v10, v36;
	v52 =	vmul.f32 v43, v43  }
0xca: {  	[tilespmem:$0x1FED0] =	vst v18;
	v49 =	vld [tilespmem:s28+$0x2400];
	v18 =	vmul.f32 v43, v6;
	v24 =	vsub.f32 v34, v51;
	v44 =	vsub.f32 v60, v53  }
0xcb: {  	v56 =	vld [tilespmem:s28+$0x4440];
	v42 =	vsub.f32 v16, v33;
	v47 =	vmul.f32 v4, v8;
	v43 =	vmul.f32 v21, v21  }
0xcc: {  	v60 =	vld [tilespmem:s28+$0x440];
	v0 =	vadd.f32 v58, v0;
	v30 =	vadd.f32 v37, v30;
	v63 =	vmul.f32 v24, v24  }
0xcd: {  	v9 =	vld [tilespmem:s28+$0x6440];
	v57 =	vsub.f32 v34, v57;
	v34 =	vmul.f32 v4, v4;
	v54 =	vmul.f32 v44, v44  }
0xce: {  	v58 =	vld [tilespmem:s28+$0x6420];
	v44 =	vmul.f32 v44, v8;
	v8 =	vmul.f32 v42, v42;
	v50 =	vsub.f32 v5, v55  }
0xcf: {  	v40 =	vld [tilespmem:s28+$0x490];
	v42 =	vmul.f32 v42, v21;
	v39 =	vadd.f32 v52, v0;
	v37 =	vadd.f32 v14, v30  }
0xd0: {  	v36 =	vld [tilespmem:s28+$0x4430];
	v0 =	vadd.f32 v18, v28;
	v52 =	vmul.f32 v7, v7;
	v30 =	vmul.f32 v24, v49  }
0xd1: {  	v61 =	vld [tilespmem:s28+$0x2440];
	v6 =	vmul.f32 v57, v49;
	v41 =	vadd.f32 v34, v63;
	v2 =	vsub.f32 v60, v56  }
0xd2: {  	v14 =	vld [tilespmem:s28+$0x450];
	v49 =	vmul.f32 v49, v49;
	v46 =	vsub.f32 v60, v9;
	v30 =	vadd.f32 $0.0e+00, v30  }
0xd3: {  	v18 =	vld [tilespmem:s28+$0x2450];
	[tilespmem:$0x1FEE0] =	vst v0;
	v0 =	vmul.f32 v57, v57;
	v51 =	vadd.f32 $0.0e+00, v6;
	v28 =	vsub.f32 v16, v58  }
0xd4: {  	[tilespmem:$0x1FDC0] =	vst v1;
	v1 =	vmul.f32 v50, v7;
	v48 =	vadd.f32 v48, v49;
	v41 =	vadd.f32 v8, v41;
	v58 =	vld [tilespmem:s28+$0x6450]  }
0xd5: {  	v57 =	vmul.f32 v50, v50;
	v16 =	vsub.f32 v5, v36;
	v36 =	vld [tilespmem:s28+$0x460];
	v0 =	vadd.f32 v54, v0  }
0xd6: {  	v5 =	vld [tilespmem:s28+$0x6460];
	v9 =	vmul.f32 v46, v61;
	v54 =	vmul.f32 v61, v61;
	v30 =	vadd.f32 v47, v30  }
0xd7: {  	v8 =	vld [tilespmem:s28+$0x470];
	v44 =	vadd.f32 v44, v51;
	v10 =	vmul.f32 v28, v28;
	v28 =	vmul.f32 v28, v21  }
0xd8: {  	v21 =	vld [tilespmem:s28+$0x4450];
	v24 =	vmul.f32 v16, v16;
	v48 =	vadd.f32 v43, v48;
	v31 =	vmul.f32 v16, v7  }
0xd9: {  	v7 =	vmul.f32 v2, v61;
	v16 =	vld [tilespmem:s28+$0x6470];
	v0 =	vadd.f32 v10, v0;
	v30 =	vadd.f32 v42, v30  }
0xda: {  	v61 =	vld [tilespmem:s28+$0x480];
	v53 =	vmul.f32 v18, v18;
	v28 =	vadd.f32 v28, v44;
	v33 =	vadd.f32 v24, v41  }
0xdb: {  	v42 =	vadd.f32 v52, v48;
	v48 =	vadd.f32 $0.0e+00, v9;
	v24 =	vld [tilespmem:s28+$0x6480]  }
0xdc: {  	v34 =	vadd.f32 v53, v54;
	v0 =	vadd.f32 v57, v0;
	v57 =	vld [tilespmem:s28+$0x2470]  }
0xdd: {  	v63 =	vadd.f32 v31, v30;
	v30 =	vadd.f32 $0.0e+00, v7;
	v7 =	vld [tilespmem:s28+$0x6490]  }
0xde: {  	v6 =	vmul.f32 v2, v2;
	v49 =	vsub.f32 v14, v58;
	v4 =	vsub.f32 v14, v21;
	v14 =	vld [tilespmem:s28+$0x4470]  }
0xdf: {  	v46 =	vmul.f32 v46, v46;
	v50 =	vsub.f32 v36, v3;
	v52 =	vsub.f32 v8, v16;
	v16 =	vld [tilespmem:s28+$0x4A0]  }
0xe0: {  	v51 =	vsub.f32 v36, v5;
	v60 =	vmul.f32 v49, v49;
	v49 =	vmul.f32 v49, v18;
	[tilespmem:$0x1FEF0] =	vst v0;
	v0 =	vld [tilespmem:s28+$0x2460]  }
0xe1: {  	v41 =	vadd.f32 v1, v28;
	v10 =	vmul.f32 v4, v4;
	v47 =	vmul.f32 v4, v18;
	v18 =	vld [tilespmem:s28+$0x4480]  }
0xe2: {  	v36 =	vmul.f32 v51, v51;
	v46 =	vadd.f32 v60, v46;
	v60 =	vsub.f32 v61, v24;
	v24 =	vld [tilespmem:s28+$0x24A0]  }
0xe3: {  	v48 =	vadd.f32 v49, v48;
	v49 =	vld [tilespmem:s28+$0x64D0];
	v28 =	vadd.f32 v10, v6  }
0xe4: {  	v21 =	vmul.f32 v50, v50;
	v30 =	vadd.f32 v47, v30;
	v6 =	vld [tilespmem:s28+$0x4490];
	v46 =	vadd.f32 v36, v46  }
0xe5: {  	[tilespmem:$0x1FF00] =	vst v63;
	v10 =	vmul.f32 v52, v52;
	v53 =	vsub.f32 v40, v7;
	v47 =	vld [tilespmem:s28+$0x64A0];
	v63 =	vsub.f32 v8, v14  }
0xe6: {  	v7 =	vld [tilespmem:s28+$0x4B0];
	v28 =	vadd.f32 v21, v28;
	v43 =	vmul.f32 v50, v0;
	v51 =	vmul.f32 v51, v0  }
0xe7: {  	v0 =	vmul.f32 v0, v0;
	v36 =	vadd.f32 v10, v46;
	v46 =	vmul.f32 v53, v53;
	v10 =	vld [tilespmem:s28+$0x64B0]  }
0xe8: {  	v8 =	vmul.f32 v63, v63;
	v14 =	vmul.f32 v63, v57;
	v55 =	vsub.f32 v61, v18;
	v18 =	vld [tilespmem:s28+$0x44A0]  }
0xe9: {  	v63 =	vmul.f32 v60, v60;
	v30 =	vadd.f32 v43, v30;
	v48 =	vadd.f32 v51, v48;
	v51 =	vld [tilespmem:s28+$0x2480]  }
0xea: {  	v52 =	vmul.f32 v52, v57;
	v9 =	vadd.f32 v0, v34;
	v34 =	vld [tilespmem:s28+$0x2490];
	v45 =	vadd.f32 v8, v28  }
0xeb: {  	v57 =	vmul.f32 v57, v57;
	v58 =	vsub.f32 v40, v6;
	v1 =	vadd.f32 v46, v63;
	v40 =	vld [tilespmem:s28+$0x4D0]  }
0xec: {  	v21 =	vmul.f32 v55, v55;
	v2 =	vsub.f32 v16, v47;
	v63 =	vld [tilespmem:s28+$0x24E0];
	v43 =	vadd.f32 v14, v30  }
0xed: {  	v52 =	vadd.f32 v52, v48;
	v3 =	vadd.f32 v57, v9;
	v9 =	vld [tilespmem:s28+$0x44B0];
	v44 =	vmul.f32 v58, v58  }
0xee: {  	v14 =	vld [tilespmem:s28+$0x24B0];
	v31 =	vmul.f32 v2, v2;
	v54 =	vsub.f32 v16, v18;
	v6 =	vmul.f32 v55, v51  }
0xef: {  	[tilespmem:$0x1FF10] =	vst v52;
	v18 =	vld [tilespmem:s28+$0x4C0];
	v52 =	vsub.f32 v7, v10;
	v8 =	vmul.f32 v60, v51;
	v51 =	vmul.f32 v51, v51  }
0xf0: {  	v28 =	vadd.f32 v44, v21;
	v58 =	vmul.f32 v58, v34;
	v56 =	vmul.f32 v34, v34;
	v21 =	vld [tilespmem:s28+$0x44C0]  }
0xf1: {  	v53 =	vmul.f32 v53, v34;
	v34 =	vld [tilespmem:s28+$0x64C0];
	v1 =	vadd.f32 v31, v1;
	v48 =	vmul.f32 v52, v52  }
0xf2: {  	[tilespmem:$0x1FF20] =	vst v3;
	v44 =	vld [tilespmem:s28+$0x44D0];
	v3 =	vadd.f32 $0.0e+00, v6;
	v51 =	vadd.f32 v56, v51  }
0xf3: {  	v0 =	vmul.f32 v24, v24;
	v55 =	vsub.f32 v7, v9;
	v7 =	vadd.f32 v48, v1;
	v1 =	vld [tilespmem:s28+$0x24D0]  }
0xf4: {  	v30 =	vadd.f32 $0.0e+00, v8;
	v3 =	vadd.f32 v58, v3;
	v58 =	vld [tilespmem:s28+$0x4E0]  }
0xf5: {  	v50 =	vadd.f32 v0, v51;
	v51 =	vld [tilespmem:s28+$0x44F0]  }
0xf6: {  	v16 =	vmul.f32 v54, v54;
	v30 =	vadd.f32 v53, v30;
	v53 =	vld [tilespmem:s28+$0x64F0]  }
0xf7: {  	v2 =	vmul.f32 v2, v24;
	v9 =	vsub.f32 v18, v21;
	v56 =	vsub.f32 v18, v34;
	v18 =	vld [tilespmem:s28+$0x44E0]  }
0xf8: {  	v28 =	vadd.f32 v16, v28;
	v47 =	vmul.f32 v55, v55;
	v34 =	vld [tilespmem:s28+$0x64E0]  }
0xf9: {  	v2 =	vadd.f32 v2, v30;
	v30 =	vld [tilespmem:s28+$0x24C0]  }
0xfa: {  	v54 =	vmul.f32 v54, v24;
	v27 =	vadd.f32 v47, v28;
	v47 =	vld [tilespmem:s28+$0x4F0]  }
0xfb: {  	v52 =	vmul.f32 v52, v14;
	v61 =	vsub.f32 v40, v44;
	v28 =	vld [tilespmem:s28+$0x24F0]  }
0xfc: {  	v10 =	vmul.f32 v55, v14;
	v46 =	vadd.f32 v54, v3;
	v54 =	vld [tilespmem:$0x1FDC0];
	v16 =	vmul.f32 v9, v9  }
0xfd: {  	v24 =	vmul.f32 v61, v61;
	v44 =	vadd.f32 v52, v2;
	v52 =	vmul.f32 v61, v1;
	v61 =	vld [tilespmem:s28+$0x500]  }
0xfe: {  	v14 =	vmul.f32 v14, v14;
	v31 =	vadd.f32 v10, v46;
	v10 =	vld [tilespmem:$0x1FDD0]  }
0xff: {  	v3 =	vsub.f32 v40, v49;
	v48 =	vadd.f32 v24, v16;
	v24 =	vld [tilespmem:s28+$0x4500]  }
0x100: {  	[tilespmem:$0x1FF30] =	vst v7;
	v8 =	vadd.f32 v14, v50;
	v7 =	vsub.f32 v58, v34;
	v34 =	vld [tilespmem:s28+$0x6500]  }
0x101: {  	v40 =	vmul.f32 v56, v56;
	v6 =	vsub.f32 v58, v18;
	v18 =	vld [tilespmem:s28+$0x510];
	v21 =	vmul.f32 v9, v30  }
0x102: {  	v46 =	vmul.f32 v3, v3;
	v50 =	vmul.f32 v56, v30;
	v4 =	vsub.f32 v47, v53;
	v53 =	vld [tilespmem:s28+$0x6510]  }
0x103: {  	v3 =	vmul.f32 v3, v1;
	v9 =	vld [tilespmem:s28+$0x2510];
	v49 =	vadd.f32 $0.0e+00, v21;
	v21 =	vmul.f32 v6, v6  }
0x104: {  	v1 =	vmul.f32 v1, v1;
	v30 =	vmul.f32 v30, v30;
	v5 =	vadd.f32 $0.0e+00, v50;
	v50 =	vld [tilespmem:$0x1FDB0]  }
0x105: {  	[tilespmem:$0x1FF40] =	vst v8;
	v8 =	vadd.f32 v21, v48;
	v48 =	vld [tilespmem:$0x1FDA0]  }
0x106: {  	v0 =	vadd.f32 v46, v40;
	v1 =	vadd.f32 v1, v30;
	v30 =	vld [tilespmem:s28+$0x520]  }
0x107: {  	v40 =	vsub.f32 v47, v51;
	v6 =	vmul.f32 v6, v63;
	v14 =	vadd.f32 v52, v49;
	v49 =	vld [tilespmem:s28+$0x4510]  }
0x108: {  	v21 =	vld [tilespmem:$0x1FDF0]  }
0x109: {  	v52 =	vmul.f32 v40, v40;
	v6 =	vadd.f32 v6, v14;
	v14 =	vld [tilespmem:$0x1FDE0]  }
0x10a: {  	v16 =	vmul.f32 v7, v7;
	v3 =	vadd.f32 v3, v5;
	v5 =	vsub.f32 v61, v34;
	v34 =	vld [tilespmem:$0x1FE00];
	(xrf2) =	vadd.scan.msk.f32 $0xffff, v48  }
0x10b: {  	v47 =	vadd.f32 v52, v8;
	v52 =	vld [tilespmem:$0x1FE20];
	(xrf2) =	vadd.scan.msk.f32 $0xffff, v50  }
0x10c: {  	v51 =	vmul.f32 v63, v63;
	v0 =	vadd.f32 v16, v0;
	v16 =	vsub.f32 v61, v24;
	v48 =	vld [tilespmem:$0x1FE10];
	(xrf2) =	vadd.scan.msk.f32 $0xffff, v54  }
0x10d: {  	v24 =	vmul.f32 v40, v28;
	v2 =	vsub.f32 v18, v53;
	v40 =	vsub.f32 v18, v49;
	v18 =	vld [tilespmem:$0x1FE30];
	(xrf2) =	vadd.scan.msk.f32 $0xffff, v10  }
0x10e: {  	v10 =	vadd.f32 v51, v1;
	v51 =	vld [tilespmem:s28+$0x4520];
	(xrf2) =	vadd.scan.msk.f32 $0xffff, v14  }
0x10f: {  	v7 =	vmul.f32 v7, v63;
	v63 =	vld [tilespmem:s28+$0x2500];
	(xrf2) =	vadd.scan.msk.f32 $0xffff, v21  }
0x110: {  	v57 =	vld [tilespmem:s28+$0x2520];
	v55 =	vmul.f32 v4, v4;
	(xrf2) =	vadd.scan.msk.f32 $0xffff, v34  }
0x111: {  	v60 =	vld [tilespmem:s28+$0x4530];
	v4 =	vmul.f32 v4, v28;
	v28 =	vmul.f32 v28, v28;
	(xrf2) =	vadd.scan.msk.f32 $0xffff, v48  }
0x112: {  	v56 =	vld [tilespmem:$0x1FE50];
	v0 =	vadd.f32 v55, v0;
	v7 =	vadd.f32 v7, v3;
	v53 =	vmul.f32 v40, v40;
	(xrf2) =	vadd.scan.msk.f32 $0xffff, v52  }
0x113: {  	v34 =	vadd.f32 v24, v6;
	v24 =	vmul.f32 v40, v9;
	v40 =	vsub.f32 v30, v51;
	v51 =	vld [tilespmem:$0x1FE40];
	(xrf2) =	vadd.scan.msk.f32 $0xffff, v18  }
0x114: {  	v61 =	vld [tilespmem:s28+$0x550];
	[tilespmem:$0x1FF50] =	vst v0;
	v0 =	vmul.f32 v16, v63;
	v21 =	vadd.f32 v28, v10;
	(xrf2) =	vadd.scan.msk.f32 $0xffff, v11  }
0x115: {  	v55 =	vld [tilespmem:s28+$0x6520];
	v8, _, _ =	vpop (xrf2);
	(xrf2) =	vadd.scan.msk.f32 $0xffff, v15  }
0x116: {  	v46 =	vadd.f32 v4, v7;
	v4 =	vld [tilespmem:s28+$0x560];
	v0 =	vadd.f32 $0.0e+00, v0;
	v28, _, _ =	vpop (xrf2);
	(xrf2) =	vadd.scan.msk.f32 $0xffff, v12  }
0x117: {  	v49 =	vmul.f32 v16, v16;
	v50 =	vmul.f32 v5, v5;
	v14 =	vld [tilespmem:s28+$0x6530];
	v16, _, _ =	vpop (xrf2);
	(xrf2) =	vadd.scan.msk.f32 $0xffff, v13  }
0x118: {  	v5 =	vmul.f32 v5, v63;
	[tilespmem:$0x1FF60] =	vst v21;
	v52 =	vadd.f32 v24, v0;
	v24 =	vld [tilespmem:$0x1FE60];
	v21, _, _ =	vpop (xrf2);
	(xrf2) =	vadd.scan.msk.f32 $0xffff, v51  }
0x119: {  	v54 =	vmul.f32 v2, v2;
	v10 =	vld [tilespmem:s28+$0x530];
	v18, _, _ =	vpop (xrf2);
	(xrf2) =	vadd.scan.msk.f32 $0xffff, v20  }
0x11a: {  	v3 =	vsub.f32 v30, v55;
	v2 =	vmul.f32 v2, v9;
	v5 =	vadd.f32 $0.0e+00, v5;
	v30 =	vld [tilespmem:$0x1FE70];
	v20, _, _ =	vpop (xrf2);
	(xrf2) =	vadd.scan.msk.f32 $0xffff, v19  }
0x11b: {  	v6 =	vadd.f32 v54, v50;
	v50 =	vmul.f32 v63, v63;
	v9 =	vmul.f32 v9, v9;
	v63 =	vld [tilespmem:s28+$0x540];
	v58, _, _ =	vpop (xrf2);
	(xrf2) =	vadd.scan.msk.f32 $0xffff, v56  }
0x11c: {  	v7 =	vadd.f32 v53, v49;
	v2 =	vadd.f32 v2, v5;
	v0 =	vld [tilespmem:s28+$0x6540];
	v55 =	vmul.f32 v40, v57;
	v48, _, _ =	vpop (xrf2);
	(xrf2) =	vadd.scan.msk.f32 $0xffff, v17  }
0x11d: {  	v54 =	vmul.f32 v3, v3;
	v9 =	vadd.f32 v9, v50;
	v53 =	vmul.f32 v40, v40;
	v40 =	vld [tilespmem:s28+$0x4550];
	v17, _, _ =	vpop (xrf2);
	(xrf2) =	vadd.scan.msk.f32 $0xffff, v24  }
0x11e: {  	v3 =	vmul.f32 v3, v57;
	v60 =	vsub.f32 v10, v60;
	v19 =	vadd.f32 v55, v52;
	v55 =	vld [tilespmem:s28+$0x6550];
	(xrf2) =	vadd.scan.msk.f32 $0xffff, v25  }
0x11f: {  	v6 =	vadd.f32 v54, v6;
	v11 =	vld [tilespmem:s28+$0x2530];
	v10 =	vsub.f32 v10, v14;
	v13 =	vmul.f32 v57, v57;
	v14, _, _ =	vpop (xrf2);
	(xrf2) =	vadd.scan.msk.f32 $0xffff, v30  }
0x120: {  	v49 =	vadd.f32 v3, v2;
	v12 =	vld [tilespmem:s28+$0x4540];
	v7 =	vadd.f32 v53, v7;
	v54 =	vmul.f32 v60, v60;
	v25, _, _ =	vpop (xrf2);
	(xrf2) =	vadd.scan.msk.f32 $0xffff, v23  }
0x121: {  	v28 =	vbroadcast v28, $0xF;
	v5 =	vsub.f32 v63, v0;
	v15 =	vadd.f32 v13, v9;
	v30, _, _ =	vpop (xrf2);
	(xrf2) =	vadd.scan.msk.f32 $0xffff, v22;
	v22 =	vld [tilespmem:$0x1FE80]  }
0x122: {  	v13 =	vbroadcast v8, $0xF;
	v9 =	vld [tilespmem:s28+$0x6560];
	v50 =	vbroadcast v58, $0xF;
	v24 =	vadd.f32 v54, v7  }
0x123: {  	v2 =	vld [tilespmem:s28+$0x2540];
	v7 =	vsub.f32 v61, v40;
	v40 =	vmul.f32 v10, v10;
	v8 =	vsub.f32 v61, v55  }
0x124: {  	v53 =	vld [tilespmem:s28+$0x4560];
	v58 =	vmul.f32 v60, v11;
	v50 =	vsel vm0, v28, v50  }
0x125: {  	v28 =	vld [tilespmem:$0x1FE90];
	v60 =	vadd.f32 v40, v6;
	v40 =	vmul.f32 v5, v5;
	v23, _, _ =	vpop (xrf2);
	v55 =	vmul.f32 v8, v8  }
0x126: {  	v12 =	vsub.f32 v63, v12;
	v10 =	vmul.f32 v10, v11;
	v61 =	vadd.f32 v58, v19;
	v19 =	vld [tilespmem:s28+$0x2550];
	v63, _, _ =	vpop (xrf2);
	(xrf2) =	vadd.scan.msk.f32 $0xffff, v22  }
0x127: {  	v51 =	vmul.f32 v11, v11;
	v9 =	vsub.f32 v4, v9;
	v11 =	vadd.f32 v55, v40;
	v55 =	vld [tilespmem:$0x1FEA0];
	(xrf2) =	vadd.scan.msk.f32 $0xffff, v59  }
0x128: {  	v6 =	vmul.f32 v12, v12;
	v54 =	vmul.f32 v7, v7;
	v57, _, _ =	vpop (xrf2);
	(xrf2) =	vadd.scan.msk.f32 $0xffff, v62;
	v62 =	vadd.f32 v10, v49  }
0x129: {  	v52, _, _ =	vpop (xrf2);
	v49 =	vmul.f32 v12, v2;
	v12 =	vsub.f32 v4, v53;
	v4 =	vbroadcast v48, $0xF;
	v48 =	vld [tilespmem:$0x1FEB0]  }
0x12a: {  	v58, _, _ =	vpop (xrf2);
	(xrf2) =	vadd.scan.msk.f32 $0xffff, v28  }
0x12b: {  	v20 =	vbroadcast v20, $0xF;
	(xrf2) =	vadd.scan.msk.f32 $0xffff, v26  }
0x12c: {  	v7 =	vmul.f32 v7, v19;
	v40, _, _ =	vpop (xrf2);
	v59 =	vadd.f32 v51, v15;
	v15 =	vld [tilespmem:s28+$0x570];
	v56 =	vadd.f32 $0.0e+00, v49;
	(xrf2) =	vadd.scan.msk.f32 $0xffff, v55  }
0x12d: {  	v6 =	vadd.f32 v54, v6;
	v22 =	vsel vm0, v13, v20;
	v13 =	vbroadcast v16, $0xF;
	v54, _, _ =	vpop (xrf2);
	(xrf2) =	vadd.scan.msk.f32 $0xffff, v35;
	v35 =	vld [tilespmem:s28+$0x4570]  }
0x12e: {  	v53, _, _ =	vpop (xrf2);
	v7 =	vadd.f32 v7, v56;
	v56 =	vld [tilespmem:$0x1FEC0];
	(xrf2) =	vadd.scan.msk.f32 $0xffff, v48  }
0x12f: {  	[tilespmem:$0x1FF80] =	vst v40;
	v40, _, _ =	vpop (xrf2);
	(xrf2) =	vadd.scan.msk.f32 $0xffff, v32;
	v32 =	vsel vm0, v13, v4;
	v13 =	vld [tilespmem:$0x1FED0];
	_ =	sdelay $0x2  }
0x130: {  	v1 =	vld [tilespmem:s28+$0x580];
	v5 =	vmul.f32 v5, v2;
	[tilespmem:$0x1FF70] =	vst v52;
	v49, _, _ =	vpop (xrf2)  }
0x131: {  	v8 =	vmul.f32 v8, v19;
	v19 =	vmul.f32 v19, v19;
	[tilespmem:$0x1FF90] =	vst v54;
	v51 =	vld [tilespmem:s28+$0x6570];
	v52, _, _ =	vpop (xrf2);
	(xrf2) =	vadd.scan.msk.f32 $0xffff, v56  }
0x132: {  	v54 =	vmul.f32 v12, v12;
	[tilespmem:$0x1FFB0] =	vst v49;
	v49 =	vld [tilespmem:$0x1FEE0];
	v10, _, _ =	vpop (xrf2);
	(xrf2) =	vadd.scan.msk.f32 $0xffff, v13;
	v13 =	vsub.f32 v15, v35  }
0x133: {  	v3 =	vld [tilespmem:s28+$0x2560];
	v5 =	vadd.f32 $0.0e+00, v5;
	v26 =	vmul.f32 v2, v2;
	v55 =	vmul.f32 v9, v9  }
0x134: {  	v20 =	vld [tilespmem:s28+$0x2570];
	v28 =	vadd.f32 v54, v6;
	(xrf2) =	vadd.scan.msk.f32 $0xffff, v29;
	v48 =	vmul.f32 v13, v13  }
0x135: {  	v5 =	vadd.f32 v8, v5;
	[tilespmem:$0x1FFA0] =	vst v40;
	v8 =	vadd.f32 v19, v26;
	v40, _, _ =	vpop (xrf2);
	v29 =	vld [tilespmem:s28+$0x590];
	(xrf2) =	vadd.scan.msk.f32 $0xffff, v39  }
0x136: {  	v17 =	vbroadcast v17, $0xF;
	v35, _, _ =	vpop (xrf2);
	v39 =	vsub.f32 v15, v51;
	(xrf2) =	vadd.scan.msk.f32 $0xffff, v37;
	v37 =	vadd.f32 v48, v28;
	v48 =	vld [tilespmem:$0x1FEF0]  }
0x137: {  	v26 =	vbroadcast v21, $0xF;
	[tilespmem:$0x1FFC0] =	vst v52;
	v4 =	vadd.f32 v55, v11;
	v55, _, _ =	vpop (xrf2);
	(xrf2) =	vadd.scan.msk.f32 $0xffff, v49;
	v49 =	vld [tilespmem:$0x1FF00]  }
0x138: {  	v12 =	vmul.f32 v12, v3;
	[tilespmem:$0x1FFE0] =	vst v35;
	v35 =	vld [tilespmem:s28+$0x4590];
	v56, _, _ =	vpop (xrf2);
	v52 =	vmul.f32 v39, v39  }
0x139: {  	v9 =	vmul.f32 v9, v3;
	v19 =	vld [tilespmem:s28+$0x4580];
	v51 =	vbroadcast v14, $0xF;
	v54, _, _ =	vpop (xrf2);
	(xrf2) =	vadd.scan.msk.f32 $0xffff, v38  }
0x13a: {  	v18 =	vbroadcast v18, $0xF;
	v3 =	vmul.f32 v3, v3;
	v21 =	vld [tilespmem:s28+$0x6580];
	(xrf2) =	vadd.scan.msk.f32 $0xffff, v33  }
0x13b: {  	v2 =	vadd.f32 v9, v5;
	v7 =	vadd.f32 v12, v7;
	v12 =	vld [tilespmem:s28+$0x6590];
	v14 =	vsel vm0, v26, v17;
	v26, _, _ =	vpop (xrf2);
	(xrf2) =	vadd.scan.msk.f32 $0xffff, v48  }
0x13c: {  	v6 =	vadd.f32 v3, v8;
	v8 =	vld [tilespmem:s28+$0x2580];
	v3 =	vmul.f32 v39, v20;
	v38 =	vadd.f32 v52, v4;
	v52, _, _ =	vpop (xrf2);
	(xrf2) =	vadd.scan.msk.f32 $0xffff, v49  }
0x13d: {  	v15 =	vsel vm0, v18, v51;
	v28 =	vsub.f32 v29, v35;
	v35 =	vld [tilespmem:s28+$0x5A0];
	v51, _, _ =	vpop (xrf2);
	(xrf2) =	vadd.scan.msk.f32 $0xffff, v41  }
0x13e: {  	v49, _, _ =	vpop (xrf2);
	(xrf2) =	vadd.scan.msk.f32 $0xffff, v42;
	v42 =	vadd.f32 v3, v2;
	v3 =	vld [tilespmem:s28+$0x65A0]  }
0x13f: {  	v0 =	vsub.f32 v1, v19;
	v4 =	vld [tilespmem:s28+$0x2590]  }
0x140: {  	v9 =	vmul.f32 v20, v20;
	v12 =	vsub.f32 v29, v12;
	v29 =	vld [tilespmem:s28+$0x45A0];
	v48, _, _ =	vpop (xrf2);
	(xrf2) =	vadd.scan.msk.f32 $0xffff, v45  }
0x141: {  	[tilespmem:$0x1FFD0] =	vst v10;
	v1 =	vsub.f32 v1, v21;
	v10 =	vmul.f32 v0, v0;
	v33, _, _ =	vpop (xrf2);
	(xrf2) =	vadd.scan.msk.f32 $0xffff, v36;
	v36 =	vld [tilespmem:$0x1FF10]  }
0x142: {  	v13 =	vmul.f32 v13, v20;
	v11 =	vmul.f32 v28, v28;
	v20, _, _ =	vpop (xrf2);
	(xrf2) =	vadd.scan.msk.f32 $0xffff, v43;
	v43 =	vld [tilespmem:$0x1FF20]  }
0x143: {  	v16 =	vld [tilespmem:$0x1FF30];
	v18 =	vmul.f32 v12, v12;
	v2 =	vmul.f32 v1, v1;
	v3 =	vsub.f32 v35, v3  }
0x144: {  	v0 =	vmul.f32 v0, v8;
	v39 =	vld [tilespmem:s28+$0x25A0];
	v28 =	vmul.f32 v28, v4;
	v45 =	vadd.f32 v9, v6  }
0x145: {  	v9 =	vadd.f32 v11, v10;
	v10 =	vadd.f32 v18, v2;
	v21, _, _ =	vpop (xrf2);
	v17 =	vmul.f32 v3, v3  }
0x146: {  	v5 =	vld [tilespmem:s28+$0x45B0];
	v1 =	vmul.f32 v1, v8;
	v2 =	vadd.f32 $0.0e+00, v0;
	v0 =	vsub.f32 v35, v29;
	v29, _, _ =	vpop (xrf2);
	(xrf2) =	vadd.scan.msk.f32 $0xffff, v36  }
0x147: {  	v19, _, _ =	vpop (xrf2);
	(xrf2) =	vadd.scan.msk.f32 $0xffff, v43;
	v10 =	vadd.f32 v17, v10;
	v17 =	vld [tilespmem:$0x1FF40]  }
0x148: {  	v41 =	vadd.f32 v13, v7;
	v7 =	vld [tilespmem:s28+$0x5B0];
	v12 =	vmul.f32 v12, v4;
	v1 =	vadd.f32 $0.0e+00, v1;
	v36, _, _ =	vpop (xrf2);
	(xrf2) =	vadd.scan.msk.f32 $0xffff, v27  }
0x149: {  	v13 =	vld [tilespmem:s28+$0x65B0];
	v11 =	vmul.f32 v0, v0;
	v2 =	vadd.f32 v28, v2;
	v0 =	vmul.f32 v0, v39;
	v27, _, _ =	vpop (xrf2);
	(xrf2) =	vadd.scan.msk.f32 $0xffff, v16  }
0x14a: {  	v18 =	vbroadcast v25, $0xF;
	v25 =	vld [tilespmem:s28+$0x25B0];
	v6 =	vadd.f32 v12, v1;
	v35 =	vbroadcast v30, $0xF;
	v28, _, _ =	vpop (xrf2);
	(xrf2) =	vadd.scan.msk.f32 $0xffff, v31  }
0x14b: {  	v12 =	vld [tilespmem:s28+$0x45C0];
	v9 =	vadd.f32 v11, v9;
	v11 =	vadd.f32 v0, v2;
	v0 =	vbroadcast v23, $0xF;
	v30, _, _ =	vpop (xrf2);
	(xrf2) =	vadd.scan.msk.f32 $0xffff, v44  }
0x14c: {  	v18 =	vsel vm1, v22, v18;
	v22 =	vld [tilespmem:s28+$0x65C0];
	v31, _, _ =	vpop (xrf2);
	(xrf2) =	vadd.scan.msk.f32 $0xffff, v17  }
0x14d: {  	(xrf2) =	vadd.scan.msk.f32 $0xffff, v47;
	v47 =	vsel vm1, v32, v0;
	v32 =	vld [tilespmem:$0x1FF50]  }
0x14e: {  	v5 =	vsub.f32 v7, v5;
	v1 =	vld [tilespmem:s28+$0x5D0]  }
0x14f: {  	v4 =	vmul.f32 v4, v4;
	v8 =	vmul.f32 v8, v8;
	v2 =	vld [tilespmem:s28+$0x65D0]  }
0x150: {  	v40 =	vbroadcast v40, $0xF;
	v23 =	vmul.f32 v5, v5;
	v43 =	vld [tilespmem:s28+$0x5C0]  }
0x151: {  	v4 =	vadd.f32 v4, v8;
	v3 =	vmul.f32 v3, v39;
	v16 =	vmul.f32 v39, v39;
	v39 =	vld [tilespmem:s28+$0x45D0];
	v44, _, _ =	vpop (xrf2)  }
0x152: {  	v20 =	vbroadcast v20, $0xF;
	v21 =	vbroadcast v21, $0xF;
	v9 =	vadd.f32 v23, v9;
	v23 =	vld [tilespmem:s28+$0x25C0];
	v17, _, _ =	vpop (xrf2);
	(xrf2) =	vadd.scan.msk.f32 $0xffff, v32  }
0x153: {  	v19 =	vbroadcast v19, $0xF;
	v50 =	vsel vm1, v50, v35;
	v35 =	vadd.f32 v3, v6;
	(xrf2) =	vadd.scan.msk.f32 $0xffff, v34;
	v34 =	vld [tilespmem:$0x1FF60]  }
0x154: {  	v5 =	vmul.f32 v5, v25;
	v4 =	vadd.f32 v16, v4;
	v0 =	vsub.f32 v7, v13  }
0x155: {  	v12 =	vsub.f32 v43, v12;
	v16, _, _ =	vpop (xrf2);
	v13 =	vsub.f32 v43, v22;
	v22 =	vbroadcast v63, $0xF;
	v43 =	vld [tilespmem:s28+$0x25D0]  }
0x156: {  	v3 =	vld [tilespmem:s28+$0x45E0];
	v39 =	vsub.f32 v1, v39;
	v17 =	vbroadcast v17, $0xF;
	v7 =	vmul.f32 v0, v0;
	v32, _, _ =	vpop (xrf2)  }
0x157: {  	v1 =	vsub.f32 v1, v2;
	v2 =	vmul.f32 v0, v25;
	v25 =	vmul.f32 v25, v25;
	v8, _, _ =	vpop (xrf2);
	(xrf2) =	vadd.scan.msk.f32 $0xffff, v46;
	v46 =	vld [tilespmem:s28+$0x5E0]  }
0x158: {  	v5 =	vadd.f32 v5, v11;
	v0 =	vmul.f32 v13, v13;
	v13 =	vmul.f32 v13, v23;
	v63, _, _ =	vpop (xrf2);
	(xrf2) =	vadd.scan.msk.f32 $0xffff, v34  }
0x159: {  	v11 =	vmul.f32 v39, v39;
	v22 =	vsel vm1, v14, v22;
	v10 =	vadd.f32 v7, v10;
	v6, _, _ =	vpop (xrf2);
	(xrf2) =	vadd.scan.msk.f32 $0xffff, v24  }
0x15a: {  	v4 =	vadd.f32 v25, v4;
	v25 =	vld [tilespmem:s28+$0x65E0];
	v13 =	vadd.f32 $0.0e+00, v13;
	v39 =	vmul.f32 v39, v43;
	v7, _, _ =	vpop (xrf2);
	(xrf2) =	vadd.scan.msk.f32 $0xffff, v60  }
0x15b: {  	v14 =	vld [tilespmem:s28+$0x5F0];
	v24 =	vmul.f32 v12, v12;
	v12 =	vmul.f32 v12, v23;
	(xrf2) =	vadd.scan.msk.f32 $0xffff, v61;
	v61 =	vadd.f32 v2, v35;
	v2, _, _ =	vpop (xrf2)  }
0x15c: {  	v34 =	vld [tilespmem:s28+$0x25E0];
	v23 =	vmul.f32 v23, v23;
	v3 =	vsub.f32 v46, v3;
	v60 =	vmul.f32 v1, v1;
	(xrf2) =	vadd.scan.msk.f32 $0xffff, v62;
	v35, _, _ =	vpop (xrf2)  }
0x15d: {  	v11 =	vadd.f32 v11, v24;
	v24 =	vbroadcast v57, $0xF;
	v12 =	vadd.f32 $0.0e+00, v12;
	(xrf2) =	vadd.scan.msk.f32 $0xffff, v59;
	v57, _, _ =	vpop (xrf2);
	v59 =	vld [tilespmem:s28+$0x45F0]  }
0x15e: {  	v1 =	vmul.f32 v1, v43;
	v43 =	vmul.f32 v43, v43;
	v0 =	vadd.f32 v60, v0;
	v60 =	vld [tilespmem:s28+$0x65F0];
	(xrf2) =	vadd.scan.msk.f32 $0xffff, v37;
	v37, _, _ =	vpop (xrf2)  }
0x15f: {  	v62 =	vadd.f32 v39, v12;
	v12 =	vsub.f32 v46, v25;
	v46 =	vmul.f32 v3, v3;
	(xrf2) =	vadd.scan.msk.f32 $0xffff, v38;
	v38, _, _ =	vpop (xrf2)  }
0x160: {  	v1 =	vadd.f32 v1, v13;
	v13 =	vadd.f32 v43, v23;
	v15 =	vsel vm1, v15, v24;
	(xrf2) =	vadd.scan.msk.f32 $0xffff, v41;
	v41, _, _ =	vpop (xrf2)  }
0x161: {  	v23 =	vld [tilespmem:s28+$0x25F0];
	v3 =	vmul.f32 v3, v34;
	v11 =	vadd.f32 v46, v11;
	v46 =	vmul.f32 v12, v34;
	(xrf2) =	vadd.scan.msk.f32 $0xffff, v42;
	v39, _, _ =	vpop (xrf2)  }
0x162: {  	(xrf2) =	vadd.scan.msk.f32 $0xffff, v45;
	v24 =	vsub.f32 v14, v59;
	v25, _, _ =	vpop (xrf2);
	v45 =	vmul.f32 v12, v12;
	v59 =	vmul.f32 v34, v34  }
0x163: {  	v16 =	vbroadcast v16, $0xF;
	v8 =	vbroadcast v8, $0xF;
	(xrf2) =	vadd.scan.msk.f32 $0xffff, v9;
	v9 =	vsub.f32 v14, v60;
	v42, _, _ =	vpop (xrf2)  }
0x164: {  	v3 =	vadd.f32 v3, v62;
	(xrf2) =	vadd.scan.msk.f32 $0xffff, v10;
	v12, _, _ =	vpop (xrf2);
	v60 =	vmul.f32 v24, v24;
	v10 =	vadd.f32 v59, v13;
	v59 =	vld [tilespmem:$0x1FF70]  }
0x165: {  	v1 =	vadd.f32 v46, v1;
	v0 =	vadd.f32 v45, v0;
	(xrf2) =	vadd.scan.msk.f32 $0xffff, v5;
	v46, _, _ =	vpop (xrf2);
	v62 =	vmul.f32 v9, v9  }
0x166: {  	v63 =	vbroadcast v63, $0xF;
	v43 =	vmul.f32 v24, v23;
	(xrf2) =	vadd.scan.msk.f32 $0xffff, v61;
	v34 =	vadd.f32 v60, v11;
	v45, _, _ =	vpop (xrf2)  }
0x167: {  	v6 =	vbroadcast v6, $0xF;
	v60 =	vmul.f32 v9, v23;
	(xrf2) =	vadd.scan.msk.f32 $0xffff, v4;
	v24, _, _ =	vpop (xrf2);
	v0 =	vadd.f32 v62, v0  }
0x168: {  	v3 =	vadd.f32 v43, v3;
	v62 =	vmul.f32 v23, v23;
	v23 =	vbroadcast v53, $0xF;
	v53 =	vld [tilespmem:$0x1FF90];
	v11, _, _ =	vpop (xrf2);
	(xrf2) =	vadd.scan.msk.f32 $0xffff, v34  }
0x169: {  	v61 =	vbroadcast v58, $0xF;
	v43 =	vld [tilespmem:$0x1FF80];
	v1 =	vadd.f32 v60, v1;
	v4 =	vbroadcast v59, $0xF;
	v14, _, _ =	vpop (xrf2);
	(xrf2) =	vadd.scan.msk.f32 $0xffff, v0  }
0x16a: {  	v7 =	vbroadcast v7, $0xF;
	v2 =	vbroadcast v2, $0xF;
	v34 =	vadd.f32 v62, v10;
	v10, _, _ =	vpop (xrf2);
	(xrf2) =	vadd.scan.msk.f32 $0xffff, v3  }
0x16b: {  	v5 =	vsel vm2, v50, v61;
	v50 =	vbroadcast v26, $0xF;
	v0 =	vsel vm2, v15, v23;
	v13, _, _ =	vpop (xrf2);
	(xrf2) =	vadd.scan.msk.f32 $0xffff, v1  }
0x16c: {  	v58 =	vbroadcast v33, $0xF;
	v60 =	vbroadcast v36, $0xF;
	v0 =	vsel vm3, v0, v40;
	v59, _, _ =	vpop (xrf2);
	(xrf2) =	vadd.scan.msk.f32 $0xffff, v34  }
0x16d: {  	v18 =	vsel vm2, v18, v4;
	v0 =	vsel vm4, v0, v50;
	v15 =	vbroadcast v53, $0xF;
	v4, _, _ =	vpop (xrf2)  }
0x16e: {  	v61 =	vbroadcast v44, $0xF;
	v1 =	vbroadcast v43, $0xF;
	v0 =	vsel vm5, v0, v58;
	v9, _, _ =	vpop (xrf2)  }
0x16f: {  	v25 =	vbroadcast v25, $0xF;
	v62 =	vld [tilespmem:$0x1FFA0];
	v0 =	vsel vm6, v0, v60;
	v15 =	vsel vm2, v22, v15;
	v22, _, _ =	vpop (xrf2)  }
0x170: {  	v1 =	vsel vm2, v47, v1;
	v47 =	vbroadcast v57, $0xF;
	v0 =	vsel vm7, v0, v61;
	v34, _, _ =	vpop (xrf2)  }
0x171: {  	v37 =	vbroadcast v37, $0xF;
	v38 =	vbroadcast v38, $0xF;
	v57 =	vld [tilespmem:$0x1FFC0];
	v0 =	vsel vm8, v0, v63;
	v50, _, _ =	vpop (xrf2)  }
0x172: {  	v41 =	vbroadcast v41, $0xF;
	v53 =	vbroadcast v24, $0xF;
	v60 =	vld [tilespmem:$0x1FFE0];
	v0 =	vsel vm9, v0, v47;
	v26, _, _ =	vpop (xrf2)  }
0x173: {  	v46 =	vbroadcast v46, $0xF;
	v23 =	vbroadcast v59, $0xF;
	v0 =	vsel vm10, v0, v25;
	v24, _, _ =	vpop (xrf2)  }
0x174: {  	v44 =	vld [tilespmem:$0x1FFB0];
	v33 =	vbroadcast v62, $0xF;
	v0 =	vsel vm11, v0, v53;
	v59 =	vbroadcast v50, $0xF;
	v25, _, _ =	vpop (xrf2)  }
0x175: {  	v43 =	vbroadcast v39, $0xF;
	v10 =	vbroadcast v10, $0xF;
	v0 =	vsel vm12, v0, v23;
	v40, _, _ =	vpop (xrf2)  }
0x176: {  	v18 =	vsel vm3, v18, v33;
	v33 =	vbroadcast v57, $0xF;
	v0 =	vsel vm13, v0, v59;
	v62, _, _ =	vpop (xrf2)  }
0x177: {  	v58 =	vld [tilespmem:$0x1FFD0];
	v13 =	vbroadcast v13, $0xF;
	v23 =	vbroadcast v60, $0xF;
	v0 =	vsel vm14, v0, v62  }
0x178: {  	v1 =	vsel vm3, v1, v33;
	v47 =	vshra.s32 v0, $0x1;
	v33 =	vmul.f32 $5.000000000e-01, v0  }
0x179: {  	v36 =	vbroadcast v44, $0xF;
	v18 =	vsel vm4, v18, v23;
	v23 =	vsub.s32 $0x5F3759DF, v47  }
0x17a: {  	v61 =	vbroadcast v55, $0xF;
	v55 =	vmul.f32 v23, v33  }
0x17b: {  	v4 =	vbroadcast v4, $0xF;
	v63 =	vbroadcast v56, $0xF  }
0x17c: {  	v5 =	vsel vm3, v5, v36;
	v36 =	vbroadcast v58, $0xF;
	v58 =	vmul.f32 v23, v55  }
0x17d: {  	v56 =	vbroadcast v49, $0xF;
	v49 =	vbroadcast v45, $0xF  }
0x17e: {  	v50 =	vbroadcast v54, $0xF;
	v53 =	vbroadcast v52, $0xF;
	v60 =	vsub.f32 $1.500000000e+00, v58  }
0x17f: {  	v54 =	vbroadcast v51, $0xF;
	v57 =	vbroadcast v48, $0xF  }
0x180: {  	v5 =	vsel vm4, v5, v61;
	v48 =	vbroadcast v42, $0xF;
	v61 =	vmul.f32 v23, v60  }
0x181: {  	v51 =	vbroadcast v34, $0xF;
	v52 =	vbroadcast v12, $0xF  }
0x182: {  	v15 =	vsel vm3, v15, v36;
	v36 =	vbroadcast v35, $0xF;
	v23 =	vmul.f32 v61, v33  }
0x183: {  	v15 =	vsel vm4, v15, v50;
	v59 =	vbroadcast v29, $0xF;
	v50 =	vbroadcast v22, $0xF  }
0x184: {  	v3 =	vsel vm5, v5, v54;
	v54 =	vbroadcast v14, $0xF;
	v29 =	vmul.f32 v23, v61  }
0x185: {  	v1 =	vsel vm4, v1, v63;
	v5 =	vsel vm5, v15, v57;
	v3 =	vsel vm6, v3, v21  }
0x186: {  	v63 =	vbroadcast v28, $0xF;
	v28 =	vbroadcast v31, $0xF;
	v31 =	vsub.f32 $1.500000000e+00, v29  }
0x187: {  	v18 =	vsel vm5, v18, v53;
	v62 =	vbroadcast v27, $0xF;
	v27 =	vbroadcast v30, $0xF  }
0x188: {  	v1 =	vsel vm5, v1, v56;
	v30 =	vbroadcast v32, $0xF;
	v32 =	vmul.f32 v31, v61  }
0x189: {  	v5 =	vsel vm6, v5, v19;
	v53 =	vbroadcast v11, $0xF;
	v18 =	vsel vm6, v18, v20  }
0x18a: {  	v1 =	vsel vm6, v1, v59;
	v3 =	vsel vm7, v3, v63;
	v44 =	vmul.f32 v32, v33  }
0x18b: {  	v5 =	vsel vm7, v5, v28;
	v3 =	vsel vm8, v3, v16;
	v1 =	vsel vm7, v1, v27  }
0x18c: {  	v5 =	vsel vm8, v5, v8;
	v1 =	vsel vm8, v1, v30;
	v47 =	vmul.f32 v44, v32  }
0x18d: {  	v18 =	vsel vm7, v18, v62;
	v3 =	vsel vm9, v3, v7;
	v1 =	vsel vm9, v1, v2  }
0x18e: {  	v5 =	vsel vm9, v5, v36;
	v1 =	vsel vm10, v1, v41;
	v7 =	vsub.f32 $1.500000000e+00, v47  }
0x18f: {  	v17 =	vsel vm8, v18, v17;
	v5 =	vsel vm10, v5, v43;
	v1 =	vsel vm11, v1, v46  }
0x190: {  	v5 =	vsel vm11, v5, v49;
	v1 =	vsel vm12, v1, v10;
	v7 =	vmul.f32 v7, v32  }
0x191: {  	v6 =	vsel vm9, v17, v6;
	v5 =	vsel vm12, v5, v13;
	v1 =	vsel vm13, v1, v50  }
0x192: {  	v5 =	vsel vm13, v5, v51;
	v1 =	vsel vm14, v1, v25;
	v7 =	vmin.f32 v7, $1.000000000e+00  }
0x193: {  	v5 =	vsel vm14, v5, v40;
	v1 =	vadd.f32 v1, v1;
	v0 =	vmul.f32 v7, v0  }
0x194: {  	v2 =	vsel vm10, v3, v38;
	v6 =	vsel vm10, v6, v37;
	v5 =	vadd.f32 v5, v5  }
0x195: {  	v2 =	vsel vm11, v2, v52;
	v3 =	vsel vm11, v6, v48;
	v1 =	vadd.f32 v0, v1  }
0x196: {  	v55 =	vbroadcast v9, $0xF;
	v3 =	vsel vm12, v3, v53;
	v0 =	vadd.f32 v0, v5  }
0x197: {  	v2 =	vsel vm12, v2, v54;
	v3 =	vsel vm13, v3, v4;
	v1 =	vmul.f32 v1, v7  }
0x198: {  	v2 =	vsel vm13, v2, v55;
	v3 =	vsel vm14, v3, v26;
	v0 =	vmul.f32 v0, v7  }
0x199: {  	v2 =	vsel vm14, v2, v24;
	v1 =	vadd.f32 v1, v3  }
0x19a: {  	v0 =	vadd.f32 v0, v2  }
0x19b: {  	v1 =	vmax.f32 v1, $0.0e+00  }
0x19c: {  	v0 =	vmax.f32 v0, $0.0e+00;
	v56 =	vshra.s32 v1, $0x1;
	v57 =	vmul.f32 $5.000000000e-01, v1  }
0x19d: {  	v58 =	vshra.s32 v0, $0x1;
	v59 =	vmul.f32 $5.000000000e-01, v0;
	v2 =	vsub.s32 $0x5F3759DF, v56  }
0x19e: {  	v4 =	vsub.s32 $0x5F3759DF, v58;
	v60 =	vmul.f32 v2, v57  }
0x19f: {  	v61 =	vmul.f32 v4, v59  }
0x1a0: {  	v6 =	vmul.f32 v2, v60  }
0x1a1: {  	v7 =	vmul.f32 v4, v61  }
0x1a2: {  	v6 =	vsub.f32 $1.500000000e+00, v6  }
0x1a3: {  	v7 =	vsub.f32 $1.500000000e+00, v7  }
0x1a4: {  	v2 =	vmul.f32 v2, v6  }
0x1a5: {  	v4 =	vmul.f32 v4, v7  }
0x1a6: {  	v6 =	vmul.f32 v2, v57  }
0x1a7: {  	v7 =	vmul.f32 v4, v59  }
0x1a8: {  	v6 =	vmul.f32 v6, v2  }
0x1a9: {  	v7 =	vmul.f32 v7, v4  }
0x1aa: {  	v6 =	vsub.f32 $1.500000000e+00, v6  }
0x1ab: {  	v7 =	vsub.f32 $1.500000000e+00, v7  }
0x1ac: {  	v2 =	vmul.f32 v6, v2  }
0x1ad: {  	v4 =	vmul.f32 v7, v4  }
0x1ae: {  	v3 =	vmul.f32 v2, v57  }
0x1af: {  	v5 =	vmul.f32 v4, v59  }
0x1b0: {  	v63 =	vld [tilespmem:$0x1FFF0];
	v3 =	vmul.f32 v3, v2  }
0x1b1: {  	v5 =	vmul.f32 v5, v4  }
0x1b2: {  	v3 =	vsub.f32 $1.500000000e+00, v3  }
0x1b3: {  	v5 =	vsub.f32 $1.500000000e+00, v5  }
0x1b4: {  	p0 =	sne.s32 s26, $0x7;
	v2 =	vmul.f32 v3, v2  }
.Ltmp0:
0x1b5: {  	v62 =	vmul.f32 v5, v4;
	(pc) =	sbr.rel @p0 .LBB2_3-.Ltmp0, $4  }
0x1b6: {  	v1 =	vmul.f32 v2, v1  }
0x1b7: {  	s31 =	sshll.u32 s26, $0x4;
	v0 =	vmul.f32 v62, v0  }
0x1b8: {  	[tilespmem:v63+s31+$0x8200 ss:$0x1] =	vst.idx.msk $0xffff, v1  }
0x1b9: {  	s26 =	sadd.s32 $0x1, s26;
	[tilespmem:v63+s31+$0x8400 ss:$0x1] =	vst.idx.msk $0xffff, v0  }
0x1ba: {  	s25 =	sadd.s32 $0x1, s25  }
0x1bb: {  	p0 =	sne.s32 s25, $0x4  }
.Ltmp1:
0x1bc: {  	_ = 	snop;
	(pc) =	sbr.rel @p0 .LBB2_2-.Ltmp1, $1  }
0x1bd: {  	_ =	sdelay $0x3  }
0x1be: {  	[hbm4b:s10+s6] =	stream.linear.scatter [tilespmem:s22], [sflag:$0x2], $0x200, $0x38;
	[tilespmem:$0x8600] =	vst v63  }
0x1bf: {  	s24 =	sadd.s32 $0x1, s24;
	_ =	swait.ge [sflag:s13], $0x200  }
0x1c0: {  	p0 =	sne.s32 s24, s12;
	[sflag:s13] =	ssyncset.done $0x0  }
.Ltmp2:
0x1c1: {  	[sflag:s13] =	ssyncadd.s32 $0xFFFFFE00;
	(pc) =	sbr.rel @p0 .LBB2_1-.Ltmp2, $4  }
0x1c2: {  	[hbm4b:s11+s6] =	stream.linear.scatter [tilespmem:s23], [sflag:$0x2], $0x200, $0x38;
	[tilespmem:$0x8600] =	vst v63  }
0x1c3: {  	_ =	swait.ge [sflag:s13], $0x200  }
0x1c4: {  	[sflag:s13] =	ssyncset.done $0x0  }
0x1c5: {  	[sflag:s13] =	ssyncadd.s32 $0xFFFFFE00  }
0x1c6: {  	_ =	sfence.sel $0x180000  }
0x1c7: {  	[bflag:$0x0] =	sbarrier.arrive $0xFFFF  }
0x1c8: {  	p0 =	sne.s32 s5, $0x0;
	_ =	strace $0x90000047  }
0x1c9: {  	s0 =	sadd.s32 @!p0 $0x100000, s1;
	[bflag:$0x2] =	sbarrier.arrive $0xFFFF  }
0x1ca: {  	[sflag:s0] =	ssyncadd.tile.s32 @!p0 $0x1;
	_ =	shalt  }
.Lfunc_end2:
_tile_overlayer_lowered:
.L_overlay_start_2:
0x1cb: {  	(tag) =	ssettag $0x2  }
0x1cc: {  	s0 =	rddreg [dreg:$0x0];
	s2 =	stileid.u32  }
0x1cd: {  	s1 =	rddreg [dreg:$0x1];
	p0 =	sne.s32 s2, $0x0  }
0x1ce: {  	s3 =	rddreg [dreg:$0x2];
	[bflag:$0x3] =	sbarrier.arrive $0xFFFF;
	s2 =	simm.s32 @!p0 $0x1C02  }
0x1cf: {  	[timem:s3], [sflag:s2] =	dma.local @!p0 [hbm:s0], s1  }
0x1d0: {  	s0 =	simm.s32 @!p0 $0x2  }
0x1d1: {  	_ =	swait.ge @!p0 [sflag:s0], s1  }
0x1d2: {  	s1 =	ssub.s32 @!p0 $0x0, s1;
	[sflag:s0] =	ssyncset.done @!p0 $0x0  }
0x1d3: {  	[sflag:s0] =	ssyncadd.s32 @!p0 s1  }
0x1d4: {  	[bflag:$0x3] =	sbarrier.arrive $0xFFFF  }
0x1d5: {  	_ =	shalt  }

</sc_bundles>
